<compile_context>
chip_gen: v7x
topology: tpu7x:2x2x1
jax: 0.10.2.dev20260603
libtpu: 0.0.44.dev20260713+nightly
codegen_flags: <defaults>
</compile_context>

<pallas_src>
import functools

import jax
import jax.numpy as jnp
from jax import lax
from jax.experimental import pallas as pl
from jax.experimental.pallas import tpu as pltpu
from jax.experimental.pallas import tpu_sc as plsc

B = 8
N = 4096
F = 64
E = 131072
IN_DIM = N * F
H = 128
L = 64

NC = 2
NS = 16
GPC = B // NC
EPT = E // NS
CH = 128
NCHUNK = EPT // CH
NBUF = 8
LOOK = 4
RPT = N // NS

_f32 = jnp.float32
_bf16 = jnp.bfloat16


def _sc_agg_body(x_hbm, ei_hbm, sums_hbm, cnt_hbm,
                 src_v, dst_v, rb0, rb1, rb2, rb3, rb4, rb5, rb6, rb7,
                 hist_v, zbuf, cacc_v, ctmp_v, acc_sh, cntp_sh,
                 gs0, gs1, gs2, gs3, gs4, gs5, gs6, gs7,
                 ss0, ss1, ss2, ss3, ss4, ss5, ss6, ss7):
    c = lax.axis_index("c")
    s = lax.axis_index("s")
    rbufs = (rb0, rb1, rb2, rb3, rb4, rb5, rb6, rb7)
    gsems = (gs0, gs1, gs2, gs3, gs4, gs5, gs6, gs7)
    ssems = (ss0, ss1, ss2, ss3, ss4, ss5, ss6, ss7)
    zeros16 = jnp.zeros((16,), _f32)
    ones16 = jnp.ones((16,), _f32)
    zeros32 = jnp.zeros((32,), _bf16)

    def _zb(i, _):
        zbuf[i // (F // 32), pl.ds((i % (F // 32)) * 32, 32)] = zeros32
        return 0
    lax.fori_loop(0, RPT * (F // 32), _zb, 0)

    for r0 in range(GPC):
        pltpu.sync_copy(zbuf, acc_sh.at[pl.ds(r0 * N + s * RPT, RPT)])

    def _zh(i, __):
        hist_v[pl.ds(i * 16, 16)] = zeros16
        return 0
    lax.fori_loop(0, GPC * N // 16, _zh, 0)
    plsc.subcore_barrier()

    def _round(r, _):
        g = c * GPC + r

        cp_s = pltpu.async_copy(ei_hbm.at[g, 0, s], src_v, gs0)
        cp_d = pltpu.async_copy(ei_hbm.at[g, 1, s], dst_v, gs1)
        cp_s.wait()
        cp_d.wait()
        roff = (r * N).astype(jnp.int32) + jnp.zeros((16,), jnp.int32)

        def _off(i, __):
            j = i // (CH // 16)
            sl = pl.ds((i % (CH // 16)) * 16, 16)
            dst_v[j, sl] = dst_v[j, sl] + roff
            return 0
        lax.fori_loop(0, NCHUNK * (CH // 16), _off, 0)

        for p in range(LOOK):
            pltpu.async_copy(x_hbm.at[g].at[src_v.at[p]], rbufs[p], gsems[p])

        def _wait_scatter(p, j):
            pltpu.make_async_copy(rbufs[p], acc_sh.at[dst_v.at[j]],
                                  ssems[p]).wait()

        def _outer(k, __):
            for p in range(NBUF):
                j = k * NBUF + p
                pltpu.make_async_copy(x_hbm.at[g].at[src_v.at[j]], rbufs[p],
                                      gsems[p]).wait()
                for v in range(CH // 16):
                    dvec = dst_v[j, pl.ds(v * 16, 16)]
                    plsc.addupdate_scatter(hist_v, [dvec], ones16)
                pltpu.async_copy(rbufs[p], acc_sh.at[dst_v.at[j]], ssems[p],
                                 add=True)
                j2 = j + LOOK
                p2 = (p + LOOK) % NBUF

                @pl.when(j2 >= NBUF)
                def _():
                    _wait_scatter(p2, j)

                @pl.when(j2 < NCHUNK)
                def _():
                    pltpu.async_copy(x_hbm.at[g].at[src_v.at[j2]], rbufs[p2],
                                     gsems[p2])
            return 0
        lax.fori_loop(0, NCHUNK // NBUF, _outer, 0)
        for p in range(LOOK, NBUF):
            _wait_scatter(p, p)

        return 0

    lax.fori_loop(0, GPC, _round, 0)

    def _pub(r, _):
        pltpu.sync_copy(hist_v.at[pl.ds(r * N, N)], cntp_sh.at[r, s])
        return 0
    lax.fori_loop(0, GPC, _pub, 0)
    plsc.subcore_barrier()

    def _export(r, _):
        g = c * GPC + r
        pltpu.sync_copy(acc_sh.at[pl.ds(r * N + s * RPT, RPT)],
                        sums_hbm.at[pl.ds(g * N + s * RPT, RPT)])
        pltpu.sync_copy(cntp_sh.at[r, :, pl.ds(s * RPT, RPT)], ctmp_v)
        for q in range(RPT // 16):
            sl = pl.ds(q * 16, 16)
            acc = ctmp_v[0, sl]
            for t in range(1, NS):
                acc = acc + ctmp_v[t, sl]
            cacc_v[sl] = acc
        pltpu.sync_copy(cacc_v, cnt_hbm.at[g * NS + s])
        return 0
    lax.fori_loop(0, GPC, _export, 0)


_sc_agg = functools.partial(
    pl.kernel,
    out_type=(jax.ShapeDtypeStruct((B * N, F), _bf16),
              jax.ShapeDtypeStruct((B * NS, RPT), _f32)),
    mesh=plsc.VectorSubcoreMesh(core_axis_name="c", subcore_axis_name="s",
                                num_cores=NC, num_subcores=NS),
    compiler_params=pltpu.CompilerParams(needs_layout_passes=False,
                                         use_tc_tiling_on_sc=False),
    scratch_types=[
        pltpu.VMEM((NCHUNK, CH), jnp.int32),
        pltpu.VMEM((NCHUNK, CH), jnp.int32),
        *([pltpu.VMEM((CH, F), _bf16)] * NBUF),
        pltpu.VMEM((GPC * N,), _f32),
        pltpu.VMEM((RPT, F), _bf16),
        pltpu.VMEM((RPT,), _f32),
        pltpu.VMEM((NS, RPT), _f32),
        pltpu.VMEM_SHARED((GPC * N, F), _bf16),
        pltpu.VMEM_SHARED((GPC, NS, N), _f32),
        *([pltpu.SemaphoreType.DMA] * (2 * NBUF)),
    ],
)(_sc_agg_body)


def _conv_body(sums_ref, cnt_ref, x_ref, wm_ref, bm_ref, out_ref):
    cnt = cnt_ref[...]
    g = sums_ref[...].astype(_f32) / jnp.maximum(cnt, 1.0)
    m = jnp.dot(g, wm_ref[...], preferred_element_type=_f32)
    v = m + bm_ref[...] * (cnt > 0).astype(_f32) + x_ref[...]
    out_ref[...] = jnp.where(v >= 0, v, 0.01 * v).astype(_bf16)


_CONV_RB = 8192


def _conv(sums2d, cnt2d, x2d, W_msg, b_msg_row):
    rows = B * N
    return pl.pallas_call(
        _conv_body,
        grid=(rows // _CONV_RB,),
        in_specs=[
            pl.BlockSpec((_CONV_RB, F), lambda i: (i, 0)),
            pl.BlockSpec((_CONV_RB, 1), lambda i: (i, 0)),
            pl.BlockSpec((_CONV_RB, F), lambda i: (i, 0)),
            pl.BlockSpec((F, F), lambda i: (0, 0)),
            pl.BlockSpec((1, F), lambda i: (0, 0)),
        ],
        out_specs=pl.BlockSpec((_CONV_RB, F), lambda i: (i, 0)),
        out_shape=jax.ShapeDtypeStruct((rows, F), _bf16),
    )(sums2d, cnt2d, x2d, W_msg, b_msg_row)


def _enc_body(xs_ref, w1_ref, b1_ref, wm_ref, bm_ref, wl_ref, bl_ref,
              wd_ref, bd_ref, eps_ref, mean_ref, lv_ref, d1_ref, acc_ref):
    k = pl.program_id(0)

    @pl.when(k == 0)
    def _():
        acc_ref[...] = jnp.zeros_like(acc_ref)

    acc_ref[...] += jnp.dot(xs_ref[...].astype(_f32), w1_ref[...],
                            preferred_element_type=_f32)

    @pl.when(k == pl.num_programs(0) - 1)
    def _():
        h = jnp.maximum(acc_ref[...] + b1_ref[...], 0.0)
        mean = jnp.dot(h, wm_ref[...], preferred_element_type=_f32) \
            + bm_ref[...]
        lv = jnp.dot(h, wl_ref[...], preferred_element_type=_f32) \
            + bl_ref[...]
        z = mean + jnp.exp(0.5 * lv) * eps_ref[...]
        d1 = jnp.dot(z, wd_ref[...], preferred_element_type=_f32) \
            + bd_ref[...]
        mean_ref[...] = mean
        lv_ref[...] = lv
        d1_ref[...] = jnp.maximum(d1, 0.0)


_ENC_KB = 8192


def _enc(xs, enc_W1, b1_row, W_mean, bm_row, W_logvar, bl_row,
         dec_W1, db1_row, eps):
    full = lambda a, b: pl.BlockSpec((a, b), lambda k: (0, 0))
    return pl.pallas_call(
        _enc_body,
        grid=(IN_DIM // _ENC_KB,),
        in_specs=[
            pl.BlockSpec((B, _ENC_KB), lambda k: (0, k)),
            pl.BlockSpec((_ENC_KB, H), lambda k: (k, 0)),
            full(1, H), full(H, L), full(1, L), full(H, L), full(1, L),
            full(L, H), full(1, H), full(B, L),
        ],
        out_specs=(full(B, L), full(B, L), full(B, H)),
        out_shape=(jax.ShapeDtypeStruct((B, L), _f32),
                   jax.ShapeDtypeStruct((B, L), _f32),
                   jax.ShapeDtypeStruct((B, H), _f32)),
        scratch_shapes=[pltpu.VMEM((B, H), _f32)],
    )(xs, enc_W1, b1_row, W_mean, bm_row, W_logvar, bl_row,
      dec_W1, db1_row, eps)


def _dec_body(d1_ref, w2_ref, b2_ref, out_ref):
    y = jnp.dot(d1_ref[...], w2_ref[...], preferred_element_type=_f32)
    out_ref[...] = jax.nn.sigmoid(y + b2_ref[...])


_DEC_CB = 8192


def _dec(d1, dec_W2, b2_row):
    return pl.pallas_call(
        _dec_body,
        grid=(IN_DIM // _DEC_CB,),
        in_specs=[
            pl.BlockSpec((B, H), lambda j: (0, 0)),
            pl.BlockSpec((H, _DEC_CB), lambda j: (0, j)),
            pl.BlockSpec((1, _DEC_CB), lambda j: (0, j)),
        ],
        out_specs=pl.BlockSpec((B, _DEC_CB), lambda j: (0, j)),
        out_shape=jax.ShapeDtypeStruct((B, IN_DIM), _f32),
    )(d1, dec_W2, b2_row)


def kernel(x, edge_index, W_msg, b_msg, enc_W1, enc_b1, W_mean, b_mean,
           W_logvar, b_logvar, dec_W1, dec_b1, dec_W2, dec_b2):
    x2d = x.reshape(B * N, F)
    ei_r = edge_index.reshape(B, 2, NS, NCHUNK, CH)

    xbf = x.astype(jnp.bfloat16)
    sums2d, cnt = _sc_agg(xbf, ei_r)
    cnt2d = cnt.reshape(B * N, 1)

    h2d = _conv(sums2d, cnt2d, x2d, W_msg, b_msg.reshape(1, F))
    xs = h2d.reshape(B, IN_DIM)
    eps = jax.random.normal(jax.random.key(42), (B, L), dtype=_f32)
    mean, log_var, d1 = _enc(xs, enc_W1, enc_b1.reshape(1, H),
                             W_mean, b_mean.reshape(1, L),
                             W_logvar, b_logvar.reshape(1, L),
                             dec_W1, dec_b1.reshape(1, H), eps)
    x_hat = _dec(d1, dec_W2, dec_b2.reshape(1, IN_DIM))
    return (x_hat, mean, log_var)

# --- scband reference (transcript-rebuilt; emitter-appended) ---
"""Pipeline reference for scband-gnnvariational-example-27925877358777 (READ-ONLY COPY).

The authoritative reference and input builder live on the scoring server;
editing this copy changes nothing except your own understanding.
"""

import jax, jax.numpy as jnp
import numpy as np

B = 8
N = 4096
F = 64
E = 131072
IN_DIM = N * F  # 262144
H = 128
L = 64


def setup_inputs(seed: int = 0) -> dict:
    key = jax.random.key(seed)
    ks = jax.random.split(key, 16)
    x = jax.random.normal(ks[0], (B, N, F), dtype=jnp.float32)
    edge_index = jax.random.randint(ks[1], (B, 2, E), 0, N, dtype=jnp.int32)
    # GeneralConv(aggr='mean') message linear (in==out so self-path is identity)
    W_msg = jax.random.normal(ks[2], (F, F), dtype=jnp.float32) * (1.0 / np.sqrt(F))
    b_msg = jnp.zeros((F,), dtype=jnp.float32)
    # Variational encoder
    enc_W1 = jax.random.normal(ks[3], (IN_DIM, H), dtype=jnp.float32) * (1.0 / np.sqrt(IN_DIM))
    enc_b1 = jnp.zeros((H,), dtype=jnp.float32)
    W_mean = jax.random.normal(ks[4], (H, L), dtype=jnp.float32) * (1.0 / np.sqrt(H))
    b_mean = jnp.zeros((L,), dtype=jnp.float32)
    W_logvar = jax.random.normal(ks[5], (H, L), dtype=jnp.float32) * (1.0 / np.sqrt(H))
    b_logvar = jnp.zeros((L,), dtype=jnp.float32)
    # Variational decoder
    dec_W1 = jax.random.normal(ks[6], (L, H), dtype=jnp.float32) * (1.0 / np.sqrt(L))
    dec_b1 = jnp.zeros((H,), dtype=jnp.float32)
    dec_W2 = jax.random.normal(ks[7], (H, IN_DIM), dtype=jnp.float32) * (1.0 / np.sqrt(H))
    dec_b2 = jnp.zeros((IN_DIM,), dtype=jnp.float32)
    return {
        "x": x, "edge_index": edge_index,
        "W_msg": W_msg, "b_msg": b_msg,
        "enc_W1": enc_W1, "enc_b1": enc_b1,
        "W_mean": W_mean, "b_mean": b_mean,
        "W_logvar": W_logvar, "b_logvar": b_logvar,
        "dec_W1": dec_W1, "dec_b1": dec_b1,
        "dec_W2": dec_W2, "dec_b2": dec_b2,
    }


def reference(x, edge_index, W_msg, b_msg, enc_W1, enc_b1, W_mean, b_mean,
              W_logvar, b_logvar, dec_W1, dec_b1, dec_W2, dec_b2):
    def conv_one(xb, eb):
        src = eb[0]
        dst = eb[1]
        msg = xb[src] @ W_msg + b_msg                      # gather + linear message
        s = jax.ops.segment_sum(msg, dst, num_segments=N)  # scatter-add
        cnt = jax.ops.segment_sum(jnp.ones((E,), dtype=xb.dtype), dst, num_segments=N)
        mean_agg = s / jnp.maximum(cnt, 1.0)[:, None]      # aggr='mean'
        h = mean_agg + xb                                   # identity self-connection (in==out)
        h = jax.nn.leaky_relu(h, negative_slope=0.01)       # LeakyReLU
        # nn.Dropout(p=0.1) is identity at inference
        return h

    h = jax.vmap(conv_one)(x, edge_index)                   # per-graph convolution loop
    xs = h.reshape(B, IN_DIM)                               # torch.reshape(xs, (len(data), input_dim))
    # Variational autoencoder
    h1 = jax.nn.relu(xs @ enc_W1 + enc_b1)
    mean = h1 @ W_mean + b_mean
    log_var = h1 @ W_logvar + b_logvar
    eps = jax.random.normal(jax.random.key(42), mean.shape, dtype=mean.dtype)
    z = mean + jnp.exp(0.5 * log_var) * eps                 # reparameterization
    d1 = jax.nn.relu(z @ dec_W1 + dec_b1)
    x_hat = jax.nn.sigmoid(d1 @ dec_W2 + dec_b2)
    return (x_hat, mean, log_var)

if __name__ == "__main__":
    import jax
    _d = setup_inputs()
    print(jax.jit(kernel)(*tuple(_d.values())))

</pallas_src>

<mosaic_0001>
#map = affine_map<(d0, d1) -> (0, 0, 0)>
#map1 = affine_map<(d0, d1) -> (0, 0, 0, 0, 0)>
#map2 = affine_map<(d0, d1) -> (0, 0)>
module attributes {stable_mosaic.version = 14 : i64} {
  func.func @_sc_agg_body(%arg0: i32, %arg1: i32, %arg2: memref<8x4096x64xbf16, #tpu.memory_space<hbm>>, %arg3: memref<8x2x16x64x128xi32, #tpu.memory_space<hbm>>, %arg4: memref<32768x64xbf16, #tpu.memory_space<hbm>>, %arg5: memref<128x256xf32, #tpu.memory_space<hbm>>, %arg6: memref<64x128xi32, #tpu.memory_space<vmem>>, %arg7: memref<64x128xi32, #tpu.memory_space<vmem>>, %arg8: memref<128x64xbf16, #tpu.memory_space<vmem>>, %arg9: memref<128x64xbf16, #tpu.memory_space<vmem>>, %arg10: memref<128x64xbf16, #tpu.memory_space<vmem>>, %arg11: memref<128x64xbf16, #tpu.memory_space<vmem>>, %arg12: memref<128x64xbf16, #tpu.memory_space<vmem>>, %arg13: memref<128x64xbf16, #tpu.memory_space<vmem>>, %arg14: memref<128x64xbf16, #tpu.memory_space<vmem>>, %arg15: memref<128x64xbf16, #tpu.memory_space<vmem>>, %arg16: memref<16384xf32, #tpu.memory_space<vmem>>, %arg17: memref<256x64xbf16, #tpu.memory_space<vmem>>, %arg18: memref<256xf32, #tpu.memory_space<vmem>>, %arg19: memref<16x256xf32, #tpu.memory_space<vmem>>, %arg20: memref<16384x64xbf16, #tpu.memory_space<vmem_shared>>, %arg21: memref<4x16x4096xf32, #tpu.memory_space<vmem_shared>>, %arg22: memref<!tpu.dma_semaphore, #tpu.memory_space<semaphore_mem>>, %arg23: memref<!tpu.dma_semaphore, #tpu.memory_space<semaphore_mem>>, %arg24: memref<!tpu.dma_semaphore, #tpu.memory_space<semaphore_mem>>, %arg25: memref<!tpu.dma_semaphore, #tpu.memory_space<semaphore_mem>>, %arg26: memref<!tpu.dma_semaphore, #tpu.memory_space<semaphore_mem>>, %arg27: memref<!tpu.dma_semaphore, #tpu.memory_space<semaphore_mem>>, %arg28: memref<!tpu.dma_semaphore, #tpu.memory_space<semaphore_mem>>, %arg29: memref<!tpu.dma_semaphore, #tpu.memory_space<semaphore_mem>>, %arg30: memref<!tpu.dma_semaphore, #tpu.memory_space<semaphore_mem>>, %arg31: memref<!tpu.dma_semaphore, #tpu.memory_space<semaphore_mem>>, %arg32: memref<!tpu.dma_semaphore, #tpu.memory_space<semaphore_mem>>, %arg33: memref<!tpu.dma_semaphore, #tpu.memory_space<semaphore_mem>>, %arg34: memref<!tpu.dma_semaphore, #tpu.memory_space<semaphore_mem>>, %arg35: memref<!tpu.dma_semaphore, #tpu.memory_space<semaphore_mem>>, %arg36: memref<!tpu.dma_semaphore, #tpu.memory_space<semaphore_mem>>, %arg37: memref<!tpu.dma_semaphore, #tpu.memory_space<semaphore_mem>>) attributes {dimension_semantics = [#tpu.dimension_semantics<core_parallel>, #tpu.dimension_semantics<subcore_parallel>], iteration_bounds = array<i64: 2, 16>, scalar_prefetch = 0 : i64, scratch_operands = 32 : i64, tpu.core_type = #tpu.core_type<sc_vector_subcore>, window_params = [{transform_indices = #map}, {transform_indices = #map1}, {transform_indices = #map2}, {transform_indices = #map2}]} {
    %broadcast_in_dim3A = arith.constant 0.000000e+00 : f32
    %broadcast_in_dim3A_0 = vector.broadcast %broadcast_in_dim3A : f32 to vector<16xf32>
    %broadcast_in_dim3A_1 = arith.constant 1.000000e+00 : f32
    %broadcast_in_dim3A_2 = vector.broadcast %broadcast_in_dim3A_1 : f32 to vector<16xf32>
    %broadcast_in_dim3A_3 = arith.constant 0.000000e+00 : bf16
    %broadcast_in_dim3A_4 = vector.broadcast %broadcast_in_dim3A_3 : bf16 to vector<32xbf16>
    %scan3A = arith.constant 0 : i32
    %scan3A_5 = arith.constant 0 : i32
    %scan3A_6 = arith.constant 512 : i32
    %scan3A_7 = arith.addi %scan3A_5, %scan3A_6 : i32
    %scan3A_8 = arith.constant 1 : i32
    %scan3A_9 = scf.for %scan3A_54 = %scan3A_5 to %scan3A_7 step %scan3A_8 iter_args(%scan3A_55 = %scan3A) -> (i32)  : i32 {
      %jit3A = arith.constant 2 : i32
      %div3A = arith.divsi %scan3A_54, %jit3A : i32
      %sign3A = arith.constant 0 : i32
      %sign3A_56 = arith.cmpi sgt, %scan3A_54, %sign3A : i32
      %sign3A_57 = arith.extui %sign3A_56 : i1 to i32
      %sign3A_58 = arith.constant 0 : i32
      %sign3A_59 = arith.cmpi slt, %scan3A_54, %sign3A_58 : i32
      %sign3A_60 = arith.extui %sign3A_59 : i1 to i32
      %sign3A_61 = arith.subi %sign3A_57, %sign3A_60 : i32
      %sign3A_62 = arith.constant 0 : i32
      %sign3A_63 = arith.cmpi sgt, %jit3A, %sign3A_62 : i32
      %sign3A_64 = arith.extui %sign3A_63 : i1 to i32
      %sign3A_65 = arith.constant 0 : i32
      %sign3A_66 = arith.cmpi slt, %jit3A, %sign3A_65 : i32
      %sign3A_67 = arith.extui %sign3A_66 : i1 to i32
      %sign3A_68 = arith.subi %sign3A_64, %sign3A_67 : i32
      %ne3A = arith.cmpi ne, %sign3A_61, %sign3A_68 : i32
      %rem3A = arith.remsi %scan3A_54, %jit3A : i32
      %ne3A_69 = arith.constant 0 : i32
      %ne3A_70 = arith.cmpi ne, %rem3A, %ne3A_69 : i32
      %and3A = arith.andi %ne3A, %ne3A_70 : i1
      %sub3A = arith.constant 1 : i32
      %sub3A_71 = arith.subi %div3A, %sub3A : i32
      %select_n3A = arith.select %and3A, %sub3A_71, %div3A : i32
      %jit3A_72 = arith.constant 2 : i32
      %eq3A = arith.constant 0 : i32
      %eq3A_73 = arith.cmpi eq, %jit3A_72, %eq3A : i32
      %jit3A_74 = arith.constant 1 : i32
      %select_n3A_75 = arith.select %eq3A_73, %jit3A_74, %jit3A_72 : i32
      %rem3A_76 = arith.remsi %scan3A_54, %select_n3A_75 : i32
      %ne3A_77 = arith.constant 0 : i32
      %ne3A_78 = arith.cmpi ne, %rem3A_76, %ne3A_77 : i32
      %lt3A = arith.constant 0 : i32
      %lt3A_79 = arith.cmpi slt, %rem3A_76, %lt3A : i32
      %lt3A_80 = arith.constant 0 : i32
      %lt3A_81 = arith.cmpi slt, %select_n3A_75, %lt3A_80 : i32
      %ne3A_82 = arith.xori %lt3A_79, %lt3A_81 : i1
      %and3A_83 = arith.andi %ne3A_82, %ne3A_78 : i1
      %add3A_84 = arith.addi %rem3A_76, %select_n3A_75 : i32
      %select_n3A_85 = arith.select %and3A_83, %add3A_84, %rem3A_76 : i32
      %mul3A_86 = arith.constant 32 : i32
      %mul3A_87 = arith.muli %select_n3A_85, %mul3A_86 : i32
      %swap3A = arith.index_cast %select_n3A : i32 to index
      %swap3A_88 = arith.index_cast %mul3A_87 : i32 to index
      %swap3A_89 = tpu.vector_load %arg17[%swap3A, %swap3A_88] {strides = array<i32>} : memref<256x64xbf16, #tpu.memory_space<vmem>>, vector<32xbf16>,
      tpu.vector_store %arg17[%swap3A, %swap3A_88], %broadcast_in_dim3A_4 {strides = array<i32>} : memref<256x64xbf16, #tpu.memory_space<vmem>>, vector<32xbf16>,
      %scan3A_90 = arith.constant 0 : i32
      scf.yield %scan3A_90 : i32
    }
    %scan3A_10 = arith.constant 512 : i32
    %mul3A = arith.constant 256 : i32
    %mul3A_11 = arith.muli %arg1, %mul3A : i32
    %add3A = arith.constant 0 : i32
    %add3A_12 = arith.addi %add3A, %mul3A_11 : i32
    "tpu.region"() ({
      %run_scoped3A = tpu.sem_alloc : memref<!tpu.dma_semaphore, #tpu.memory_space<semaphore_mem>>
      %dma_start3A = arith.constant 0 : i32
      %dma_start3A_54 = tpu.memref_slice %arg20[%add3A_12, %dma_start3A] : memref<16384x64xbf16, #tpu.memory_space<vmem_shared>> -> memref<256x64xbf16, #tpu.memory_space<vmem_shared>>
      %dma_start3A_55 = arith.constant 0 : i32
      %dma_start3A_56 = tpu.memref_slice %arg20[%add3A_12, %dma_start3A_55] : memref<16384x64xbf16, #tpu.memory_space<vmem_shared>> -> memref<256x64xbf16, #tpu.memory_space<vmem_shared>>
      tpu.enqueue_dma source(%arg17 : memref<256x64xbf16, #tpu.memory_space<vmem>>) target(%dma_start3A_56 : memref<256x64xbf16, #tpu.memory_space<vmem_shared>>) target_semaphore(%run_scoped3A : memref<!tpu.dma_semaphore, #tpu.memory_space<semaphore_mem>>)
      %dma_wait3A = arith.constant 0 : i32
      %dma_wait3A_57 = tpu.memref_slice %arg20[%add3A_12, %dma_wait3A] : memref<16384x64xbf16, #tpu.memory_space<vmem_shared>> -> memref<256x64xbf16, #tpu.memory_space<vmem_shared>>
      %dma_wait3A_58 = arith.constant 0 : i32
      %dma_wait3A_59 = tpu.memref_slice %arg20[%add3A_12, %dma_wait3A_58] : memref<16384x64xbf16, #tpu.memory_space<vmem_shared>> -> memref<256x64xbf16, #tpu.memory_space<vmem_shared>>
      tpu.wait_dma2 semaphore(%run_scoped3A : memref<!tpu.dma_semaphore, #tpu.memory_space<semaphore_mem>>) src(%arg17 : memref<256x64xbf16, #tpu.memory_space<vmem>>) dst(%dma_wait3A_59 : memref<256x64xbf16, #tpu.memory_space<vmem_shared>>)
      tpu.yield
    }) : () -> ()
    %mul3A_13 = arith.constant 256 : i32
    %mul3A_14 = arith.muli %arg1, %mul3A_13 : i32
    %add3A_15 = arith.constant 4096 : i32
    %add3A_16 = arith.addi %add3A_15, %mul3A_14 : i32
    "tpu.region"() ({
      %run_scoped3A = tpu.sem_alloc : memref<!tpu.dma_semaphore, #tpu.memory_space<semaphore_mem>>
      %dma_start3A = arith.constant 0 : i32
      %dma_start3A_54 = tpu.memref_slice %arg20[%add3A_16, %dma_start3A] : memref<16384x64xbf16, #tpu.memory_space<vmem_shared>> -> memref<256x64xbf16, #tpu.memory_space<vmem_shared>>
      %dma_start3A_55 = arith.constant 0 : i32
      %dma_start3A_56 = tpu.memref_slice %arg20[%add3A_16, %dma_start3A_55] : memref<16384x64xbf16, #tpu.memory_space<vmem_shared>> -> memref<256x64xbf16, #tpu.memory_space<vmem_shared>>
      tpu.enqueue_dma source(%arg17 : memref<256x64xbf16, #tpu.memory_space<vmem>>) target(%dma_start3A_56 : memref<256x64xbf16, #tpu.memory_space<vmem_shared>>) target_semaphore(%run_scoped3A : memref<!tpu.dma_semaphore, #tpu.memory_space<semaphore_mem>>)
      %dma_wait3A = arith.constant 0 : i32
      %dma_wait3A_57 = tpu.memref_slice %arg20[%add3A_16, %dma_wait3A] : memref<16384x64xbf16, #tpu.memory_space<vmem_shared>> -> memref<256x64xbf16, #tpu.memory_space<vmem_shared>>
      %dma_wait3A_58 = arith.constant 0 : i32
      %dma_wait3A_59 = tpu.memref_slice %arg20[%add3A_16, %dma_wait3A_58] : memref<16384x64xbf16, #tpu.memory_space<vmem_shared>> -> memref<256x64xbf16, #tpu.memory_space<vmem_shared>>
      tpu.wait_dma2 semaphore(%run_scoped3A : memref<!tpu.dma_semaphore, #tpu.memory_space<semaphore_mem>>) src(%arg17 : memref<256x64xbf16, #tpu.memory_space<vmem>>) dst(%dma_wait3A_59 : memref<256x64xbf16, #tpu.memory_space<vmem_shared>>)
      tpu.yield
    }) : () -> ()
    %mul3A_17 = arith.constant 256 : i32
    %mul3A_18 = arith.muli %arg1, %mul3A_17 : i32
    %add3A_19 = arith.constant 8192 : i32
    %add3A_20 = arith.addi %add3A_19, %mul3A_18 : i32
    "tpu.region"() ({
      %run_scoped3A = tpu.sem_alloc : memref<!tpu.dma_semaphore, #tpu.memory_space<semaphore_mem>>
      %dma_start3A = arith.constant 0 : i32
      %dma_start3A_54 = tpu.memref_slice %arg20[%add3A_20, %dma_start3A] : memref<16384x64xbf16, #tpu.memory_space<vmem_shared>> -> memref<256x64xbf16, #tpu.memory_space<vmem_shared>>
      %dma_start3A_55 = arith.constant 0 : i32
      %dma_start3A_56 = tpu.memref_slice %arg20[%add3A_20, %dma_start3A_55] : memref<16384x64xbf16, #tpu.memory_space<vmem_shared>> -> memref<256x64xbf16, #tpu.memory_space<vmem_shared>>
      tpu.enqueue_dma source(%arg17 : memref<256x64xbf16, #tpu.memory_space<vmem>>) target(%dma_start3A_56 : memref<256x64xbf16, #tpu.memory_space<vmem_shared>>) target_semaphore(%run_scoped3A : memref<!tpu.dma_semaphore, #tpu.memory_space<semaphore_mem>>)
      %dma_wait3A = arith.constant 0 : i32
      %dma_wait3A_57 = tpu.memref_slice %arg20[%add3A_20, %dma_wait3A] : memref<16384x64xbf16, #tpu.memory_space<vmem_shared>> -> memref<256x64xbf16, #tpu.memory_space<vmem_shared>>
      %dma_wait3A_58 = arith.constant 0 : i32
      %dma_wait3A_59 = tpu.memref_slice %arg20[%add3A_20, %dma_wait3A_58] : memref<16384x64xbf16, #tpu.memory_space<vmem_shared>> -> memref<256x64xbf16, #tpu.memory_space<vmem_shared>>
      tpu.wait_dma2 semaphore(%run_scoped3A : memref<!tpu.dma_semaphore, #tpu.memory_space<semaphore_mem>>) src(%arg17 : memref<256x64xbf16, #tpu.memory_space<vmem>>) dst(%dma_wait3A_59 : memref<256x64xbf16, #tpu.memory_space<vmem_shared>>)
      tpu.yield
    }) : () -> ()
    %mul3A_21 = arith.constant 256 : i32
    %mul3A_22 = arith.muli %arg1, %mul3A_21 : i32
    %add3A_23 = arith.constant 12288 : i32
    %add3A_24 = arith.addi %add3A_23, %mul3A_22 : i32
    "tpu.region"() ({
      %run_scoped3A = tpu.sem_alloc : memref<!tpu.dma_semaphore, #tpu.memory_space<semaphore_mem>>
      %dma_start3A = arith.constant 0 : i32
      %dma_start3A_54 = tpu.memref_slice %arg20[%add3A_24, %dma_start3A] : memref<16384x64xbf16, #tpu.memory_space<vmem_shared>> -> memref<256x64xbf16, #tpu.memory_space<vmem_shared>>
      %dma_start3A_55 = arith.constant 0 : i32
      %dma_start3A_56 = tpu.memref_slice %arg20[%add3A_24, %dma_start3A_55] : memref<16384x64xbf16, #tpu.memory_space<vmem_shared>> -> memref<256x64xbf16, #tpu.memory_space<vmem_shared>>
      tpu.enqueue_dma source(%arg17 : memref<256x64xbf16, #tpu.memory_space<vmem>>) target(%dma_start3A_56 : memref<256x64xbf16, #tpu.memory_space<vmem_shared>>) target_semaphore(%run_scoped3A : memref<!tpu.dma_semaphore, #tpu.memory_space<semaphore_mem>>)
      %dma_wait3A = arith.constant 0 : i32
      %dma_wait3A_57 = tpu.memref_slice %arg20[%add3A_24, %dma_wait3A] : memref<16384x64xbf16, #tpu.memory_space<vmem_shared>> -> memref<256x64xbf16, #tpu.memory_space<vmem_shared>>
      %dma_wait3A_58 = arith.constant 0 : i32
      %dma_wait3A_59 = tpu.memref_slice %arg20[%add3A_24, %dma_wait3A_58] : memref<16384x64xbf16, #tpu.memory_space<vmem_shared>> -> memref<256x64xbf16, #tpu.memory_space<vmem_shared>>
      tpu.wait_dma2 semaphore(%run_scoped3A : memref<!tpu.dma_semaphore, #tpu.memory_space<semaphore_mem>>) src(%arg17 : memref<256x64xbf16, #tpu.memory_space<vmem>>) dst(%dma_wait3A_59 : memref<256x64xbf16, #tpu.memory_space<vmem_shared>>)
      tpu.yield
    }) : () -> ()
    %scan3A_25 = arith.constant 0 : i32
    %scan3A_26 = arith.constant 0 : i32
    %scan3A_27 = arith.constant 1024 : i32
    %scan3A_28 = arith.addi %scan3A_26, %scan3A_27 : i32
    %scan3A_29 = arith.constant 1 : i32
    %scan3A_30 = scf.for %scan3A_54 = %scan3A_26 to %scan3A_28 step %scan3A_29 iter_args(%scan3A_55 = %scan3A_25) -> (i32)  : i32 {
      %mul3A_56 = arith.constant 16 : i32
      %mul3A_57 = arith.muli %scan3A_54, %mul3A_56 : i32
      %swap3A = arith.index_cast %mul3A_57 : i32 to index
      %swap3A_58 = tpu.vector_load %arg16[%swap3A] {strides = array<i32>} : memref<16384xf32, #tpu.memory_space<vmem>>, vector<16xf32>,
      tpu.vector_store %arg16[%swap3A], %broadcast_in_dim3A_0 {strides = array<i32>} : memref<16384xf32, #tpu.memory_space<vmem>>, vector<16xf32>,
      %scan3A_59 = arith.constant 0 : i32
      scf.yield %scan3A_59 : i32
    }
    %scan3A_31 = arith.constant 1024 : i32
    %barrier3A = arith.constant 0 : index
    tpu.barrier barrier_id(%barrier3A)
    %scan3A_32 = arith.constant 0 : i32
    %scan3A_33 = arith.constant 0 : i32
    %scan3A_34 = arith.constant 4 : i32
    %scan3A_35 = arith.addi %scan3A_33, %scan3A_34 : i32
    %scan3A_36 = arith.constant 1 : i32
    %scan3A_37 = scf.for %scan3A_54 = %scan3A_33 to %scan3A_35 step %scan3A_36 iter_args(%scan3A_55 = %scan3A_32) -> (i32)  : i32 {
      %mul3A_56 = arith.constant 4 : i32
      %mul3A_57 = arith.muli %arg0, %mul3A_56 : i32
      %add3A_58 = arith.addi %mul3A_57, %scan3A_54 : i32
      %dma_start3A = arith.constant 0 : i32
      %dma_start3A_59 = arith.constant 0 : i32
      %dma_start3A_60 = arith.constant 0 : i32
      %dma_start3A_61 = tpu.memref_slice %arg3[%add3A_58, %dma_start3A, %arg1, %dma_start3A_59, %dma_start3A_60] : memref<8x2x16x64x128xi32, #tpu.memory_space<hbm>> -> memref<1x1x1x64x128xi32, #tpu.memory_space<hbm>>
      %dma_start3A_62 = tpu.memref_squeeze %dma_start3A_61 : memref<1x1x1x64x128xi32, #tpu.memory_space<hbm>> -> memref<64x128xi32, #tpu.memory_space<hbm>>
      %dma_start3A_63 = arith.constant 0 : i32
      %dma_start3A_64 = arith.constant 0 : i32
      %dma_start3A_65 = tpu.memref_slice %arg3[%add3A_58, %dma_start3A, %arg1, %dma_start3A_63, %dma_start3A_64] : memref<8x2x16x64x128xi32, #tpu.memory_space<hbm>> -> memref<1x1x1x64x128xi32, #tpu.memory_space<hbm>>
      %dma_start3A_66 = tpu.memref_squeeze %dma_start3A_65 : memref<1x1x1x64x128xi32, #tpu.memory_space<hbm>> -> memref<64x128xi32, #tpu.memory_space<hbm>>
      tpu.enqueue_dma source(%dma_start3A_66 : memref<64x128xi32, #tpu.memory_space<hbm>>) target(%arg6 : memref<64x128xi32, #tpu.memory_space<vmem>>) target_semaphore(%arg22 : memref<!tpu.dma_semaphore, #tpu.memory_space<semaphore_mem>>)
      %dma_start3A_67 = arith.constant 1 : i32
      %dma_start3A_68 = arith.constant 0 : i32
      %dma_start3A_69 = arith.constant 0 : i32
      %dma_start3A_70 = tpu.memref_slice %arg3[%add3A_58, %dma_start3A_67, %arg1, %dma_start3A_68, %dma_start3A_69] : memref<8x2x16x64x128xi32, #tpu.memory_space<hbm>> -> memref<1x1x1x64x128xi32, #tpu.memory_space<hbm>>
      %dma_start3A_71 = tpu.memref_squeeze %dma_start3A_70 : memref<1x1x1x64x128xi32, #tpu.memory_space<hbm>> -> memref<64x128xi32, #tpu.memory_space<hbm>>
      %dma_start3A_72 = arith.constant 0 : i32
      %dma_start3A_73 = arith.constant 0 : i32
      %dma_start3A_74 = tpu.memref_slice %arg3[%add3A_58, %dma_start3A_67, %arg1, %dma_start3A_72, %dma_start3A_73] : memref<8x2x16x64x128xi32, #tpu.memory_space<hbm>> -> memref<1x1x1x64x128xi32, #tpu.memory_space<hbm>>
      %dma_start3A_75 = tpu.memref_squeeze %dma_start3A_74 : memref<1x1x1x64x128xi32, #tpu.memory_space<hbm>> -> memref<64x128xi32, #tpu.memory_space<hbm>>
      tpu.enqueue_dma source(%dma_start3A_75 : memref<64x128xi32, #tpu.memory_space<hbm>>) target(%arg7 : memref<64x128xi32, #tpu.memory_space<vmem>>) target_semaphore(%arg23 : memref<!tpu.dma_semaphore, #tpu.memory_space<semaphore_mem>>)
      %dma_wait3A = arith.constant 0 : i32
      %dma_wait3A_76 = arith.constant 0 : i32
      %dma_wait3A_77 = arith.constant 0 : i32
      %dma_wait3A_78 = tpu.memref_slice %arg3[%add3A_58, %dma_wait3A, %arg1, %dma_wait3A_76, %dma_wait3A_77] : memref<8x2x16x64x128xi32, #tpu.memory_space<hbm>> -> memref<1x1x1x64x128xi32, #tpu.memory_space<hbm>>
      %dma_wait3A_79 = tpu.memref_squeeze %dma_wait3A_78 : memref<1x1x1x64x128xi32, #tpu.memory_space<hbm>> -> memref<64x128xi32, #tpu.memory_space<hbm>>
      %dma_wait3A_80 = arith.constant 0 : i32
      %dma_wait3A_81 = arith.constant 0 : i32
      %dma_wait3A_82 = tpu.memref_slice %arg3[%add3A_58, %dma_wait3A, %arg1, %dma_wait3A_80, %dma_wait3A_81] : memref<8x2x16x64x128xi32, #tpu.memory_space<hbm>> -> memref<1x1x1x64x128xi32, #tpu.memory_space<hbm>>
      %dma_wait3A_83 = tpu.memref_squeeze %dma_wait3A_82 : memref<1x1x1x64x128xi32, #tpu.memory_space<hbm>> -> memref<64x128xi32, #tpu.memory_space<hbm>>
      tpu.wait_dma2 semaphore(%arg22 : memref<!tpu.dma_semaphore, #tpu.memory_space<semaphore_mem>>) src(%dma_wait3A_83 : memref<64x128xi32, #tpu.memory_space<hbm>>) dst(%arg6 : memref<64x128xi32, #tpu.memory_space<vmem>>)
      %dma_wait3A_84 = arith.constant 1 : i32
      %dma_wait3A_85 = arith.constant 0 : i32
      %dma_wait3A_86 = arith.constant 0 : i32
      %dma_wait3A_87 = tpu.memref_slice %arg3[%add3A_58, %dma_wait3A_84, %arg1, %dma_wait3A_85, %dma_wait3A_86] : memref<8x2x16x64x128xi32, #tpu.memory_space<hbm>> -> memref<1x1x1x64x128xi32, #tpu.memory_space<hbm>>
      %dma_wait3A_88 = tpu.memref_squeeze %dma_wait3A_87 : memref<1x1x1x64x128xi32, #tpu.memory_space<hbm>> -> memref<64x128xi32, #tpu.memory_space<hbm>>
      %dma_wait3A_89 = arith.constant 0 : i32
      %dma_wait3A_90 = arith.constant 0 : i32
      %dma_wait3A_91 = tpu.memref_slice %arg3[%add3A_58, %dma_wait3A_84, %arg1, %dma_wait3A_89, %dma_wait3A_90] : memref<8x2x16x64x128xi32, #tpu.memory_space<hbm>> -> memref<1x1x1x64x128xi32, #tpu.memory_space<hbm>>
      %dma_wait3A_92 = tpu.memref_squeeze %dma_wait3A_91 : memref<1x1x1x64x128xi32, #tpu.memory_space<hbm>> -> memref<64x128xi32, #tpu.memory_space<hbm>>
      tpu.wait_dma2 semaphore(%arg23 : memref<!tpu.dma_semaphore, #tpu.memory_space<semaphore_mem>>) src(%dma_wait3A_92 : memref<64x128xi32, #tpu.memory_space<hbm>>) dst(%arg7 : memref<64x128xi32, #tpu.memory_space<vmem>>)
      %mul3A_93 = arith.constant 4096 : i32
      %mul3A_94 = arith.muli %scan3A_54, %mul3A_93 : i32
      %broadcast_in_dim3A_95 = arith.constant 0 : i32
      %broadcast_in_dim3A_96 = vector.broadcast %broadcast_in_dim3A_95 : i32 to vector<16xi32>
      %add3A_97 = vector.broadcast %mul3A_94 : i32 to vector<16xi32>
      %add3A_98 = arith.addi %add3A_97, %broadcast_in_dim3A_96 : vector<16xi32>
      %scan3A_99 = arith.constant 0 : i32
      %scan3A_100 = arith.constant 0 : i32
      %scan3A_101 = arith.constant 512 : i32
      %scan3A_102 = arith.addi %scan3A_100, %scan3A_101 : i32
      %scan3A_103 = arith.constant 1 : i32
      %scan3A_104 = scf.for %scan3A_186 = %scan3A_100 to %scan3A_102 step %scan3A_103 iter_args(%scan3A_187 = %scan3A_99) -> (i32)  : i32 {
        %jit3A = arith.constant 8 : i32
        %div3A = arith.divsi %scan3A_186, %jit3A : i32
        %sign3A = arith.constant 0 : i32
        %sign3A_188 = arith.cmpi sgt, %scan3A_186, %sign3A : i32
        %sign3A_189 = arith.extui %sign3A_188 : i1 to i32
        %sign3A_190 = arith.constant 0 : i32
        %sign3A_191 = arith.cmpi slt, %scan3A_186, %sign3A_190 : i32
        %sign3A_192 = arith.extui %sign3A_191 : i1 to i32
        %sign3A_193 = arith.subi %sign3A_189, %sign3A_192 : i32
        %sign3A_194 = arith.constant 0 : i32
        %sign3A_195 = arith.cmpi sgt, %jit3A, %sign3A_194 : i32
        %sign3A_196 = arith.extui %sign3A_195 : i1 to i32
        %sign3A_197 = arith.constant 0 : i32
        %sign3A_198 = arith.cmpi slt, %jit3A, %sign3A_197 : i32
        %sign3A_199 = arith.extui %sign3A_198 : i1 to i32
        %sign3A_200 = arith.subi %sign3A_196, %sign3A_199 : i32
        %ne3A = arith.cmpi ne, %sign3A_193, %sign3A_200 : i32
        %rem3A = arith.remsi %scan3A_186, %jit3A : i32
        %ne3A_201 = arith.constant 0 : i32
        %ne3A_202 = arith.cmpi ne, %rem3A, %ne3A_201 : i32
        %and3A = arith.andi %ne3A, %ne3A_202 : i1
        %sub3A = arith.constant 1 : i32
        %sub3A_203 = arith.subi %div3A, %sub3A : i32
        %select_n3A = arith.select %and3A, %sub3A_203, %div3A : i32
        %jit3A_204 = arith.constant 8 : i32
        %eq3A = arith.constant 0 : i32
        %eq3A_205 = arith.cmpi eq, %jit3A_204, %eq3A : i32
        %jit3A_206 = arith.constant 1 : i32
        %select_n3A_207 = arith.select %eq3A_205, %jit3A_206, %jit3A_204 : i32
        %rem3A_208 = arith.remsi %scan3A_186, %select_n3A_207 : i32
        %ne3A_209 = arith.constant 0 : i32
        %ne3A_210 = arith.cmpi ne, %rem3A_208, %ne3A_209 : i32
        %lt3A = arith.constant 0 : i32
        %lt3A_211 = arith.cmpi slt, %rem3A_208, %lt3A : i32
        %lt3A_212 = arith.constant 0 : i32
        %lt3A_213 = arith.cmpi slt, %select_n3A_207, %lt3A_212 : i32
        %ne3A_214 = arith.xori %lt3A_211, %lt3A_213 : i1
        %and3A_215 = arith.andi %ne3A_214, %ne3A_210 : i1
        %add3A_216 = arith.addi %rem3A_208, %select_n3A_207 : i32
        %select_n3A_217 = arith.select %and3A_215, %add3A_216, %rem3A_208 : i32
        %mul3A_218 = arith.constant 16 : i32
        %mul3A_219 = arith.muli %select_n3A_217, %mul3A_218 : i32
        %get3A = arith.index_cast %select_n3A : i32 to index
        %get3A_220 = arith.index_cast %mul3A_219 : i32 to index
        %get3A_221 = tpu.vector_load %arg7[%get3A, %get3A_220] {strides = array<i32>} : memref<64x128xi32, #tpu.memory_space<vmem>>, vector<16xi32>,
        %add3A_222 = arith.addi %get3A_221, %add3A_98 : vector<16xi32>
        %swap3A = arith.index_cast %select_n3A : i32 to index
        %swap3A_223 = arith.index_cast %mul3A_219 : i32 to index
        %swap3A_224 = tpu.vector_load %arg7[%swap3A, %swap3A_223] {strides = array<i32>} : memref<64x128xi32, #tpu.memory_space<vmem>>, vector<16xi32>,
        tpu.vector_store %arg7[%swap3A, %swap3A_223], %add3A_222 {strides = array<i32>} : memref<64x128xi32, #tpu.memory_space<vmem>>, vector<16xi32>,
        %scan3A_225 = arith.constant 0 : i32
        scf.yield %scan3A_225 : i32
      }
      %scan3A_105 = arith.constant 512 : i32
      %dma_start3A_106 = arith.constant 0 : i32
      %dma_start3A_107 = arith.constant 0 : i32
      %dma_start3A_108 = tpu.memref_slice %arg6[%dma_start3A_106, %dma_start3A_107] : memref<64x128xi32, #tpu.memory_space<vmem>> -> memref<1x128xi32, #tpu.memory_space<vmem>>
      %dma_start3A_109 = tpu.memref_squeeze %dma_start3A_108 : memref<1x128xi32, #tpu.memory_space<vmem>> -> memref<128xi32, #tpu.memory_space<vmem>>
      %dma_start3A_110 = arith.constant 0 : i32
      %dma_start3A_111 = arith.constant 0 : i32
      %dma_start3A_112 = tpu.memref_slice %arg2[%add3A_58, %dma_start3A_110, %dma_start3A_111] : memref<8x4096x64xbf16, #tpu.memory_space<hbm>> -> memref<1x4096x64xbf16, #tpu.memory_space<hbm>>
      %dma_start3A_113 = tpu.memref_squeeze %dma_start3A_112 : memref<1x4096x64xbf16, #tpu.memory_space<hbm>> -> memref<4096x64xbf16, #tpu.memory_space<hbm>>
      %dma_start3A_114 = arith.constant 0 : i32
      %dma_start3A_115 = arith.constant 0 : i32
      %dma_start3A_116 = tpu.memref_slice %dma_start3A_113[%dma_start3A_114, %dma_start3A_115] : memref<4096x64xbf16, #tpu.memory_space<hbm>> -> memref<4096x64xbf16, #tpu.memory_space<hbm>>
      tpu.enqueue_indirect_dma source(%dma_start3A_116 : memref<4096x64xbf16, #tpu.memory_space<hbm>>) target(%arg8 : memref<128x64xbf16, #tpu.memory_space<vmem>>) offsets(%dma_start3A_109 : memref<128xi32, #tpu.memory_space<vmem>>) semaphore(%arg22 : memref<!tpu.dma_semaphore, #tpu.memory_space<semaphore_mem>>)
      %dma_start3A_117 = arith.constant 1 : i32
      %dma_start3A_118 = arith.constant 0 : i32
      %dma_start3A_119 = tpu.memref_slice %arg6[%dma_start3A_117, %dma_start3A_118] : memref<64x128xi32, #tpu.memory_space<vmem>> -> memref<1x128xi32, #tpu.memory_space<vmem>>
      %dma_start3A_120 = tpu.memref_squeeze %dma_start3A_119 : memref<1x128xi32, #tpu.memory_space<vmem>> -> memref<128xi32, #tpu.memory_space<vmem>>
      %dma_start3A_121 = arith.constant 0 : i32
      %dma_start3A_122 = arith.constant 0 : i32
      %dma_start3A_123 = tpu.memref_slice %arg2[%add3A_58, %dma_start3A_121, %dma_start3A_122] : memref<8x4096x64xbf16, #tpu.memory_space<hbm>> -> memref<1x4096x64xbf16, #tpu.memory_space<hbm>>
      %dma_start3A_124 = tpu.memref_squeeze %dma_start3A_123 : memref<1x4096x64xbf16, #tpu.memory_space<hbm>> -> memref<4096x64xbf16, #tpu.memory_space<hbm>>
      %dma_start3A_125 = arith.constant 0 : i32
      %dma_start3A_126 = arith.constant 0 : i32
      %dma_start3A_127 = tpu.memref_slice %dma_start3A_124[%dma_start3A_125, %dma_start3A_126] : memref<4096x64xbf16, #tpu.memory_space<hbm>> -> memref<4096x64xbf16, #tpu.memory_space<hbm>>
      tpu.enqueue_indirect_dma source(%dma_start3A_127 : memref<4096x64xbf16, #tpu.memory_space<hbm>>) target(%arg9 : memref<128x64xbf16, #tpu.memory_space<vmem>>) offsets(%dma_start3A_120 : memref<128xi32, #tpu.memory_space<vmem>>) semaphore(%arg23 : memref<!tpu.dma_semaphore, #tpu.memory_space<semaphore_mem>>)
      %dma_start3A_128 = arith.constant 2 : i32
      %dma_start3A_129 = arith.constant 0 : i32
      %dma_start3A_130 = tpu.memref_slice %arg6[%dma_start3A_128, %dma_start3A_129] : memref<64x128xi32, #tpu.memory_space<vmem>> -> memref<1x128xi32, #tpu.memory_space<vmem>>
      %dma_start3A_131 = tpu.memref_squeeze %dma_start3A_130 : memref<1x128xi32, #tpu.memory_space<vmem>> -> memref<128xi32, #tpu.memory_space<vmem>>
      %dma_start3A_132 = arith.constant 0 : i32
      %dma_start3A_133 = arith.constant 0 : i32
      %dma_start3A_134 = tpu.memref_slice %arg2[%add3A_58, %dma_start3A_132, %dma_start3A_133] : memref<8x4096x64xbf16, #tpu.memory_space<hbm>> -> memref<1x4096x64xbf16, #tpu.memory_space<hbm>>
      %dma_start3A_135 = tpu.memref_squeeze %dma_start3A_134 : memref<1x4096x64xbf16, #tpu.memory_space<hbm>> -> memref<4096x64xbf16, #tpu.memory_space<hbm>>
      %dma_start3A_136 = arith.constant 0 : i32
      %dma_start3A_137 = arith.constant 0 : i32
      %dma_start3A_138 = tpu.memref_slice %dma_start3A_135[%dma_start3A_136, %dma_start3A_137] : memref<4096x64xbf16, #tpu.memory_space<hbm>> -> memref<4096x64xbf16, #tpu.memory_space<hbm>>
      tpu.enqueue_indirect_dma source(%dma_start3A_138 : memref<4096x64xbf16, #tpu.memory_space<hbm>>) target(%arg10 : memref<128x64xbf16, #tpu.memory_space<vmem>>) offsets(%dma_start3A_131 : memref<128xi32, #tpu.memory_space<vmem>>) semaphore(%arg24 : memref<!tpu.dma_semaphore, #tpu.memory_space<semaphore_mem>>)
      %dma_start3A_139 = arith.constant 3 : i32
      %dma_start3A_140 = arith.constant 0 : i32
      %dma_start3A_141 = tpu.memref_slice %arg6[%dma_start3A_139, %dma_start3A_140] : memref<64x128xi32, #tpu.memory_space<vmem>> -> memref<1x128xi32, #tpu.memory_space<vmem>>
      %dma_start3A_142 = tpu.memref_squeeze %dma_start3A_141 : memref<1x128xi32, #tpu.memory_space<vmem>> -> memref<128xi32, #tpu.memory_space<vmem>>
      %dma_start3A_143 = arith.constant 0 : i32
      %dma_start3A_144 = arith.constant 0 : i32
      %dma_start3A_145 = tpu.memref_slice %arg2[%add3A_58, %dma_start3A_143, %dma_start3A_144] : memref<8x4096x64xbf16, #tpu.memory_space<hbm>> -> memref<1x4096x64xbf16, #tpu.memory_space<hbm>>
      %dma_start3A_146 = tpu.memref_squeeze %dma_start3A_145 : memref<1x4096x64xbf16, #tpu.memory_space<hbm>> -> memref<4096x64xbf16, #tpu.memory_space<hbm>>
      %dma_start3A_147 = arith.constant 0 : i32
      %dma_start3A_148 = arith.constant 0 : i32
      %dma_start3A_149 = tpu.memref_slice %dma_start3A_146[%dma_start3A_147, %dma_start3A_148] : memref<4096x64xbf16, #tpu.memory_space<hbm>> -> memref<4096x64xbf16, #tpu.memory_space<hbm>>
      tpu.enqueue_indirect_dma source(%dma_start3A_149 : memref<4096x64xbf16, #tpu.memory_space<hbm>>) target(%arg11 : memref<128x64xbf16, #tpu.memory_space<vmem>>) offsets(%dma_start3A_142 : memref<128xi32, #tpu.memory_space<vmem>>) semaphore(%arg25 : memref<!tpu.dma_semaphore, #tpu.memory_space<semaphore_mem>>)
      %scan3A_150 = arith.constant 0 : i32
      %scan3A_151 = arith.constant 0 : i32
      %scan3A_152 = arith.constant 8 : i32
      %scan3A_153 = arith.addi %scan3A_151, %scan3A_152 : i32
      %scan3A_154 = arith.constant 1 : i32
      %scan3A_155 = scf.for %scan3A_186 = %scan3A_151 to %scan3A_153 step %scan3A_154 iter_args(%scan3A_187 = %scan3A_150) -> (i32)  : i32 {
        %mul3A_188 = arith.constant 8 : i32
        %mul3A_189 = arith.muli %scan3A_186, %mul3A_188 : i32
        %add3A_190 = arith.constant 0 : i32
        %add3A_191 = arith.addi %mul3A_189, %add3A_190 : i32
        %dma_wait3A_192 = arith.constant 0 : i32
        %dma_wait3A_193 = tpu.memref_slice %arg6[%add3A_191, %dma_wait3A_192] : memref<64x128xi32, #tpu.memory_space<vmem>> -> memref<1x128xi32, #tpu.memory_space<vmem>>
        %dma_wait3A_194 = tpu.memref_squeeze %dma_wait3A_193 : memref<1x128xi32, #tpu.memory_space<vmem>> -> memref<128xi32, #tpu.memory_space<vmem>>
        %dma_wait3A_195 = arith.constant 0 : i32
        %dma_wait3A_196 = arith.constant 0 : i32
        %dma_wait3A_197 = tpu.memref_slice %arg2[%add3A_58, %dma_wait3A_195, %dma_wait3A_196] : memref<8x4096x64xbf16, #tpu.memory_space<hbm>> -> memref<1x4096x64xbf16, #tpu.memory_space<hbm>>
        %dma_wait3A_198 = tpu.memref_squeeze %dma_wait3A_197 : memref<1x4096x64xbf16, #tpu.memory_space<hbm>> -> memref<4096x64xbf16, #tpu.memory_space<hbm>>
        %dma_wait3A_199 = arith.constant 0 : i32
        %dma_wait3A_200 = arith.constant 0 : i32
        %dma_wait3A_201 = tpu.memref_slice %dma_wait3A_198[%dma_wait3A_199, %dma_wait3A_200] : memref<4096x64xbf16, #tpu.memory_space<hbm>> -> memref<4096x64xbf16, #tpu.memory_space<hbm>>
        tpu.wait_indirect_dma semaphore(%arg22 : memref<!tpu.dma_semaphore, #tpu.memory_space<semaphore_mem>>) src(%dma_wait3A_201 : memref<4096x64xbf16, #tpu.memory_space<hbm>>) dst(%arg8 : memref<128x64xbf16, #tpu.memory_space<vmem>>)
        %get3A = arith.index_cast %add3A_191 : i32 to index
        %get3A_202 = arith.constant 0 : index
        %get3A_203 = tpu.vector_load %arg7[%get3A, %get3A_202] {strides = array<i32>} : memref<64x128xi32, #tpu.memory_space<vmem>>, vector<16xi32>,
        tpu.vector_store_idx %arg16[%get3A_203], %broadcast_in_dim3A_2 {add = true} : memref<16384xf32, #tpu.memory_space<vmem>>[vector<16xi32>], vector<16xf32>,
        %get3A_204 = arith.index_cast %add3A_191 : i32 to index
        %get3A_205 = arith.constant 16 : index
        %get3A_206 = tpu.vector_load %arg7[%get3A_204, %get3A_205] {strides = array<i32>} : memref<64x128xi32, #tpu.memory_space<vmem>>, vector<16xi32>,
        tpu.vector_store_idx %arg16[%get3A_206], %broadcast_in_dim3A_2 {add = true} : memref<16384xf32, #tpu.memory_space<vmem>>[vector<16xi32>], vector<16xf32>,
        %get3A_207 = arith.index_cast %add3A_191 : i32 to index
        %get3A_208 = arith.constant 32 : index
        %get3A_209 = tpu.vector_load %arg7[%get3A_207, %get3A_208] {strides = array<i32>} : memref<64x128xi32, #tpu.memory_space<vmem>>, vector<16xi32>,
        tpu.vector_store_idx %arg16[%get3A_209], %broadcast_in_dim3A_2 {add = true} : memref<16384xf32, #tpu.memory_space<vmem>>[vector<16xi32>], vector<16xf32>,
        %get3A_210 = arith.index_cast %add3A_191 : i32 to index
        %get3A_211 = arith.constant 48 : index
        %get3A_212 = tpu.vector_load %arg7[%get3A_210, %get3A_211] {strides = array<i32>} : memref<64x128xi32, #tpu.memory_space<vmem>>, vector<16xi32>,
        tpu.vector_store_idx %arg16[%get3A_212], %broadcast_in_dim3A_2 {add = true} : memref<16384xf32, #tpu.memory_space<vmem>>[vector<16xi32>], vector<16xf32>,
        %get3A_213 = arith.index_cast %add3A_191 : i32 to index
        %get3A_214 = arith.constant 64 : index
        %get3A_215 = tpu.vector_load %arg7[%get3A_213, %get3A_214] {strides = array<i32>} : memref<64x128xi32, #tpu.memory_space<vmem>>, vector<16xi32>,
        tpu.vector_store_idx %arg16[%get3A_215], %broadcast_in_dim3A_2 {add = true} : memref<16384xf32, #tpu.memory_space<vmem>>[vector<16xi32>], vector<16xf32>,
        %get3A_216 = arith.index_cast %add3A_191 : i32 to index
        %get3A_217 = arith.constant 80 : index
        %get3A_218 = tpu.vector_load %arg7[%get3A_216, %get3A_217] {strides = array<i32>} : memref<64x128xi32, #tpu.memory_space<vmem>>, vector<16xi32>,
        tpu.vector_store_idx %arg16[%get3A_218], %broadcast_in_dim3A_2 {add = true} : memref<16384xf32, #tpu.memory_space<vmem>>[vector<16xi32>], vector<16xf32>,
        %get3A_219 = arith.index_cast %add3A_191 : i32 to index
        %get3A_220 = arith.constant 96 : index
        %get3A_221 = tpu.vector_load %arg7[%get3A_219, %get3A_220] {strides = array<i32>} : memref<64x128xi32, #tpu.memory_space<vmem>>, vector<16xi32>,
        tpu.vector_store_idx %arg16[%get3A_221], %broadcast_in_dim3A_2 {add = true} : memref<16384xf32, #tpu.memory_space<vmem>>[vector<16xi32>], vector<16xf32>,
        %get3A_222 = arith.index_cast %add3A_191 : i32 to index
        %get3A_223 = arith.constant 112 : index
        %get3A_224 = tpu.vector_load %arg7[%get3A_222, %get3A_223] {strides = array<i32>} : memref<64x128xi32, #tpu.memory_space<vmem>>, vector<16xi32>,
        tpu.vector_store_idx %arg16[%get3A_224], %broadcast_in_dim3A_2 {add = true} : memref<16384xf32, #tpu.memory_space<vmem>>[vector<16xi32>], vector<16xf32>,
        %dma_start3A_225 = arith.constant 0 : i32
        %dma_start3A_226 = tpu.memref_slice %arg7[%add3A_191, %dma_start3A_225] : memref<64x128xi32, #tpu.memory_space<vmem>> -> memref<1x128xi32, #tpu.memory_space<vmem>>
        %dma_start3A_227 = tpu.memref_squeeze %dma_start3A_226 : memref<1x128xi32, #tpu.memory_space<vmem>> -> memref<128xi32, #tpu.memory_space<vmem>>
        %dma_start3A_228 = arith.constant 0 : i32
        %dma_start3A_229 = arith.constant 0 : i32
        %dma_start3A_230 = tpu.memref_slice %arg20[%dma_start3A_228, %dma_start3A_229] : memref<16384x64xbf16, #tpu.memory_space<vmem_shared>> -> memref<16384x64xbf16, #tpu.memory_space<vmem_shared>>
        tpu.enqueue_indirect_dma source(%arg8 : memref<128x64xbf16, #tpu.memory_space<vmem>>) target(%dma_start3A_230 : memref<16384x64xbf16, #tpu.memory_space<vmem_shared>>) offsets(%dma_start3A_227 : memref<128xi32, #tpu.memory_space<vmem>>) semaphore(%arg30 : memref<!tpu.dma_semaphore, #tpu.memory_space<semaphore_mem>>) {add = true}
        %add3A_231 = arith.constant 4 : i32
        %add3A_232 = arith.addi %add3A_191, %add3A_231 : i32
        %ge3A = arith.constant 8 : i32
        %ge3A_233 = arith.cmpi sge, %add3A_232, %ge3A : i32
        %convert_element_type3A = arith.extui %ge3A_233 : i1 to i32
        %cond3A = arith.constant 0 : i32
        %cond3A_234 = arith.cmpi ne, %convert_element_type3A, %cond3A : i32
        scf.if %cond3A_234 {
          %dma_wait3A_632 = arith.constant 0 : i32
          %dma_wait3A_633 = tpu.memref_slice %arg7[%add3A_191, %dma_wait3A_632] : memref<64x128xi32, #tpu.memory_space<vmem>> -> memref<1x128xi32, #tpu.memory_space<vmem>>
          %dma_wait3A_634 = tpu.memref_squeeze %dma_wait3A_633 : memref<1x128xi32, #tpu.memory_space<vmem>> -> memref<128xi32, #tpu.memory_space<vmem>>
          %dma_wait3A_635 = arith.constant 0 : i32
          %dma_wait3A_636 = arith.constant 0 : i32
          %dma_wait3A_637 = tpu.memref_slice %arg20[%dma_wait3A_635, %dma_wait3A_636] : memref<16384x64xbf16, #tpu.memory_space<vmem_shared>> -> memref<16384x64xbf16, #tpu.memory_space<vmem_shared>>
          tpu.wait_indirect_dma semaphore(%arg34 : memref<!tpu.dma_semaphore, #tpu.memory_space<semaphore_mem>>) src(%arg12 : memref<128x64xbf16, #tpu.memory_space<vmem>>) dst(%dma_wait3A_637 : memref<16384x64xbf16, #tpu.memory_space<vmem_shared>>)
        } else {
        }
        %lt3A = arith.constant 64 : i32
        %lt3A_235 = arith.cmpi slt, %add3A_232, %lt3A : i32
        %convert_element_type3A_236 = arith.extui %lt3A_235 : i1 to i32
        %cond3A_237 = arith.constant 0 : i32
        %cond3A_238 = arith.cmpi ne, %convert_element_type3A_236, %cond3A_237 : i32
        scf.if %cond3A_238 {
          %dma_start3A_632 = arith.constant 0 : i32
          %dma_start3A_633 = tpu.memref_slice %arg6[%add3A_232, %dma_start3A_632] : memref<64x128xi32, #tpu.memory_space<vmem>> -> memref<1x128xi32, #tpu.memory_space<vmem>>
          %dma_start3A_634 = tpu.memref_squeeze %dma_start3A_633 : memref<1x128xi32, #tpu.memory_space<vmem>> -> memref<128xi32, #tpu.memory_space<vmem>>
          %dma_start3A_635 = arith.constant 0 : i32
          %dma_start3A_636 = arith.constant 0 : i32
          %dma_start3A_637 = tpu.memref_slice %arg2[%add3A_58, %dma_start3A_635, %dma_start3A_636] : memref<8x4096x64xbf16, #tpu.memory_space<hbm>> -> memref<1x4096x64xbf16, #tpu.memory_space<hbm>>
          %dma_start3A_638 = tpu.memref_squeeze %dma_start3A_637 : memref<1x4096x64xbf16, #tpu.memory_space<hbm>> -> memref<4096x64xbf16, #tpu.memory_space<hbm>>
          %dma_start3A_639 = arith.constant 0 : i32
          %dma_start3A_640 = arith.constant 0 : i32
          %dma_start3A_641 = tpu.memref_slice %dma_start3A_638[%dma_start3A_639, %dma_start3A_640] : memref<4096x64xbf16, #tpu.memory_space<hbm>> -> memref<4096x64xbf16, #tpu.memory_space<hbm>>
          tpu.enqueue_indirect_dma source(%dma_start3A_641 : memref<4096x64xbf16, #tpu.memory_space<hbm>>) target(%arg12 : memref<128x64xbf16, #tpu.memory_space<vmem>>) offsets(%dma_start3A_634 : memref<128xi32, #tpu.memory_space<vmem>>) semaphore(%arg26 : memref<!tpu.dma_semaphore, #tpu.memory_space<semaphore_mem>>)
        } else {
        }
        %mul3A_239 = arith.constant 8 : i32
        %mul3A_240 = arith.muli %scan3A_186, %mul3A_239 : i32
        %add3A_241 = arith.constant 1 : i32
        %add3A_242 = arith.addi %mul3A_240, %add3A_241 : i32
        %dma_wait3A_243 = arith.constant 0 : i32
        %dma_wait3A_244 = tpu.memref_slice %arg6[%add3A_242, %dma_wait3A_243] : memref<64x128xi32, #tpu.memory_space<vmem>> -> memref<1x128xi32, #tpu.memory_space<vmem>>
        %dma_wait3A_245 = tpu.memref_squeeze %dma_wait3A_244 : memref<1x128xi32, #tpu.memory_space<vmem>> -> memref<128xi32, #tpu.memory_space<vmem>>
        %dma_wait3A_246 = arith.constant 0 : i32
        %dma_wait3A_247 = arith.constant 0 : i32
        %dma_wait3A_248 = tpu.memref_slice %arg2[%add3A_58, %dma_wait3A_246, %dma_wait3A_247] : memref<8x4096x64xbf16, #tpu.memory_space<hbm>> -> memref<1x4096x64xbf16, #tpu.memory_space<hbm>>
        %dma_wait3A_249 = tpu.memref_squeeze %dma_wait3A_248 : memref<1x4096x64xbf16, #tpu.memory_space<hbm>> -> memref<4096x64xbf16, #tpu.memory_space<hbm>>
        %dma_wait3A_250 = arith.constant 0 : i32
        %dma_wait3A_251 = arith.constant 0 : i32
        %dma_wait3A_252 = tpu.memref_slice %dma_wait3A_249[%dma_wait3A_250, %dma_wait3A_251] : memref<4096x64xbf16, #tpu.memory_space<hbm>> -> memref<4096x64xbf16, #tpu.memory_space<hbm>>
        tpu.wait_indirect_dma semaphore(%arg23 : memref<!tpu.dma_semaphore, #tpu.memory_space<semaphore_mem>>) src(%dma_wait3A_252 : memref<4096x64xbf16, #tpu.memory_space<hbm>>) dst(%arg9 : memref<128x64xbf16, #tpu.memory_space<vmem>>)
        %get3A_253 = arith.index_cast %add3A_242 : i32 to index
        %get3A_254 = arith.constant 0 : index
        %get3A_255 = tpu.vector_load %arg7[%get3A_253, %get3A_254] {strides = array<i32>} : memref<64x128xi32, #tpu.memory_space<vmem>>, vector<16xi32>,
        tpu.vector_store_idx %arg16[%get3A_255], %broadcast_in_dim3A_2 {add = true} : memref<16384xf32, #tpu.memory_space<vmem>>[vector<16xi32>], vector<16xf32>,
        %get3A_256 = arith.index_cast %add3A_242 : i32 to index
        %get3A_257 = arith.constant 16 : index
        %get3A_258 = tpu.vector_load %arg7[%get3A_256, %get3A_257] {strides = array<i32>} : memref<64x128xi32, #tpu.memory_space<vmem>>, vector<16xi32>,
        tpu.vector_store_idx %arg16[%get3A_258], %broadcast_in_dim3A_2 {add = true} : memref<16384xf32, #tpu.memory_space<vmem>>[vector<16xi32>], vector<16xf32>,
        %get3A_259 = arith.index_cast %add3A_242 : i32 to index
        %get3A_260 = arith.constant 32 : index
        %get3A_261 = tpu.vector_load %arg7[%get3A_259, %get3A_260] {strides = array<i32>} : memref<64x128xi32, #tpu.memory_space<vmem>>, vector<16xi32>,
        tpu.vector_store_idx %arg16[%get3A_261], %broadcast_in_dim3A_2 {add = true} : memref<16384xf32, #tpu.memory_space<vmem>>[vector<16xi32>], vector<16xf32>,
        %get3A_262 = arith.index_cast %add3A_242 : i32 to index
        %get3A_263 = arith.constant 48 : index
        %get3A_264 = tpu.vector_load %arg7[%get3A_262, %get3A_263] {strides = array<i32>} : memref<64x128xi32, #tpu.memory_space<vmem>>, vector<16xi32>,
        tpu.vector_store_idx %arg16[%get3A_264], %broadcast_in_dim3A_2 {add = true} : memref<16384xf32, #tpu.memory_space<vmem>>[vector<16xi32>], vector<16xf32>,
        %get3A_265 = arith.index_cast %add3A_242 : i32 to index
        %get3A_266 = arith.constant 64 : index
        %get3A_267 = tpu.vector_load %arg7[%get3A_265, %get3A_266] {strides = array<i32>} : memref<64x128xi32, #tpu.memory_space<vmem>>, vector<16xi32>,
        tpu.vector_store_idx %arg16[%get3A_267], %broadcast_in_dim3A_2 {add = true} : memref<16384xf32, #tpu.memory_space<vmem>>[vector<16xi32>], vector<16xf32>,
        %get3A_268 = arith.index_cast %add3A_242 : i32 to index
        %get3A_269 = arith.constant 80 : index
        %get3A_270 = tpu.vector_load %arg7[%get3A_268, %get3A_269] {strides = array<i32>} : memref<64x128xi32, #tpu.memory_space<vmem>>, vector<16xi32>,
        tpu.vector_store_idx %arg16[%get3A_270], %broadcast_in_dim3A_2 {add = true} : memref<16384xf32, #tpu.memory_space<vmem>>[vector<16xi32>], vector<16xf32>,
        %get3A_271 = arith.index_cast %add3A_242 : i32 to index
        %get3A_272 = arith.constant 96 : index
        %get3A_273 = tpu.vector_load %arg7[%get3A_271, %get3A_272] {strides = array<i32>} : memref<64x128xi32, #tpu.memory_space<vmem>>, vector<16xi32>,
        tpu.vector_store_idx %arg16[%get3A_273], %broadcast_in_dim3A_2 {add = true} : memref<16384xf32, #tpu.memory_space<vmem>>[vector<16xi32>], vector<16xf32>,
        %get3A_274 = arith.index_cast %add3A_242 : i32 to index
        %get3A_275 = arith.constant 112 : index
        %get3A_276 = tpu.vector_load %arg7[%get3A_274, %get3A_275] {strides = array<i32>} : memref<64x128xi32, #tpu.memory_space<vmem>>, vector<16xi32>,
        tpu.vector_store_idx %arg16[%get3A_276], %broadcast_in_dim3A_2 {add = true} : memref<16384xf32, #tpu.memory_space<vmem>>[vector<16xi32>], vector<16xf32>,
        %dma_start3A_277 = arith.constant 0 : i32
        %dma_start3A_278 = tpu.memref_slice %arg7[%add3A_242, %dma_start3A_277] : memref<64x128xi32, #tpu.memory_space<vmem>> -> memref<1x128xi32, #tpu.memory_space<vmem>>
        %dma_start3A_279 = tpu.memref_squeeze %dma_start3A_278 : memref<1x128xi32, #tpu.memory_space<vmem>> -> memref<128xi32, #tpu.memory_space<vmem>>
        %dma_start3A_280 = arith.constant 0 : i32
        %dma_start3A_281 = arith.constant 0 : i32
        %dma_start3A_282 = tpu.memref_slice %arg20[%dma_start3A_280, %dma_start3A_281] : memref<16384x64xbf16, #tpu.memory_space<vmem_shared>> -> memref<16384x64xbf16, #tpu.memory_space<vmem_shared>>
        tpu.enqueue_indirect_dma source(%arg9 : memref<128x64xbf16, #tpu.memory_space<vmem>>) target(%dma_start3A_282 : memref<16384x64xbf16, #tpu.memory_space<vmem_shared>>) offsets(%dma_start3A_279 : memref<128xi32, #tpu.memory_space<vmem>>) semaphore(%arg31 : memref<!tpu.dma_semaphore, #tpu.memory_space<semaphore_mem>>) {add = true}
        %add3A_283 = arith.constant 4 : i32
        %add3A_284 = arith.addi %add3A_242, %add3A_283 : i32
        %ge3A_285 = arith.constant 8 : i32
        %ge3A_286 = arith.cmpi sge, %add3A_284, %ge3A_285 : i32
        %convert_element_type3A_287 = arith.extui %ge3A_286 : i1 to i32
        %cond3A_288 = arith.constant 0 : i32
        %cond3A_289 = arith.cmpi ne, %convert_element_type3A_287, %cond3A_288 : i32
        scf.if %cond3A_289 {
          %dma_wait3A_632 = arith.constant 0 : i32
          %dma_wait3A_633 = tpu.memref_slice %arg7[%add3A_242, %dma_wait3A_632] : memref<64x128xi32, #tpu.memory_space<vmem>> -> memref<1x128xi32, #tpu.memory_space<vmem>>
          %dma_wait3A_634 = tpu.memref_squeeze %dma_wait3A_633 : memref<1x128xi32, #tpu.memory_space<vmem>> -> memref<128xi32, #tpu.memory_space<vmem>>
          %dma_wait3A_635 = arith.constant 0 : i32
          %dma_wait3A_636 = arith.constant 0 : i32
          %dma_wait3A_637 = tpu.memref_slice %arg20[%dma_wait3A_635, %dma_wait3A_636] : memref<16384x64xbf16, #tpu.memory_space<vmem_shared>> -> memref<16384x64xbf16, #tpu.memory_space<vmem_shared>>
          tpu.wait_indirect_dma semaphore(%arg35 : memref<!tpu.dma_semaphore, #tpu.memory_space<semaphore_mem>>) src(%arg13 : memref<128x64xbf16, #tpu.memory_space<vmem>>) dst(%dma_wait3A_637 : memref<16384x64xbf16, #tpu.memory_space<vmem_shared>>)
        } else {
        }
        %lt3A_290 = arith.constant 64 : i32
        %lt3A_291 = arith.cmpi slt, %add3A_284, %lt3A_290 : i32
        %convert_element_type3A_292 = arith.extui %lt3A_291 : i1 to i32
        %cond3A_293 = arith.constant 0 : i32
        %cond3A_294 = arith.cmpi ne, %convert_element_type3A_292, %cond3A_293 : i32
        scf.if %cond3A_294 {
          %dma_start3A_632 = arith.constant 0 : i32
          %dma_start3A_633 = tpu.memref_slice %arg6[%add3A_284, %dma_start3A_632] : memref<64x128xi32, #tpu.memory_space<vmem>> -> memref<1x128xi32, #tpu.memory_space<vmem>>
          %dma_start3A_634 = tpu.memref_squeeze %dma_start3A_633 : memref<1x128xi32, #tpu.memory_space<vmem>> -> memref<128xi32, #tpu.memory_space<vmem>>
          %dma_start3A_635 = arith.constant 0 : i32
          %dma_start3A_636 = arith.constant 0 : i32
          %dma_start3A_637 = tpu.memref_slice %arg2[%add3A_58, %dma_start3A_635, %dma_start3A_636] : memref<8x4096x64xbf16, #tpu.memory_space<hbm>> -> memref<1x4096x64xbf16, #tpu.memory_space<hbm>>
          %dma_start3A_638 = tpu.memref_squeeze %dma_start3A_637 : memref<1x4096x64xbf16, #tpu.memory_space<hbm>> -> memref<4096x64xbf16, #tpu.memory_space<hbm>>
          %dma_start3A_639 = arith.constant 0 : i32
          %dma_start3A_640 = arith.constant 0 : i32
          %dma_start3A_641 = tpu.memref_slice %dma_start3A_638[%dma_start3A_639, %dma_start3A_640] : memref<4096x64xbf16, #tpu.memory_space<hbm>> -> memref<4096x64xbf16, #tpu.memory_space<hbm>>
          tpu.enqueue_indirect_dma source(%dma_start3A_641 : memref<4096x64xbf16, #tpu.memory_space<hbm>>) target(%arg13 : memref<128x64xbf16, #tpu.memory_space<vmem>>) offsets(%dma_start3A_634 : memref<128xi32, #tpu.memory_space<vmem>>) semaphore(%arg27 : memref<!tpu.dma_semaphore, #tpu.memory_space<semaphore_mem>>)
        } else {
        }
        %mul3A_295 = arith.constant 8 : i32
        %mul3A_296 = arith.muli %scan3A_186, %mul3A_295 : i32
        %add3A_297 = arith.constant 2 : i32
        %add3A_298 = arith.addi %mul3A_296, %add3A_297 : i32
        %dma_wait3A_299 = arith.constant 0 : i32
        %dma_wait3A_300 = tpu.memref_slice %arg6[%add3A_298, %dma_wait3A_299] : memref<64x128xi32, #tpu.memory_space<vmem>> -> memref<1x128xi32, #tpu.memory_space<vmem>>
        %dma_wait3A_301 = tpu.memref_squeeze %dma_wait3A_300 : memref<1x128xi32, #tpu.memory_space<vmem>> -> memref<128xi32, #tpu.memory_space<vmem>>
        %dma_wait3A_302 = arith.constant 0 : i32
        %dma_wait3A_303 = arith.constant 0 : i32
        %dma_wait3A_304 = tpu.memref_slice %arg2[%add3A_58, %dma_wait3A_302, %dma_wait3A_303] : memref<8x4096x64xbf16, #tpu.memory_space<hbm>> -> memref<1x4096x64xbf16, #tpu.memory_space<hbm>>
        %dma_wait3A_305 = tpu.memref_squeeze %dma_wait3A_304 : memref<1x4096x64xbf16, #tpu.memory_space<hbm>> -> memref<4096x64xbf16, #tpu.memory_space<hbm>>
        %dma_wait3A_306 = arith.constant 0 : i32
        %dma_wait3A_307 = arith.constant 0 : i32
        %dma_wait3A_308 = tpu.memref_slice %dma_wait3A_305[%dma_wait3A_306, %dma_wait3A_307] : memref<4096x64xbf16, #tpu.memory_space<hbm>> -> memref<4096x64xbf16, #tpu.memory_space<hbm>>
        tpu.wait_indirect_dma semaphore(%arg24 : memref<!tpu.dma_semaphore, #tpu.memory_space<semaphore_mem>>) src(%dma_wait3A_308 : memref<4096x64xbf16, #tpu.memory_space<hbm>>) dst(%arg10 : memref<128x64xbf16, #tpu.memory_space<vmem>>)
        %get3A_309 = arith.index_cast %add3A_298 : i32 to index
        %get3A_310 = arith.constant 0 : index
        %get3A_311 = tpu.vector_load %arg7[%get3A_309, %get3A_310] {strides = array<i32>} : memref<64x128xi32, #tpu.memory_space<vmem>>, vector<16xi32>,
        tpu.vector_store_idx %arg16[%get3A_311], %broadcast_in_dim3A_2 {add = true} : memref<16384xf32, #tpu.memory_space<vmem>>[vector<16xi32>], vector<16xf32>,
        %get3A_312 = arith.index_cast %add3A_298 : i32 to index
        %get3A_313 = arith.constant 16 : index
        %get3A_314 = tpu.vector_load %arg7[%get3A_312, %get3A_313] {strides = array<i32>} : memref<64x128xi32, #tpu.memory_space<vmem>>, vector<16xi32>,
        tpu.vector_store_idx %arg16[%get3A_314], %broadcast_in_dim3A_2 {add = true} : memref<16384xf32, #tpu.memory_space<vmem>>[vector<16xi32>], vector<16xf32>,
        %get3A_315 = arith.index_cast %add3A_298 : i32 to index
        %get3A_316 = arith.constant 32 : index
        %get3A_317 = tpu.vector_load %arg7[%get3A_315, %get3A_316] {strides = array<i32>} : memref<64x128xi32, #tpu.memory_space<vmem>>, vector<16xi32>,
        tpu.vector_store_idx %arg16[%get3A_317], %broadcast_in_dim3A_2 {add = true} : memref<16384xf32, #tpu.memory_space<vmem>>[vector<16xi32>], vector<16xf32>,
        %get3A_318 = arith.index_cast %add3A_298 : i32 to index
        %get3A_319 = arith.constant 48 : index
        %get3A_320 = tpu.vector_load %arg7[%get3A_318, %get3A_319] {strides = array<i32>} : memref<64x128xi32, #tpu.memory_space<vmem>>, vector<16xi32>,
        tpu.vector_store_idx %arg16[%get3A_320], %broadcast_in_dim3A_2 {add = true} : memref<16384xf32, #tpu.memory_space<vmem>>[vector<16xi32>], vector<16xf32>,
        %get3A_321 = arith.index_cast %add3A_298 : i32 to index
        %get3A_322 = arith.constant 64 : index
        %get3A_323 = tpu.vector_load %arg7[%get3A_321, %get3A_322] {strides = array<i32>} : memref<64x128xi32, #tpu.memory_space<vmem>>, vector<16xi32>,
        tpu.vector_store_idx %arg16[%get3A_323], %broadcast_in_dim3A_2 {add = true} : memref<16384xf32, #tpu.memory_space<vmem>>[vector<16xi32>], vector<16xf32>,
        %get3A_324 = arith.index_cast %add3A_298 : i32 to index
        %get3A_325 = arith.constant 80 : index
        %get3A_326 = tpu.vector_load %arg7[%get3A_324, %get3A_325] {strides = array<i32>} : memref<64x128xi32, #tpu.memory_space<vmem>>, vector<16xi32>,
        tpu.vector_store_idx %arg16[%get3A_326], %broadcast_in_dim3A_2 {add = true} : memref<16384xf32, #tpu.memory_space<vmem>>[vector<16xi32>], vector<16xf32>,
        %get3A_327 = arith.index_cast %add3A_298 : i32 to index
        %get3A_328 = arith.constant 96 : index
        %get3A_329 = tpu.vector_load %arg7[%get3A_327, %get3A_328] {strides = array<i32>} : memref<64x128xi32, #tpu.memory_space<vmem>>, vector<16xi32>,
        tpu.vector_store_idx %arg16[%get3A_329], %broadcast_in_dim3A_2 {add = true} : memref<16384xf32, #tpu.memory_space<vmem>>[vector<16xi32>], vector<16xf32>,
        %get3A_330 = arith.index_cast %add3A_298 : i32 to index
        %get3A_331 = arith.constant 112 : index
        %get3A_332 = tpu.vector_load %arg7[%get3A_330, %get3A_331] {strides = array<i32>} : memref<64x128xi32, #tpu.memory_space<vmem>>, vector<16xi32>,
        tpu.vector_store_idx %arg16[%get3A_332], %broadcast_in_dim3A_2 {add = true} : memref<16384xf32, #tpu.memory_space<vmem>>[vector<16xi32>], vector<16xf32>,
        %dma_start3A_333 = arith.constant 0 : i32
        %dma_start3A_334 = tpu.memref_slice %arg7[%add3A_298, %dma_start3A_333] : memref<64x128xi32, #tpu.memory_space<vmem>> -> memref<1x128xi32, #tpu.memory_space<vmem>>
        %dma_start3A_335 = tpu.memref_squeeze %dma_start3A_334 : memref<1x128xi32, #tpu.memory_space<vmem>> -> memref<128xi32, #tpu.memory_space<vmem>>
        %dma_start3A_336 = arith.constant 0 : i32
        %dma_start3A_337 = arith.constant 0 : i32
        %dma_start3A_338 = tpu.memref_slice %arg20[%dma_start3A_336, %dma_start3A_337] : memref<16384x64xbf16, #tpu.memory_space<vmem_shared>> -> memref<16384x64xbf16, #tpu.memory_space<vmem_shared>>
        tpu.enqueue_indirect_dma source(%arg10 : memref<128x64xbf16, #tpu.memory_space<vmem>>) target(%dma_start3A_338 : memref<16384x64xbf16, #tpu.memory_space<vmem_shared>>) offsets(%dma_start3A_335 : memref<128xi32, #tpu.memory_space<vmem>>) semaphore(%arg32 : memref<!tpu.dma_semaphore, #tpu.memory_space<semaphore_mem>>) {add = true}
        %add3A_339 = arith.constant 4 : i32
        %add3A_340 = arith.addi %add3A_298, %add3A_339 : i32
        %ge3A_341 = arith.constant 8 : i32
        %ge3A_342 = arith.cmpi sge, %add3A_340, %ge3A_341 : i32
        %convert_element_type3A_343 = arith.extui %ge3A_342 : i1 to i32
        %cond3A_344 = arith.constant 0 : i32
        %cond3A_345 = arith.cmpi ne, %convert_element_type3A_343, %cond3A_344 : i32
        scf.if %cond3A_345 {
          %dma_wait3A_632 = arith.constant 0 : i32
          %dma_wait3A_633 = tpu.memref_slice %arg7[%add3A_298, %dma_wait3A_632] : memref<64x128xi32, #tpu.memory_space<vmem>> -> memref<1x128xi32, #tpu.memory_space<vmem>>
          %dma_wait3A_634 = tpu.memref_squeeze %dma_wait3A_633 : memref<1x128xi32, #tpu.memory_space<vmem>> -> memref<128xi32, #tpu.memory_space<vmem>>
          %dma_wait3A_635 = arith.constant 0 : i32
          %dma_wait3A_636 = arith.constant 0 : i32
          %dma_wait3A_637 = tpu.memref_slice %arg20[%dma_wait3A_635, %dma_wait3A_636] : memref<16384x64xbf16, #tpu.memory_space<vmem_shared>> -> memref<16384x64xbf16, #tpu.memory_space<vmem_shared>>
          tpu.wait_indirect_dma semaphore(%arg36 : memref<!tpu.dma_semaphore, #tpu.memory_space<semaphore_mem>>) src(%arg14 : memref<128x64xbf16, #tpu.memory_space<vmem>>) dst(%dma_wait3A_637 : memref<16384x64xbf16, #tpu.memory_space<vmem_shared>>)
        } else {
        }
        %lt3A_346 = arith.constant 64 : i32
        %lt3A_347 = arith.cmpi slt, %add3A_340, %lt3A_346 : i32
        %convert_element_type3A_348 = arith.extui %lt3A_347 : i1 to i32
        %cond3A_349 = arith.constant 0 : i32
        %cond3A_350 = arith.cmpi ne, %convert_element_type3A_348, %cond3A_349 : i32
        scf.if %cond3A_350 {
          %dma_start3A_632 = arith.constant 0 : i32
          %dma_start3A_633 = tpu.memref_slice %arg6[%add3A_340, %dma_start3A_632] : memref<64x128xi32, #tpu.memory_space<vmem>> -> memref<1x128xi32, #tpu.memory_space<vmem>>
          %dma_start3A_634 = tpu.memref_squeeze %dma_start3A_633 : memref<1x128xi32, #tpu.memory_space<vmem>> -> memref<128xi32, #tpu.memory_space<vmem>>
          %dma_start3A_635 = arith.constant 0 : i32
          %dma_start3A_636 = arith.constant 0 : i32
          %dma_start3A_637 = tpu.memref_slice %arg2[%add3A_58, %dma_start3A_635, %dma_start3A_636] : memref<8x4096x64xbf16, #tpu.memory_space<hbm>> -> memref<1x4096x64xbf16, #tpu.memory_space<hbm>>
          %dma_start3A_638 = tpu.memref_squeeze %dma_start3A_637 : memref<1x4096x64xbf16, #tpu.memory_space<hbm>> -> memref<4096x64xbf16, #tpu.memory_space<hbm>>
          %dma_start3A_639 = arith.constant 0 : i32
          %dma_start3A_640 = arith.constant 0 : i32
          %dma_start3A_641 = tpu.memref_slice %dma_start3A_638[%dma_start3A_639, %dma_start3A_640] : memref<4096x64xbf16, #tpu.memory_space<hbm>> -> memref<4096x64xbf16, #tpu.memory_space<hbm>>
          tpu.enqueue_indirect_dma source(%dma_start3A_641 : memref<4096x64xbf16, #tpu.memory_space<hbm>>) target(%arg14 : memref<128x64xbf16, #tpu.memory_space<vmem>>) offsets(%dma_start3A_634 : memref<128xi32, #tpu.memory_space<vmem>>) semaphore(%arg28 : memref<!tpu.dma_semaphore, #tpu.memory_space<semaphore_mem>>)
        } else {
        }
        %mul3A_351 = arith.constant 8 : i32
        %mul3A_352 = arith.muli %scan3A_186, %mul3A_351 : i32
        %add3A_353 = arith.constant 3 : i32
        %add3A_354 = arith.addi %mul3A_352, %add3A_353 : i32
        %dma_wait3A_355 = arith.constant 0 : i32
        %dma_wait3A_356 = tpu.memref_slice %arg6[%add3A_354, %dma_wait3A_355] : memref<64x128xi32, #tpu.memory_space<vmem>> -> memref<1x128xi32, #tpu.memory_space<vmem>>
        %dma_wait3A_357 = tpu.memref_squeeze %dma_wait3A_356 : memref<1x128xi32, #tpu.memory_space<vmem>> -> memref<128xi32, #tpu.memory_space<vmem>>
        %dma_wait3A_358 = arith.constant 0 : i32
        %dma_wait3A_359 = arith.constant 0 : i32
        %dma_wait3A_360 = tpu.memref_slice %arg2[%add3A_58, %dma_wait3A_358, %dma_wait3A_359] : memref<8x4096x64xbf16, #tpu.memory_space<hbm>> -> memref<1x4096x64xbf16, #tpu.memory_space<hbm>>
        %dma_wait3A_361 = tpu.memref_squeeze %dma_wait3A_360 : memref<1x4096x64xbf16, #tpu.memory_space<hbm>> -> memref<4096x64xbf16, #tpu.memory_space<hbm>>
        %dma_wait3A_362 = arith.constant 0 : i32
        %dma_wait3A_363 = arith.constant 0 : i32
        %dma_wait3A_364 = tpu.memref_slice %dma_wait3A_361[%dma_wait3A_362, %dma_wait3A_363] : memref<4096x64xbf16, #tpu.memory_space<hbm>> -> memref<4096x64xbf16, #tpu.memory_space<hbm>>
        tpu.wait_indirect_dma semaphore(%arg25 : memref<!tpu.dma_semaphore, #tpu.memory_space<semaphore_mem>>) src(%dma_wait3A_364 : memref<4096x64xbf16, #tpu.memory_space<hbm>>) dst(%arg11 : memref<128x64xbf16, #tpu.memory_space<vmem>>)
        %get3A_365 = arith.index_cast %add3A_354 : i32 to index
        %get3A_366 = arith.constant 0 : index
        %get3A_367 = tpu.vector_load %arg7[%get3A_365, %get3A_366] {strides = array<i32>} : memref<64x128xi32, #tpu.memory_space<vmem>>, vector<16xi32>,
        tpu.vector_store_idx %arg16[%get3A_367], %broadcast_in_dim3A_2 {add = true} : memref<16384xf32, #tpu.memory_space<vmem>>[vector<16xi32>], vector<16xf32>,
        %get3A_368 = arith.index_cast %add3A_354 : i32 to index
        %get3A_369 = arith.constant 16 : index
        %get3A_370 = tpu.vector_load %arg7[%get3A_368, %get3A_369] {strides = array<i32>} : memref<64x128xi32, #tpu.memory_space<vmem>>, vector<16xi32>,
        tpu.vector_store_idx %arg16[%get3A_370], %broadcast_in_dim3A_2 {add = true} : memref<16384xf32, #tpu.memory_space<vmem>>[vector<16xi32>], vector<16xf32>,
        %get3A_371 = arith.index_cast %add3A_354 : i32 to index
        %get3A_372 = arith.constant 32 : index
        %get3A_373 = tpu.vector_load %arg7[%get3A_371, %get3A_372] {strides = array<i32>} : memref<64x128xi32, #tpu.memory_space<vmem>>, vector<16xi32>,
        tpu.vector_store_idx %arg16[%get3A_373], %broadcast_in_dim3A_2 {add = true} : memref<16384xf32, #tpu.memory_space<vmem>>[vector<16xi32>], vector<16xf32>,
        %get3A_374 = arith.index_cast %add3A_354 : i32 to index
        %get3A_375 = arith.constant 48 : index
        %get3A_376 = tpu.vector_load %arg7[%get3A_374, %get3A_375] {strides = array<i32>} : memref<64x128xi32, #tpu.memory_space<vmem>>, vector<16xi32>,
        tpu.vector_store_idx %arg16[%get3A_376], %broadcast_in_dim3A_2 {add = true} : memref<16384xf32, #tpu.memory_space<vmem>>[vector<16xi32>], vector<16xf32>,
        %get3A_377 = arith.index_cast %add3A_354 : i32 to index
        %get3A_378 = arith.constant 64 : index
        %get3A_379 = tpu.vector_load %arg7[%get3A_377, %get3A_378] {strides = array<i32>} : memref<64x128xi32, #tpu.memory_space<vmem>>, vector<16xi32>,
        tpu.vector_store_idx %arg16[%get3A_379], %broadcast_in_dim3A_2 {add = true} : memref<16384xf32, #tpu.memory_space<vmem>>[vector<16xi32>], vector<16xf32>,
        %get3A_380 = arith.index_cast %add3A_354 : i32 to index
        %get3A_381 = arith.constant 80 : index
        %get3A_382 = tpu.vector_load %arg7[%get3A_380, %get3A_381] {strides = array<i32>} : memref<64x128xi32, #tpu.memory_space<vmem>>, vector<16xi32>,
        tpu.vector_store_idx %arg16[%get3A_382], %broadcast_in_dim3A_2 {add = true} : memref<16384xf32, #tpu.memory_space<vmem>>[vector<16xi32>], vector<16xf32>,
        %get3A_383 = arith.index_cast %add3A_354 : i32 to index
        %get3A_384 = arith.constant 96 : index
        %get3A_385 = tpu.vector_load %arg7[%get3A_383, %get3A_384] {strides = array<i32>} : memref<64x128xi32, #tpu.memory_space<vmem>>, vector<16xi32>,
        tpu.vector_store_idx %arg16[%get3A_385], %broadcast_in_dim3A_2 {add = true} : memref<16384xf32, #tpu.memory_space<vmem>>[vector<16xi32>], vector<16xf32>,
        %get3A_386 = arith.index_cast %add3A_354 : i32 to index
        %get3A_387 = arith.constant 112 : index
        %get3A_388 = tpu.vector_load %arg7[%get3A_386, %get3A_387] {strides = array<i32>} : memref<64x128xi32, #tpu.memory_space<vmem>>, vector<16xi32>,
        tpu.vector_store_idx %arg16[%get3A_388], %broadcast_in_dim3A_2 {add = true} : memref<16384xf32, #tpu.memory_space<vmem>>[vector<16xi32>], vector<16xf32>,
        %dma_start3A_389 = arith.constant 0 : i32
        %dma_start3A_390 = tpu.memref_slice %arg7[%add3A_354, %dma_start3A_389] : memref<64x128xi32, #tpu.memory_space<vmem>> -> memref<1x128xi32, #tpu.memory_space<vmem>>
        %dma_start3A_391 = tpu.memref_squeeze %dma_start3A_390 : memref<1x128xi32, #tpu.memory_space<vmem>> -> memref<128xi32, #tpu.memory_space<vmem>>
        %dma_start3A_392 = arith.constant 0 : i32
        %dma_start3A_393 = arith.constant 0 : i32
        %dma_start3A_394 = tpu.memref_slice %arg20[%dma_start3A_392, %dma_start3A_393] : memref<16384x64xbf16, #tpu.memory_space<vmem_shared>> -> memref<16384x64xbf16, #tpu.memory_space<vmem_shared>>
        tpu.enqueue_indirect_dma source(%arg11 : memref<128x64xbf16, #tpu.memory_space<vmem>>) target(%dma_start3A_394 : memref<16384x64xbf16, #tpu.memory_space<vmem_shared>>) offsets(%dma_start3A_391 : memref<128xi32, #tpu.memory_space<vmem>>) semaphore(%arg33 : memref<!tpu.dma_semaphore, #tpu.memory_space<semaphore_mem>>) {add = true}
        %add3A_395 = arith.constant 4 : i32
        %add3A_396 = arith.addi %add3A_354, %add3A_395 : i32
        %ge3A_397 = arith.constant 8 : i32
        %ge3A_398 = arith.cmpi sge, %add3A_396, %ge3A_397 : i32
        %convert_element_type3A_399 = arith.extui %ge3A_398 : i1 to i32
        %cond3A_400 = arith.constant 0 : i32
        %cond3A_401 = arith.cmpi ne, %convert_element_type3A_399, %cond3A_400 : i32
        scf.if %cond3A_401 {
          %dma_wait3A_632 = arith.constant 0 : i32
          %dma_wait3A_633 = tpu.memref_slice %arg7[%add3A_354, %dma_wait3A_632] : memref<64x128xi32, #tpu.memory_space<vmem>> -> memref<1x128xi32, #tpu.memory_space<vmem>>
          %dma_wait3A_634 = tpu.memref_squeeze %dma_wait3A_633 : memref<1x128xi32, #tpu.memory_space<vmem>> -> memref<128xi32, #tpu.memory_space<vmem>>
          %dma_wait3A_635 = arith.constant 0 : i32
          %dma_wait3A_636 = arith.constant 0 : i32
          %dma_wait3A_637 = tpu.memref_slice %arg20[%dma_wait3A_635, %dma_wait3A_636] : memref<16384x64xbf16, #tpu.memory_space<vmem_shared>> -> memref<16384x64xbf16, #tpu.memory_space<vmem_shared>>
          tpu.wait_indirect_dma semaphore(%arg37 : memref<!tpu.dma_semaphore, #tpu.memory_space<semaphore_mem>>) src(%arg15 : memref<128x64xbf16, #tpu.memory_space<vmem>>) dst(%dma_wait3A_637 : memref<16384x64xbf16, #tpu.memory_space<vmem_shared>>)
        } else {
        }
        %lt3A_402 = arith.constant 64 : i32
        %lt3A_403 = arith.cmpi slt, %add3A_396, %lt3A_402 : i32
        %convert_element_type3A_404 = arith.extui %lt3A_403 : i1 to i32
        %cond3A_405 = arith.constant 0 : i32
        %cond3A_406 = arith.cmpi ne, %convert_element_type3A_404, %cond3A_405 : i32
        scf.if %cond3A_406 {
          %dma_start3A_632 = arith.constant 0 : i32
          %dma_start3A_633 = tpu.memref_slice %arg6[%add3A_396, %dma_start3A_632] : memref<64x128xi32, #tpu.memory_space<vmem>> -> memref<1x128xi32, #tpu.memory_space<vmem>>
          %dma_start3A_634 = tpu.memref_squeeze %dma_start3A_633 : memref<1x128xi32, #tpu.memory_space<vmem>> -> memref<128xi32, #tpu.memory_space<vmem>>
          %dma_start3A_635 = arith.constant 0 : i32
          %dma_start3A_636 = arith.constant 0 : i32
          %dma_start3A_637 = tpu.memref_slice %arg2[%add3A_58, %dma_start3A_635, %dma_start3A_636] : memref<8x4096x64xbf16, #tpu.memory_space<hbm>> -> memref<1x4096x64xbf16, #tpu.memory_space<hbm>>
          %dma_start3A_638 = tpu.memref_squeeze %dma_start3A_637 : memref<1x4096x64xbf16, #tpu.memory_space<hbm>> -> memref<4096x64xbf16, #tpu.memory_space<hbm>>
          %dma_start3A_639 = arith.constant 0 : i32
          %dma_start3A_640 = arith.constant 0 : i32
          %dma_start3A_641 = tpu.memref_slice %dma_start3A_638[%dma_start3A_639, %dma_start3A_640] : memref<4096x64xbf16, #tpu.memory_space<hbm>> -> memref<4096x64xbf16, #tpu.memory_space<hbm>>
          tpu.enqueue_indirect_dma source(%dma_start3A_641 : memref<4096x64xbf16, #tpu.memory_space<hbm>>) target(%arg15 : memref<128x64xbf16, #tpu.memory_space<vmem>>) offsets(%dma_start3A_634 : memref<128xi32, #tpu.memory_space<vmem>>) semaphore(%arg29 : memref<!tpu.dma_semaphore, #tpu.memory_space<semaphore_mem>>)
        } else {
        }
        %mul3A_407 = arith.constant 8 : i32
        %mul3A_408 = arith.muli %scan3A_186, %mul3A_407 : i32
        %add3A_409 = arith.constant 4 : i32
        %add3A_410 = arith.addi %mul3A_408, %add3A_409 : i32
        %dma_wait3A_411 = arith.constant 0 : i32
        %dma_wait3A_412 = tpu.memref_slice %arg6[%add3A_410, %dma_wait3A_411] : memref<64x128xi32, #tpu.memory_space<vmem>> -> memref<1x128xi32, #tpu.memory_space<vmem>>
        %dma_wait3A_413 = tpu.memref_squeeze %dma_wait3A_412 : memref<1x128xi32, #tpu.memory_space<vmem>> -> memref<128xi32, #tpu.memory_space<vmem>>
        %dma_wait3A_414 = arith.constant 0 : i32
        %dma_wait3A_415 = arith.constant 0 : i32
        %dma_wait3A_416 = tpu.memref_slice %arg2[%add3A_58, %dma_wait3A_414, %dma_wait3A_415] : memref<8x4096x64xbf16, #tpu.memory_space<hbm>> -> memref<1x4096x64xbf16, #tpu.memory_space<hbm>>
        %dma_wait3A_417 = tpu.memref_squeeze %dma_wait3A_416 : memref<1x4096x64xbf16, #tpu.memory_space<hbm>> -> memref<4096x64xbf16, #tpu.memory_space<hbm>>
        %dma_wait3A_418 = arith.constant 0 : i32
        %dma_wait3A_419 = arith.constant 0 : i32
        %dma_wait3A_420 = tpu.memref_slice %dma_wait3A_417[%dma_wait3A_418, %dma_wait3A_419] : memref<4096x64xbf16, #tpu.memory_space<hbm>> -> memref<4096x64xbf16, #tpu.memory_space<hbm>>
        tpu.wait_indirect_dma semaphore(%arg26 : memref<!tpu.dma_semaphore, #tpu.memory_space<semaphore_mem>>) src(%dma_wait3A_420 : memref<4096x64xbf16, #tpu.memory_space<hbm>>) dst(%arg12 : memref<128x64xbf16, #tpu.memory_space<vmem>>)
        %get3A_421 = arith.index_cast %add3A_410 : i32 to index
        %get3A_422 = arith.constant 0 : index
        %get3A_423 = tpu.vector_load %arg7[%get3A_421, %get3A_422] {strides = array<i32>} : memref<64x128xi32, #tpu.memory_space<vmem>>, vector<16xi32>,
        tpu.vector_store_idx %arg16[%get3A_423], %broadcast_in_dim3A_2 {add = true} : memref<16384xf32, #tpu.memory_space<vmem>>[vector<16xi32>], vector<16xf32>,
        %get3A_424 = arith.index_cast %add3A_410 : i32 to index
        %get3A_425 = arith.constant 16 : index
        %get3A_426 = tpu.vector_load %arg7[%get3A_424, %get3A_425] {strides = array<i32>} : memref<64x128xi32, #tpu.memory_space<vmem>>, vector<16xi32>,
        tpu.vector_store_idx %arg16[%get3A_426], %broadcast_in_dim3A_2 {add = true} : memref<16384xf32, #tpu.memory_space<vmem>>[vector<16xi32>], vector<16xf32>,
        %get3A_427 = arith.index_cast %add3A_410 : i32 to index
        %get3A_428 = arith.constant 32 : index
        %get3A_429 = tpu.vector_load %arg7[%get3A_427, %get3A_428] {strides = array<i32>} : memref<64x128xi32, #tpu.memory_space<vmem>>, vector<16xi32>,
        tpu.vector_store_idx %arg16[%get3A_429], %broadcast_in_dim3A_2 {add = true} : memref<16384xf32, #tpu.memory_space<vmem>>[vector<16xi32>], vector<16xf32>,
        %get3A_430 = arith.index_cast %add3A_410 : i32 to index
        %get3A_431 = arith.constant 48 : index
        %get3A_432 = tpu.vector_load %arg7[%get3A_430, %get3A_431] {strides = array<i32>} : memref<64x128xi32, #tpu.memory_space<vmem>>, vector<16xi32>,
        tpu.vector_store_idx %arg16[%get3A_432], %broadcast_in_dim3A_2 {add = true} : memref<16384xf32, #tpu.memory_space<vmem>>[vector<16xi32>], vector<16xf32>,
        %get3A_433 = arith.index_cast %add3A_410 : i32 to index
        %get3A_434 = arith.constant 64 : index
        %get3A_435 = tpu.vector_load %arg7[%get3A_433, %get3A_434] {strides = array<i32>} : memref<64x128xi32, #tpu.memory_space<vmem>>, vector<16xi32>,
        tpu.vector_store_idx %arg16[%get3A_435], %broadcast_in_dim3A_2 {add = true} : memref<16384xf32, #tpu.memory_space<vmem>>[vector<16xi32>], vector<16xf32>,
        %get3A_436 = arith.index_cast %add3A_410 : i32 to index
        %get3A_437 = arith.constant 80 : index
        %get3A_438 = tpu.vector_load %arg7[%get3A_436, %get3A_437] {strides = array<i32>} : memref<64x128xi32, #tpu.memory_space<vmem>>, vector<16xi32>,
        tpu.vector_store_idx %arg16[%get3A_438], %broadcast_in_dim3A_2 {add = true} : memref<16384xf32, #tpu.memory_space<vmem>>[vector<16xi32>], vector<16xf32>,
        %get3A_439 = arith.index_cast %add3A_410 : i32 to index
        %get3A_440 = arith.constant 96 : index
        %get3A_441 = tpu.vector_load %arg7[%get3A_439, %get3A_440] {strides = array<i32>} : memref<64x128xi32, #tpu.memory_space<vmem>>, vector<16xi32>,
        tpu.vector_store_idx %arg16[%get3A_441], %broadcast_in_dim3A_2 {add = true} : memref<16384xf32, #tpu.memory_space<vmem>>[vector<16xi32>], vector<16xf32>,
        %get3A_442 = arith.index_cast %add3A_410 : i32 to index
        %get3A_443 = arith.constant 112 : index
        %get3A_444 = tpu.vector_load %arg7[%get3A_442, %get3A_443] {strides = array<i32>} : memref<64x128xi32, #tpu.memory_space<vmem>>, vector<16xi32>,
        tpu.vector_store_idx %arg16[%get3A_444], %broadcast_in_dim3A_2 {add = true} : memref<16384xf32, #tpu.memory_space<vmem>>[vector<16xi32>], vector<16xf32>,
        %dma_start3A_445 = arith.constant 0 : i32
        %dma_start3A_446 = tpu.memref_slice %arg7[%add3A_410, %dma_start3A_445] : memref<64x128xi32, #tpu.memory_space<vmem>> -> memref<1x128xi32, #tpu.memory_space<vmem>>
        %dma_start3A_447 = tpu.memref_squeeze %dma_start3A_446 : memref<1x128xi32, #tpu.memory_space<vmem>> -> memref<128xi32, #tpu.memory_space<vmem>>
        %dma_start3A_448 = arith.constant 0 : i32
        %dma_start3A_449 = arith.constant 0 : i32
        %dma_start3A_450 = tpu.memref_slice %arg20[%dma_start3A_448, %dma_start3A_449] : memref<16384x64xbf16, #tpu.memory_space<vmem_shared>> -> memref<16384x64xbf16, #tpu.memory_space<vmem_shared>>
        tpu.enqueue_indirect_dma source(%arg12 : memref<128x64xbf16, #tpu.memory_space<vmem>>) target(%dma_start3A_450 : memref<16384x64xbf16, #tpu.memory_space<vmem_shared>>) offsets(%dma_start3A_447 : memref<128xi32, #tpu.memory_space<vmem>>) semaphore(%arg34 : memref<!tpu.dma_semaphore, #tpu.memory_space<semaphore_mem>>) {add = true}
        %add3A_451 = arith.constant 4 : i32
        %add3A_452 = arith.addi %add3A_410, %add3A_451 : i32
        %ge3A_453 = arith.constant 8 : i32
        %ge3A_454 = arith.cmpi sge, %add3A_452, %ge3A_453 : i32
        %convert_element_type3A_455 = arith.extui %ge3A_454 : i1 to i32
        %cond3A_456 = arith.constant 0 : i32
        %cond3A_457 = arith.cmpi ne, %convert_element_type3A_455, %cond3A_456 : i32
        scf.if %cond3A_457 {
          %dma_wait3A_632 = arith.constant 0 : i32
          %dma_wait3A_633 = tpu.memref_slice %arg7[%add3A_410, %dma_wait3A_632] : memref<64x128xi32, #tpu.memory_space<vmem>> -> memref<1x128xi32, #tpu.memory_space<vmem>>
          %dma_wait3A_634 = tpu.memref_squeeze %dma_wait3A_633 : memref<1x128xi32, #tpu.memory_space<vmem>> -> memref<128xi32, #tpu.memory_space<vmem>>
          %dma_wait3A_635 = arith.constant 0 : i32
          %dma_wait3A_636 = arith.constant 0 : i32
          %dma_wait3A_637 = tpu.memref_slice %arg20[%dma_wait3A_635, %dma_wait3A_636] : memref<16384x64xbf16, #tpu.memory_space<vmem_shared>> -> memref<16384x64xbf16, #tpu.memory_space<vmem_shared>>
          tpu.wait_indirect_dma semaphore(%arg30 : memref<!tpu.dma_semaphore, #tpu.memory_space<semaphore_mem>>) src(%arg8 : memref<128x64xbf16, #tpu.memory_space<vmem>>) dst(%dma_wait3A_637 : memref<16384x64xbf16, #tpu.memory_space<vmem_shared>>)
        } else {
        }
        %lt3A_458 = arith.constant 64 : i32
        %lt3A_459 = arith.cmpi slt, %add3A_452, %lt3A_458 : i32
        %convert_element_type3A_460 = arith.extui %lt3A_459 : i1 to i32
        %cond3A_461 = arith.constant 0 : i32
        %cond3A_462 = arith.cmpi ne, %convert_element_type3A_460, %cond3A_461 : i32
        scf.if %cond3A_462 {
          %dma_start3A_632 = arith.constant 0 : i32
          %dma_start3A_633 = tpu.memref_slice %arg6[%add3A_452, %dma_start3A_632] : memref<64x128xi32, #tpu.memory_space<vmem>> -> memref<1x128xi32, #tpu.memory_space<vmem>>
          %dma_start3A_634 = tpu.memref_squeeze %dma_start3A_633 : memref<1x128xi32, #tpu.memory_space<vmem>> -> memref<128xi32, #tpu.memory_space<vmem>>
          %dma_start3A_635 = arith.constant 0 : i32
          %dma_start3A_636 = arith.constant 0 : i32
          %dma_start3A_637 = tpu.memref_slice %arg2[%add3A_58, %dma_start3A_635, %dma_start3A_636] : memref<8x4096x64xbf16, #tpu.memory_space<hbm>> -> memref<1x4096x64xbf16, #tpu.memory_space<hbm>>
          %dma_start3A_638 = tpu.memref_squeeze %dma_start3A_637 : memref<1x4096x64xbf16, #tpu.memory_space<hbm>> -> memref<4096x64xbf16, #tpu.memory_space<hbm>>
          %dma_start3A_639 = arith.constant 0 : i32
          %dma_start3A_640 = arith.constant 0 : i32
          %dma_start3A_641 = tpu.memref_slice %dma_start3A_638[%dma_start3A_639, %dma_start3A_640] : memref<4096x64xbf16, #tpu.memory_space<hbm>> -> memref<4096x64xbf16, #tpu.memory_space<hbm>>
          tpu.enqueue_indirect_dma source(%dma_start3A_641 : memref<4096x64xbf16, #tpu.memory_space<hbm>>) target(%arg8 : memref<128x64xbf16, #tpu.memory_space<vmem>>) offsets(%dma_start3A_634 : memref<128xi32, #tpu.memory_space<vmem>>) semaphore(%arg22 : memref<!tpu.dma_semaphore, #tpu.memory_space<semaphore_mem>>)
        } else {
        }
        %mul3A_463 = arith.constant 8 : i32
        %mul3A_464 = arith.muli %scan3A_186, %mul3A_463 : i32
        %add3A_465 = arith.constant 5 : i32
        %add3A_466 = arith.addi %mul3A_464, %add3A_465 : i32
        %dma_wait3A_467 = arith.constant 0 : i32
        %dma_wait3A_468 = tpu.memref_slice %arg6[%add3A_466, %dma_wait3A_467] : memref<64x128xi32, #tpu.memory_space<vmem>> -> memref<1x128xi32, #tpu.memory_space<vmem>>
        %dma_wait3A_469 = tpu.memref_squeeze %dma_wait3A_468 : memref<1x128xi32, #tpu.memory_space<vmem>> -> memref<128xi32, #tpu.memory_space<vmem>>
        %dma_wait3A_470 = arith.constant 0 : i32
        %dma_wait3A_471 = arith.constant 0 : i32
        %dma_wait3A_472 = tpu.memref_slice %arg2[%add3A_58, %dma_wait3A_470, %dma_wait3A_471] : memref<8x4096x64xbf16, #tpu.memory_space<hbm>> -> memref<1x4096x64xbf16, #tpu.memory_space<hbm>>
        %dma_wait3A_473 = tpu.memref_squeeze %dma_wait3A_472 : memref<1x4096x64xbf16, #tpu.memory_space<hbm>> -> memref<4096x64xbf16, #tpu.memory_space<hbm>>
        %dma_wait3A_474 = arith.constant 0 : i32
        %dma_wait3A_475 = arith.constant 0 : i32
        %dma_wait3A_476 = tpu.memref_slice %dma_wait3A_473[%dma_wait3A_474, %dma_wait3A_475] : memref<4096x64xbf16, #tpu.memory_space<hbm>> -> memref<4096x64xbf16, #tpu.memory_space<hbm>>
        tpu.wait_indirect_dma semaphore(%arg27 : memref<!tpu.dma_semaphore, #tpu.memory_space<semaphore_mem>>) src(%dma_wait3A_476 : memref<4096x64xbf16, #tpu.memory_space<hbm>>) dst(%arg13 : memref<128x64xbf16, #tpu.memory_space<vmem>>)
        %get3A_477 = arith.index_cast %add3A_466 : i32 to index
        %get3A_478 = arith.constant 0 : index
        %get3A_479 = tpu.vector_load %arg7[%get3A_477, %get3A_478] {strides = array<i32>} : memref<64x128xi32, #tpu.memory_space<vmem>>, vector<16xi32>,
        tpu.vector_store_idx %arg16[%get3A_479], %broadcast_in_dim3A_2 {add = true} : memref<16384xf32, #tpu.memory_space<vmem>>[vector<16xi32>], vector<16xf32>,
        %get3A_480 = arith.index_cast %add3A_466 : i32 to index
        %get3A_481 = arith.constant 16 : index
        %get3A_482 = tpu.vector_load %arg7[%get3A_480, %get3A_481] {strides = array<i32>} : memref<64x128xi32, #tpu.memory_space<vmem>>, vector<16xi32>,
        tpu.vector_store_idx %arg16[%get3A_482], %broadcast_in_dim3A_2 {add = true} : memref<16384xf32, #tpu.memory_space<vmem>>[vector<16xi32>], vector<16xf32>,
        %get3A_483 = arith.index_cast %add3A_466 : i32 to index
        %get3A_484 = arith.constant 32 : index
        %get3A_485 = tpu.vector_load %arg7[%get3A_483, %get3A_484] {strides = array<i32>} : memref<64x128xi32, #tpu.memory_space<vmem>>, vector<16xi32>,
        tpu.vector_store_idx %arg16[%get3A_485], %broadcast_in_dim3A_2 {add = true} : memref<16384xf32, #tpu.memory_space<vmem>>[vector<16xi32>], vector<16xf32>,
        %get3A_486 = arith.index_cast %add3A_466 : i32 to index
        %get3A_487 = arith.constant 48 : index
        %get3A_488 = tpu.vector_load %arg7[%get3A_486, %get3A_487] {strides = array<i32>} : memref<64x128xi32, #tpu.memory_space<vmem>>, vector<16xi32>,
        tpu.vector_store_idx %arg16[%get3A_488], %broadcast_in_dim3A_2 {add = true} : memref<16384xf32, #tpu.memory_space<vmem>>[vector<16xi32>], vector<16xf32>,
        %get3A_489 = arith.index_cast %add3A_466 : i32 to index
        %get3A_490 = arith.constant 64 : index
        %get3A_491 = tpu.vector_load %arg7[%get3A_489, %get3A_490] {strides = array<i32>} : memref<64x128xi32, #tpu.memory_space<vmem>>, vector<16xi32>,
        tpu.vector_store_idx %arg16[%get3A_491], %broadcast_in_dim3A_2 {add = true} : memref<16384xf32, #tpu.memory_space<vmem>>[vector<16xi32>], vector<16xf32>,
        %get3A_492 = arith.index_cast %add3A_466 : i32 to index
        %get3A_493 = arith.constant 80 : index
        %get3A_494 = tpu.vector_load %arg7[%get3A_492, %get3A_493] {strides = array<i32>} : memref<64x128xi32, #tpu.memory_space<vmem>>, vector<16xi32>,
        tpu.vector_store_idx %arg16[%get3A_494], %broadcast_in_dim3A_2 {add = true} : memref<16384xf32, #tpu.memory_space<vmem>>[vector<16xi32>], vector<16xf32>,
        %get3A_495 = arith.index_cast %add3A_466 : i32 to index
        %get3A_496 = arith.constant 96 : index
        %get3A_497 = tpu.vector_load %arg7[%get3A_495, %get3A_496] {strides = array<i32>} : memref<64x128xi32, #tpu.memory_space<vmem>>, vector<16xi32>,
        tpu.vector_store_idx %arg16[%get3A_497], %broadcast_in_dim3A_2 {add = true} : memref<16384xf32, #tpu.memory_space<vmem>>[vector<16xi32>], vector<16xf32>,
        %get3A_498 = arith.index_cast %add3A_466 : i32 to index
        %get3A_499 = arith.constant 112 : index
        %get3A_500 = tpu.vector_load %arg7[%get3A_498, %get3A_499] {strides = array<i32>} : memref<64x128xi32, #tpu.memory_space<vmem>>, vector<16xi32>,
        tpu.vector_store_idx %arg16[%get3A_500], %broadcast_in_dim3A_2 {add = true} : memref<16384xf32, #tpu.memory_space<vmem>>[vector<16xi32>], vector<16xf32>,
        %dma_start3A_501 = arith.constant 0 : i32
        %dma_start3A_502 = tpu.memref_slice %arg7[%add3A_466, %dma_start3A_501] : memref<64x128xi32, #tpu.memory_space<vmem>> -> memref<1x128xi32, #tpu.memory_space<vmem>>
        %dma_start3A_503 = tpu.memref_squeeze %dma_start3A_502 : memref<1x128xi32, #tpu.memory_space<vmem>> -> memref<128xi32, #tpu.memory_space<vmem>>
        %dma_start3A_504 = arith.constant 0 : i32
        %dma_start3A_505 = arith.constant 0 : i32
        %dma_start3A_506 = tpu.memref_slice %arg20[%dma_start3A_504, %dma_start3A_505] : memref<16384x64xbf16, #tpu.memory_space<vmem_shared>> -> memref<16384x64xbf16, #tpu.memory_space<vmem_shared>>
        tpu.enqueue_indirect_dma source(%arg13 : memref<128x64xbf16, #tpu.memory_space<vmem>>) target(%dma_start3A_506 : memref<16384x64xbf16, #tpu.memory_space<vmem_shared>>) offsets(%dma_start3A_503 : memref<128xi32, #tpu.memory_space<vmem>>) semaphore(%arg35 : memref<!tpu.dma_semaphore, #tpu.memory_space<semaphore_mem>>) {add = true}
        %add3A_507 = arith.constant 4 : i32
        %add3A_508 = arith.addi %add3A_466, %add3A_507 : i32
        %ge3A_509 = arith.constant 8 : i32
        %ge3A_510 = arith.cmpi sge, %add3A_508, %ge3A_509 : i32
        %convert_element_type3A_511 = arith.extui %ge3A_510 : i1 to i32
        %cond3A_512 = arith.constant 0 : i32
        %cond3A_513 = arith.cmpi ne, %convert_element_type3A_511, %cond3A_512 : i32
        scf.if %cond3A_513 {
          %dma_wait3A_632 = arith.constant 0 : i32
          %dma_wait3A_633 = tpu.memref_slice %arg7[%add3A_466, %dma_wait3A_632] : memref<64x128xi32, #tpu.memory_space<vmem>> -> memref<1x128xi32, #tpu.memory_space<vmem>>
          %dma_wait3A_634 = tpu.memref_squeeze %dma_wait3A_633 : memref<1x128xi32, #tpu.memory_space<vmem>> -> memref<128xi32, #tpu.memory_space<vmem>>
          %dma_wait3A_635 = arith.constant 0 : i32
          %dma_wait3A_636 = arith.constant 0 : i32
          %dma_wait3A_637 = tpu.memref_slice %arg20[%dma_wait3A_635, %dma_wait3A_636] : memref<16384x64xbf16, #tpu.memory_space<vmem_shared>> -> memref<16384x64xbf16, #tpu.memory_space<vmem_shared>>
          tpu.wait_indirect_dma semaphore(%arg31 : memref<!tpu.dma_semaphore, #tpu.memory_space<semaphore_mem>>) src(%arg9 : memref<128x64xbf16, #tpu.memory_space<vmem>>) dst(%dma_wait3A_637 : memref<16384x64xbf16, #tpu.memory_space<vmem_shared>>)
        } else {
        }
        %lt3A_514 = arith.constant 64 : i32
        %lt3A_515 = arith.cmpi slt, %add3A_508, %lt3A_514 : i32
        %convert_element_type3A_516 = arith.extui %lt3A_515 : i1 to i32
        %cond3A_517 = arith.constant 0 : i32
        %cond3A_518 = arith.cmpi ne, %convert_element_type3A_516, %cond3A_517 : i32
        scf.if %cond3A_518 {
          %dma_start3A_632 = arith.constant 0 : i32
          %dma_start3A_633 = tpu.memref_slice %arg6[%add3A_508, %dma_start3A_632] : memref<64x128xi32, #tpu.memory_space<vmem>> -> memref<1x128xi32, #tpu.memory_space<vmem>>
          %dma_start3A_634 = tpu.memref_squeeze %dma_start3A_633 : memref<1x128xi32, #tpu.memory_space<vmem>> -> memref<128xi32, #tpu.memory_space<vmem>>
          %dma_start3A_635 = arith.constant 0 : i32
          %dma_start3A_636 = arith.constant 0 : i32
          %dma_start3A_637 = tpu.memref_slice %arg2[%add3A_58, %dma_start3A_635, %dma_start3A_636] : memref<8x4096x64xbf16, #tpu.memory_space<hbm>> -> memref<1x4096x64xbf16, #tpu.memory_space<hbm>>
          %dma_start3A_638 = tpu.memref_squeeze %dma_start3A_637 : memref<1x4096x64xbf16, #tpu.memory_space<hbm>> -> memref<4096x64xbf16, #tpu.memory_space<hbm>>
          %dma_start3A_639 = arith.constant 0 : i32
          %dma_start3A_640 = arith.constant 0 : i32
          %dma_start3A_641 = tpu.memref_slice %dma_start3A_638[%dma_start3A_639, %dma_start3A_640] : memref<4096x64xbf16, #tpu.memory_space<hbm>> -> memref<4096x64xbf16, #tpu.memory_space<hbm>>
          tpu.enqueue_indirect_dma source(%dma_start3A_641 : memref<4096x64xbf16, #tpu.memory_space<hbm>>) target(%arg9 : memref<128x64xbf16, #tpu.memory_space<vmem>>) offsets(%dma_start3A_634 : memref<128xi32, #tpu.memory_space<vmem>>) semaphore(%arg23 : memref<!tpu.dma_semaphore, #tpu.memory_space<semaphore_mem>>)
        } else {
        }
        %mul3A_519 = arith.constant 8 : i32
        %mul3A_520 = arith.muli %scan3A_186, %mul3A_519 : i32
        %add3A_521 = arith.constant 6 : i32
        %add3A_522 = arith.addi %mul3A_520, %add3A_521 : i32
        %dma_wait3A_523 = arith.constant 0 : i32
        %dma_wait3A_524 = tpu.memref_slice %arg6[%add3A_522, %dma_wait3A_523] : memref<64x128xi32, #tpu.memory_space<vmem>> -> memref<1x128xi32, #tpu.memory_space<vmem>>
        %dma_wait3A_525 = tpu.memref_squeeze %dma_wait3A_524 : memref<1x128xi32, #tpu.memory_space<vmem>> -> memref<128xi32, #tpu.memory_space<vmem>>
        %dma_wait3A_526 = arith.constant 0 : i32
        %dma_wait3A_527 = arith.constant 0 : i32
        %dma_wait3A_528 = tpu.memref_slice %arg2[%add3A_58, %dma_wait3A_526, %dma_wait3A_527] : memref<8x4096x64xbf16, #tpu.memory_space<hbm>> -> memref<1x4096x64xbf16, #tpu.memory_space<hbm>>
        %dma_wait3A_529 = tpu.memref_squeeze %dma_wait3A_528 : memref<1x4096x64xbf16, #tpu.memory_space<hbm>> -> memref<4096x64xbf16, #tpu.memory_space<hbm>>
        %dma_wait3A_530 = arith.constant 0 : i32
        %dma_wait3A_531 = arith.constant 0 : i32
        %dma_wait3A_532 = tpu.memref_slice %dma_wait3A_529[%dma_wait3A_530, %dma_wait3A_531] : memref<4096x64xbf16, #tpu.memory_space<hbm>> -> memref<4096x64xbf16, #tpu.memory_space<hbm>>
        tpu.wait_indirect_dma semaphore(%arg28 : memref<!tpu.dma_semaphore, #tpu.memory_space<semaphore_mem>>) src(%dma_wait3A_532 : memref<4096x64xbf16, #tpu.memory_space<hbm>>) dst(%arg14 : memref<128x64xbf16, #tpu.memory_space<vmem>>)
        %get3A_533 = arith.index_cast %add3A_522 : i32 to index
        %get3A_534 = arith.constant 0 : index
        %get3A_535 = tpu.vector_load %arg7[%get3A_533, %get3A_534] {strides = array<i32>} : memref<64x128xi32, #tpu.memory_space<vmem>>, vector<16xi32>,
        tpu.vector_store_idx %arg16[%get3A_535], %broadcast_in_dim3A_2 {add = true} : memref<16384xf32, #tpu.memory_space<vmem>>[vector<16xi32>], vector<16xf32>,
        %get3A_536 = arith.index_cast %add3A_522 : i32 to index
        %get3A_537 = arith.constant 16 : index
        %get3A_538 = tpu.vector_load %arg7[%get3A_536, %get3A_537] {strides = array<i32>} : memref<64x128xi32, #tpu.memory_space<vmem>>, vector<16xi32>,
        tpu.vector_store_idx %arg16[%get3A_538], %broadcast_in_dim3A_2 {add = true} : memref<16384xf32, #tpu.memory_space<vmem>>[vector<16xi32>], vector<16xf32>,
        %get3A_539 = arith.index_cast %add3A_522 : i32 to index
        %get3A_540 = arith.constant 32 : index
        %get3A_541 = tpu.vector_load %arg7[%get3A_539, %get3A_540] {strides = array<i32>} : memref<64x128xi32, #tpu.memory_space<vmem>>, vector<16xi32>,
        tpu.vector_store_idx %arg16[%get3A_541], %broadcast_in_dim3A_2 {add = true} : memref<16384xf32, #tpu.memory_space<vmem>>[vector<16xi32>], vector<16xf32>,
        %get3A_542 = arith.index_cast %add3A_522 : i32 to index
        %get3A_543 = arith.constant 48 : index
        %get3A_544 = tpu.vector_load %arg7[%get3A_542, %get3A_543] {strides = array<i32>} : memref<64x128xi32, #tpu.memory_space<vmem>>, vector<16xi32>,
        tpu.vector_store_idx %arg16[%get3A_544], %broadcast_in_dim3A_2 {add = true} : memref<16384xf32, #tpu.memory_space<vmem>>[vector<16xi32>], vector<16xf32>,
        %get3A_545 = arith.index_cast %add3A_522 : i32 to index
        %get3A_546 = arith.constant 64 : index
        %get3A_547 = tpu.vector_load %arg7[%get3A_545, %get3A_546] {strides = array<i32>} : memref<64x128xi32, #tpu.memory_space<vmem>>, vector<16xi32>,
        tpu.vector_store_idx %arg16[%get3A_547], %broadcast_in_dim3A_2 {add = true} : memref<16384xf32, #tpu.memory_space<vmem>>[vector<16xi32>], vector<16xf32>,
        %get3A_548 = arith.index_cast %add3A_522 : i32 to index
        %get3A_549 = arith.constant 80 : index
        %get3A_550 = tpu.vector_load %arg7[%get3A_548, %get3A_549] {strides = array<i32>} : memref<64x128xi32, #tpu.memory_space<vmem>>, vector<16xi32>,
        tpu.vector_store_idx %arg16[%get3A_550], %broadcast_in_dim3A_2 {add = true} : memref<16384xf32, #tpu.memory_space<vmem>>[vector<16xi32>], vector<16xf32>,
        %get3A_551 = arith.index_cast %add3A_522 : i32 to index
        %get3A_552 = arith.constant 96 : index
        %get3A_553 = tpu.vector_load %arg7[%get3A_551, %get3A_552] {strides = array<i32>} : memref<64x128xi32, #tpu.memory_space<vmem>>, vector<16xi32>,
        tpu.vector_store_idx %arg16[%get3A_553], %broadcast_in_dim3A_2 {add = true} : memref<16384xf32, #tpu.memory_space<vmem>>[vector<16xi32>], vector<16xf32>,
        %get3A_554 = arith.index_cast %add3A_522 : i32 to index
        %get3A_555 = arith.constant 112 : index
        %get3A_556 = tpu.vector_load %arg7[%get3A_554, %get3A_555] {strides = array<i32>} : memref<64x128xi32, #tpu.memory_space<vmem>>, vector<16xi32>,
        tpu.vector_store_idx %arg16[%get3A_556], %broadcast_in_dim3A_2 {add = true} : memref<16384xf32, #tpu.memory_space<vmem>>[vector<16xi32>], vector<16xf32>,
        %dma_start3A_557 = arith.constant 0 : i32
        %dma_start3A_558 = tpu.memref_slice %arg7[%add3A_522, %dma_start3A_557] : memref<64x128xi32, #tpu.memory_space<vmem>> -> memref<1x128xi32, #tpu.memory_space<vmem>>
        %dma_start3A_559 = tpu.memref_squeeze %dma_start3A_558 : memref<1x128xi32, #tpu.memory_space<vmem>> -> memref<128xi32, #tpu.memory_space<vmem>>
        %dma_start3A_560 = arith.constant 0 : i32
        %dma_start3A_561 = arith.constant 0 : i32
        %dma_start3A_562 = tpu.memref_slice %arg20[%dma_start3A_560, %dma_start3A_561] : memref<16384x64xbf16, #tpu.memory_space<vmem_shared>> -> memref<16384x64xbf16, #tpu.memory_space<vmem_shared>>
        tpu.enqueue_indirect_dma source(%arg14 : memref<128x64xbf16, #tpu.memory_space<vmem>>) target(%dma_start3A_562 : memref<16384x64xbf16, #tpu.memory_space<vmem_shared>>) offsets(%dma_start3A_559 : memref<128xi32, #tpu.memory_space<vmem>>) semaphore(%arg36 : memref<!tpu.dma_semaphore, #tpu.memory_space<semaphore_mem>>) {add = true}
        %add3A_563 = arith.constant 4 : i32
        %add3A_564 = arith.addi %add3A_522, %add3A_563 : i32
        %ge3A_565 = arith.constant 8 : i32
        %ge3A_566 = arith.cmpi sge, %add3A_564, %ge3A_565 : i32
        %convert_element_type3A_567 = arith.extui %ge3A_566 : i1 to i32
        %cond3A_568 = arith.constant 0 : i32
        %cond3A_569 = arith.cmpi ne, %convert_element_type3A_567, %cond3A_568 : i32
        scf.if %cond3A_569 {
          %dma_wait3A_632 = arith.constant 0 : i32
          %dma_wait3A_633 = tpu.memref_slice %arg7[%add3A_522, %dma_wait3A_632] : memref<64x128xi32, #tpu.memory_space<vmem>> -> memref<1x128xi32, #tpu.memory_space<vmem>>
          %dma_wait3A_634 = tpu.memref_squeeze %dma_wait3A_633 : memref<1x128xi32, #tpu.memory_space<vmem>> -> memref<128xi32, #tpu.memory_space<vmem>>
          %dma_wait3A_635 = arith.constant 0 : i32
          %dma_wait3A_636 = arith.constant 0 : i32
          %dma_wait3A_637 = tpu.memref_slice %arg20[%dma_wait3A_635, %dma_wait3A_636] : memref<16384x64xbf16, #tpu.memory_space<vmem_shared>> -> memref<16384x64xbf16, #tpu.memory_space<vmem_shared>>
          tpu.wait_indirect_dma semaphore(%arg32 : memref<!tpu.dma_semaphore, #tpu.memory_space<semaphore_mem>>) src(%arg10 : memref<128x64xbf16, #tpu.memory_space<vmem>>) dst(%dma_wait3A_637 : memref<16384x64xbf16, #tpu.memory_space<vmem_shared>>)
        } else {
        }
        %lt3A_570 = arith.constant 64 : i32
        %lt3A_571 = arith.cmpi slt, %add3A_564, %lt3A_570 : i32
        %convert_element_type3A_572 = arith.extui %lt3A_571 : i1 to i32
        %cond3A_573 = arith.constant 0 : i32
        %cond3A_574 = arith.cmpi ne, %convert_element_type3A_572, %cond3A_573 : i32
        scf.if %cond3A_574 {
          %dma_start3A_632 = arith.constant 0 : i32
          %dma_start3A_633 = tpu.memref_slice %arg6[%add3A_564, %dma_start3A_632] : memref<64x128xi32, #tpu.memory_space<vmem>> -> memref<1x128xi32, #tpu.memory_space<vmem>>
          %dma_start3A_634 = tpu.memref_squeeze %dma_start3A_633 : memref<1x128xi32, #tpu.memory_space<vmem>> -> memref<128xi32, #tpu.memory_space<vmem>>
          %dma_start3A_635 = arith.constant 0 : i32
          %dma_start3A_636 = arith.constant 0 : i32
          %dma_start3A_637 = tpu.memref_slice %arg2[%add3A_58, %dma_start3A_635, %dma_start3A_636] : memref<8x4096x64xbf16, #tpu.memory_space<hbm>> -> memref<1x4096x64xbf16, #tpu.memory_space<hbm>>
          %dma_start3A_638 = tpu.memref_squeeze %dma_start3A_637 : memref<1x4096x64xbf16, #tpu.memory_space<hbm>> -> memref<4096x64xbf16, #tpu.memory_space<hbm>>
          %dma_start3A_639 = arith.constant 0 : i32
          %dma_start3A_640 = arith.constant 0 : i32
          %dma_start3A_641 = tpu.memref_slice %dma_start3A_638[%dma_start3A_639, %dma_start3A_640] : memref<4096x64xbf16, #tpu.memory_space<hbm>> -> memref<4096x64xbf16, #tpu.memory_space<hbm>>
          tpu.enqueue_indirect_dma source(%dma_start3A_641 : memref<4096x64xbf16, #tpu.memory_space<hbm>>) target(%arg10 : memref<128x64xbf16, #tpu.memory_space<vmem>>) offsets(%dma_start3A_634 : memref<128xi32, #tpu.memory_space<vmem>>) semaphore(%arg24 : memref<!tpu.dma_semaphore, #tpu.memory_space<semaphore_mem>>)
        } else {
        }
        %mul3A_575 = arith.constant 8 : i32
        %mul3A_576 = arith.muli %scan3A_186, %mul3A_575 : i32
        %add3A_577 = arith.constant 7 : i32
        %add3A_578 = arith.addi %mul3A_576, %add3A_577 : i32
        %dma_wait3A_579 = arith.constant 0 : i32
        %dma_wait3A_580 = tpu.memref_slice %arg6[%add3A_578, %dma_wait3A_579] : memref<64x128xi32, #tpu.memory_space<vmem>> -> memref<1x128xi32, #tpu.memory_space<vmem>>
        %dma_wait3A_581 = tpu.memref_squeeze %dma_wait3A_580 : memref<1x128xi32, #tpu.memory_space<vmem>> -> memref<128xi32, #tpu.memory_space<vmem>>
        %dma_wait3A_582 = arith.constant 0 : i32
        %dma_wait3A_583 = arith.constant 0 : i32
        %dma_wait3A_584 = tpu.memref_slice %arg2[%add3A_58, %dma_wait3A_582, %dma_wait3A_583] : memref<8x4096x64xbf16, #tpu.memory_space<hbm>> -> memref<1x4096x64xbf16, #tpu.memory_space<hbm>>
        %dma_wait3A_585 = tpu.memref_squeeze %dma_wait3A_584 : memref<1x4096x64xbf16, #tpu.memory_space<hbm>> -> memref<4096x64xbf16, #tpu.memory_space<hbm>>
        %dma_wait3A_586 = arith.constant 0 : i32
        %dma_wait3A_587 = arith.constant 0 : i32
        %dma_wait3A_588 = tpu.memref_slice %dma_wait3A_585[%dma_wait3A_586, %dma_wait3A_587] : memref<4096x64xbf16, #tpu.memory_space<hbm>> -> memref<4096x64xbf16, #tpu.memory_space<hbm>>
        tpu.wait_indirect_dma semaphore(%arg29 : memref<!tpu.dma_semaphore, #tpu.memory_space<semaphore_mem>>) src(%dma_wait3A_588 : memref<4096x64xbf16, #tpu.memory_space<hbm>>) dst(%arg15 : memref<128x64xbf16, #tpu.memory_space<vmem>>)
        %get3A_589 = arith.index_cast %add3A_578 : i32 to index
        %get3A_590 = arith.constant 0 : index
        %get3A_591 = tpu.vector_load %arg7[%get3A_589, %get3A_590] {strides = array<i32>} : memref<64x128xi32, #tpu.memory_space<vmem>>, vector<16xi32>,
        tpu.vector_store_idx %arg16[%get3A_591], %broadcast_in_dim3A_2 {add = true} : memref<16384xf32, #tpu.memory_space<vmem>>[vector<16xi32>], vector<16xf32>,
        %get3A_592 = arith.index_cast %add3A_578 : i32 to index
        %get3A_593 = arith.constant 16 : index
        %get3A_594 = tpu.vector_load %arg7[%get3A_592, %get3A_593] {strides = array<i32>} : memref<64x128xi32, #tpu.memory_space<vmem>>, vector<16xi32>,
        tpu.vector_store_idx %arg16[%get3A_594], %broadcast_in_dim3A_2 {add = true} : memref<16384xf32, #tpu.memory_space<vmem>>[vector<16xi32>], vector<16xf32>,
        %get3A_595 = arith.index_cast %add3A_578 : i32 to index
        %get3A_596 = arith.constant 32 : index
        %get3A_597 = tpu.vector_load %arg7[%get3A_595, %get3A_596] {strides = array<i32>} : memref<64x128xi32, #tpu.memory_space<vmem>>, vector<16xi32>,
        tpu.vector_store_idx %arg16[%get3A_597], %broadcast_in_dim3A_2 {add = true} : memref<16384xf32, #tpu.memory_space<vmem>>[vector<16xi32>], vector<16xf32>,
        %get3A_598 = arith.index_cast %add3A_578 : i32 to index
        %get3A_599 = arith.constant 48 : index
        %get3A_600 = tpu.vector_load %arg7[%get3A_598, %get3A_599] {strides = array<i32>} : memref<64x128xi32, #tpu.memory_space<vmem>>, vector<16xi32>,
        tpu.vector_store_idx %arg16[%get3A_600], %broadcast_in_dim3A_2 {add = true} : memref<16384xf32, #tpu.memory_space<vmem>>[vector<16xi32>], vector<16xf32>,
        %get3A_601 = arith.index_cast %add3A_578 : i32 to index
        %get3A_602 = arith.constant 64 : index
        %get3A_603 = tpu.vector_load %arg7[%get3A_601, %get3A_602] {strides = array<i32>} : memref<64x128xi32, #tpu.memory_space<vmem>>, vector<16xi32>,
        tpu.vector_store_idx %arg16[%get3A_603], %broadcast_in_dim3A_2 {add = true} : memref<16384xf32, #tpu.memory_space<vmem>>[vector<16xi32>], vector<16xf32>,
        %get3A_604 = arith.index_cast %add3A_578 : i32 to index
        %get3A_605 = arith.constant 80 : index
        %get3A_606 = tpu.vector_load %arg7[%get3A_604, %get3A_605] {strides = array<i32>} : memref<64x128xi32, #tpu.memory_space<vmem>>, vector<16xi32>,
        tpu.vector_store_idx %arg16[%get3A_606], %broadcast_in_dim3A_2 {add = true} : memref<16384xf32, #tpu.memory_space<vmem>>[vector<16xi32>], vector<16xf32>,
        %get3A_607 = arith.index_cast %add3A_578 : i32 to index
        %get3A_608 = arith.constant 96 : index
        %get3A_609 = tpu.vector_load %arg7[%get3A_607, %get3A_608] {strides = array<i32>} : memref<64x128xi32, #tpu.memory_space<vmem>>, vector<16xi32>,
        tpu.vector_store_idx %arg16[%get3A_609], %broadcast_in_dim3A_2 {add = true} : memref<16384xf32, #tpu.memory_space<vmem>>[vector<16xi32>], vector<16xf32>,
        %get3A_610 = arith.index_cast %add3A_578 : i32 to index
        %get3A_611 = arith.constant 112 : index
        %get3A_612 = tpu.vector_load %arg7[%get3A_610, %get3A_611] {strides = array<i32>} : memref<64x128xi32, #tpu.memory_space<vmem>>, vector<16xi32>,
        tpu.vector_store_idx %arg16[%get3A_612], %broadcast_in_dim3A_2 {add = true} : memref<16384xf32, #tpu.memory_space<vmem>>[vector<16xi32>], vector<16xf32>,
        %dma_start3A_613 = arith.constant 0 : i32
        %dma_start3A_614 = tpu.memref_slice %arg7[%add3A_578, %dma_start3A_613] : memref<64x128xi32, #tpu.memory_space<vmem>> -> memref<1x128xi32, #tpu.memory_space<vmem>>
        %dma_start3A_615 = tpu.memref_squeeze %dma_start3A_614 : memref<1x128xi32, #tpu.memory_space<vmem>> -> memref<128xi32, #tpu.memory_space<vmem>>
        %dma_start3A_616 = arith.constant 0 : i32
        %dma_start3A_617 = arith.constant 0 : i32
        %dma_start3A_618 = tpu.memref_slice %arg20[%dma_start3A_616, %dma_start3A_617] : memref<16384x64xbf16, #tpu.memory_space<vmem_shared>> -> memref<16384x64xbf16, #tpu.memory_space<vmem_shared>>
        tpu.enqueue_indirect_dma source(%arg15 : memref<128x64xbf16, #tpu.memory_space<vmem>>) target(%dma_start3A_618 : memref<16384x64xbf16, #tpu.memory_space<vmem_shared>>) offsets(%dma_start3A_615 : memref<128xi32, #tpu.memory_space<vmem>>) semaphore(%arg37 : memref<!tpu.dma_semaphore, #tpu.memory_space<semaphore_mem>>) {add = true}
        %add3A_619 = arith.constant 4 : i32
        %add3A_620 = arith.addi %add3A_578, %add3A_619 : i32
        %ge3A_621 = arith.constant 8 : i32
        %ge3A_622 = arith.cmpi sge, %add3A_620, %ge3A_621 : i32
        %convert_element_type3A_623 = arith.extui %ge3A_622 : i1 to i32
        %cond3A_624 = arith.constant 0 : i32
        %cond3A_625 = arith.cmpi ne, %convert_element_type3A_623, %cond3A_624 : i32
        scf.if %cond3A_625 {
          %dma_wait3A_632 = arith.constant 0 : i32
          %dma_wait3A_633 = tpu.memref_slice %arg7[%add3A_578, %dma_wait3A_632] : memref<64x128xi32, #tpu.memory_space<vmem>> -> memref<1x128xi32, #tpu.memory_space<vmem>>
          %dma_wait3A_634 = tpu.memref_squeeze %dma_wait3A_633 : memref<1x128xi32, #tpu.memory_space<vmem>> -> memref<128xi32, #tpu.memory_space<vmem>>
          %dma_wait3A_635 = arith.constant 0 : i32
          %dma_wait3A_636 = arith.constant 0 : i32
          %dma_wait3A_637 = tpu.memref_slice %arg20[%dma_wait3A_635, %dma_wait3A_636] : memref<16384x64xbf16, #tpu.memory_space<vmem_shared>> -> memref<16384x64xbf16, #tpu.memory_space<vmem_shared>>
          tpu.wait_indirect_dma semaphore(%arg33 : memref<!tpu.dma_semaphore, #tpu.memory_space<semaphore_mem>>) src(%arg11 : memref<128x64xbf16, #tpu.memory_space<vmem>>) dst(%dma_wait3A_637 : memref<16384x64xbf16, #tpu.memory_space<vmem_shared>>)
        } else {
        }
        %lt3A_626 = arith.constant 64 : i32
        %lt3A_627 = arith.cmpi slt, %add3A_620, %lt3A_626 : i32
        %convert_element_type3A_628 = arith.extui %lt3A_627 : i1 to i32
        %cond3A_629 = arith.constant 0 : i32
        %cond3A_630 = arith.cmpi ne, %convert_element_type3A_628, %cond3A_629 : i32
        scf.if %cond3A_630 {
          %dma_start3A_632 = arith.constant 0 : i32
          %dma_start3A_633 = tpu.memref_slice %arg6[%add3A_620, %dma_start3A_632] : memref<64x128xi32, #tpu.memory_space<vmem>> -> memref<1x128xi32, #tpu.memory_space<vmem>>
          %dma_start3A_634 = tpu.memref_squeeze %dma_start3A_633 : memref<1x128xi32, #tpu.memory_space<vmem>> -> memref<128xi32, #tpu.memory_space<vmem>>
          %dma_start3A_635 = arith.constant 0 : i32
          %dma_start3A_636 = arith.constant 0 : i32
          %dma_start3A_637 = tpu.memref_slice %arg2[%add3A_58, %dma_start3A_635, %dma_start3A_636] : memref<8x4096x64xbf16, #tpu.memory_space<hbm>> -> memref<1x4096x64xbf16, #tpu.memory_space<hbm>>
          %dma_start3A_638 = tpu.memref_squeeze %dma_start3A_637 : memref<1x4096x64xbf16, #tpu.memory_space<hbm>> -> memref<4096x64xbf16, #tpu.memory_space<hbm>>
          %dma_start3A_639 = arith.constant 0 : i32
          %dma_start3A_640 = arith.constant 0 : i32
          %dma_start3A_641 = tpu.memref_slice %dma_start3A_638[%dma_start3A_639, %dma_start3A_640] : memref<4096x64xbf16, #tpu.memory_space<hbm>> -> memref<4096x64xbf16, #tpu.memory_space<hbm>>
          tpu.enqueue_indirect_dma source(%dma_start3A_641 : memref<4096x64xbf16, #tpu.memory_space<hbm>>) target(%arg11 : memref<128x64xbf16, #tpu.memory_space<vmem>>) offsets(%dma_start3A_634 : memref<128xi32, #tpu.memory_space<vmem>>) semaphore(%arg25 : memref<!tpu.dma_semaphore, #tpu.memory_space<semaphore_mem>>)
        } else {
        }
        %scan3A_631 = arith.constant 0 : i32
        scf.yield %scan3A_631 : i32
      }
      %scan3A_156 = arith.constant 8 : i32
      %dma_wait3A_157 = arith.constant 4 : i32
      %dma_wait3A_158 = arith.constant 0 : i32
      %dma_wait3A_159 = tpu.memref_slice %arg7[%dma_wait3A_157, %dma_wait3A_158] : memref<64x128xi32, #tpu.memory_space<vmem>> -> memref<1x128xi32, #tpu.memory_space<vmem>>
      %dma_wait3A_160 = tpu.memref_squeeze %dma_wait3A_159 : memref<1x128xi32, #tpu.memory_space<vmem>> -> memref<128xi32, #tpu.memory_space<vmem>>
      %dma_wait3A_161 = arith.constant 0 : i32
      %dma_wait3A_162 = arith.constant 0 : i32
      %dma_wait3A_163 = tpu.memref_slice %arg20[%dma_wait3A_161, %dma_wait3A_162] : memref<16384x64xbf16, #tpu.memory_space<vmem_shared>> -> memref<16384x64xbf16, #tpu.memory_space<vmem_shared>>
      tpu.wait_indirect_dma semaphore(%arg34 : memref<!tpu.dma_semaphore, #tpu.memory_space<semaphore_mem>>) src(%arg12 : memref<128x64xbf16, #tpu.memory_space<vmem>>) dst(%dma_wait3A_163 : memref<16384x64xbf16, #tpu.memory_space<vmem_shared>>)
      %dma_wait3A_164 = arith.constant 5 : i32
      %dma_wait3A_165 = arith.constant 0 : i32
      %dma_wait3A_166 = tpu.memref_slice %arg7[%dma_wait3A_164, %dma_wait3A_165] : memref<64x128xi32, #tpu.memory_space<vmem>> -> memref<1x128xi32, #tpu.memory_space<vmem>>
      %dma_wait3A_167 = tpu.memref_squeeze %dma_wait3A_166 : memref<1x128xi32, #tpu.memory_space<vmem>> -> memref<128xi32, #tpu.memory_space<vmem>>
      %dma_wait3A_168 = arith.constant 0 : i32
      %dma_wait3A_169 = arith.constant 0 : i32
      %dma_wait3A_170 = tpu.memref_slice %arg20[%dma_wait3A_168, %dma_wait3A_169] : memref<16384x64xbf16, #tpu.memory_space<vmem_shared>> -> memref<16384x64xbf16, #tpu.memory_space<vmem_shared>>
      tpu.wait_indirect_dma semaphore(%arg35 : memref<!tpu.dma_semaphore, #tpu.memory_space<semaphore_mem>>) src(%arg13 : memref<128x64xbf16, #tpu.memory_space<vmem>>) dst(%dma_wait3A_170 : memref<16384x64xbf16, #tpu.memory_space<vmem_shared>>)
      %dma_wait3A_171 = arith.constant 6 : i32
      %dma_wait3A_172 = arith.constant 0 : i32
      %dma_wait3A_173 = tpu.memref_slice %arg7[%dma_wait3A_171, %dma_wait3A_172] : memref<64x128xi32, #tpu.memory_space<vmem>> -> memref<1x128xi32, #tpu.memory_space<vmem>>
      %dma_wait3A_174 = tpu.memref_squeeze %dma_wait3A_173 : memref<1x128xi32, #tpu.memory_space<vmem>> -> memref<128xi32, #tpu.memory_space<vmem>>
      %dma_wait3A_175 = arith.constant 0 : i32
      %dma_wait3A_176 = arith.constant 0 : i32
      %dma_wait3A_177 = tpu.memref_slice %arg20[%dma_wait3A_175, %dma_wait3A_176] : memref<16384x64xbf16, #tpu.memory_space<vmem_shared>> -> memref<16384x64xbf16, #tpu.memory_space<vmem_shared>>
      tpu.wait_indirect_dma semaphore(%arg36 : memref<!tpu.dma_semaphore, #tpu.memory_space<semaphore_mem>>) src(%arg14 : memref<128x64xbf16, #tpu.memory_space<vmem>>) dst(%dma_wait3A_177 : memref<16384x64xbf16, #tpu.memory_space<vmem_shared>>)
      %dma_wait3A_178 = arith.constant 7 : i32
      %dma_wait3A_179 = arith.constant 0 : i32
      %dma_wait3A_180 = tpu.memref_slice %arg7[%dma_wait3A_178, %dma_wait3A_179] : memref<64x128xi32, #tpu.memory_space<vmem>> -> memref<1x128xi32, #tpu.memory_space<vmem>>
      %dma_wait3A_181 = tpu.memref_squeeze %dma_wait3A_180 : memref<1x128xi32, #tpu.memory_space<vmem>> -> memref<128xi32, #tpu.memory_space<vmem>>
      %dma_wait3A_182 = arith.constant 0 : i32
      %dma_wait3A_183 = arith.constant 0 : i32
      %dma_wait3A_184 = tpu.memref_slice %arg20[%dma_wait3A_182, %dma_wait3A_183] : memref<16384x64xbf16, #tpu.memory_space<vmem_shared>> -> memref<16384x64xbf16, #tpu.memory_space<vmem_shared>>
      tpu.wait_indirect_dma semaphore(%arg37 : memref<!tpu.dma_semaphore, #tpu.memory_space<semaphore_mem>>) src(%arg15 : memref<128x64xbf16, #tpu.memory_space<vmem>>) dst(%dma_wait3A_184 : memref<16384x64xbf16, #tpu.memory_space<vmem_shared>>)
      %scan3A_185 = arith.constant 0 : i32
      scf.yield %scan3A_185 : i32
    }
    %scan3A_38 = arith.constant 4 : i32
    %scan3A_39 = arith.constant 0 : i32
    %scan3A_40 = arith.constant 0 : i32
    %scan3A_41 = arith.constant 4 : i32
    %scan3A_42 = arith.addi %scan3A_40, %scan3A_41 : i32
    %scan3A_43 = arith.constant 1 : i32
    %scan3A_44 = scf.for %scan3A_54 = %scan3A_40 to %scan3A_42 step %scan3A_43 iter_args(%scan3A_55 = %scan3A_39) -> (i32)  : i32 {
      %mul3A_56 = arith.constant 4096 : i32
      %mul3A_57 = arith.muli %scan3A_54, %mul3A_56 : i32
      "tpu.region"() ({
        %run_scoped3A = tpu.sem_alloc : memref<!tpu.dma_semaphore, #tpu.memory_space<semaphore_mem>>
        %dma_start3A = tpu.memref_slice %arg16[%mul3A_57] : memref<16384xf32, #tpu.memory_space<vmem>> -> memref<4096xf32, #tpu.memory_space<vmem>>
        %dma_start3A_59 = arith.constant 0 : i32
        %dma_start3A_60 = tpu.memref_slice %arg21[%scan3A_54, %arg1, %dma_start3A_59] : memref<4x16x4096xf32, #tpu.memory_space<vmem_shared>> -> memref<1x1x4096xf32, #tpu.memory_space<vmem_shared>>
        %dma_start3A_61 = tpu.memref_squeeze %dma_start3A_60 : memref<1x1x4096xf32, #tpu.memory_space<vmem_shared>> -> memref<4096xf32, #tpu.memory_space<vmem_shared>>
        %dma_start3A_62 = arith.constant 0 : i32
        %dma_start3A_63 = tpu.memref_slice %arg21[%scan3A_54, %arg1, %dma_start3A_62] : memref<4x16x4096xf32, #tpu.memory_space<vmem_shared>> -> memref<1x1x4096xf32, #tpu.memory_space<vmem_shared>>
        %dma_start3A_64 = tpu.memref_squeeze %dma_start3A_63 : memref<1x1x4096xf32, #tpu.memory_space<vmem_shared>> -> memref<4096xf32, #tpu.memory_space<vmem_shared>>
        %dma_start3A_65 = tpu.memref_slice %arg16[%mul3A_57] : memref<16384xf32, #tpu.memory_space<vmem>> -> memref<4096xf32, #tpu.memory_space<vmem>>
        tpu.enqueue_dma source(%dma_start3A_65 : memref<4096xf32, #tpu.memory_space<vmem>>) target(%dma_start3A_64 : memref<4096xf32, #tpu.memory_space<vmem_shared>>) target_semaphore(%run_scoped3A : memref<!tpu.dma_semaphore, #tpu.memory_space<semaphore_mem>>)
        %dma_wait3A = tpu.memref_slice %arg16[%mul3A_57] : memref<16384xf32, #tpu.memory_space<vmem>> -> memref<4096xf32, #tpu.memory_space<vmem>>
        %dma_wait3A_66 = arith.constant 0 : i32
        %dma_wait3A_67 = tpu.memref_slice %arg21[%scan3A_54, %arg1, %dma_wait3A_66] : memref<4x16x4096xf32, #tpu.memory_space<vmem_shared>> -> memref<1x1x4096xf32, #tpu.memory_space<vmem_shared>>
        %dma_wait3A_68 = tpu.memref_squeeze %dma_wait3A_67 : memref<1x1x4096xf32, #tpu.memory_space<vmem_shared>> -> memref<4096xf32, #tpu.memory_space<vmem_shared>>
        %dma_wait3A_69 = arith.constant 0 : i32
        %dma_wait3A_70 = tpu.memref_slice %arg21[%scan3A_54, %arg1, %dma_wait3A_69] : memref<4x16x4096xf32, #tpu.memory_space<vmem_shared>> -> memref<1x1x4096xf32, #tpu.memory_space<vmem_shared>>
        %dma_wait3A_71 = tpu.memref_squeeze %dma_wait3A_70 : memref<1x1x4096xf32, #tpu.memory_space<vmem_shared>> -> memref<4096xf32, #tpu.memory_space<vmem_shared>>
        %dma_wait3A_72 = tpu.memref_slice %arg16[%mul3A_57] : memref<16384xf32, #tpu.memory_space<vmem>> -> memref<4096xf32, #tpu.memory_space<vmem>>
        tpu.wait_dma2 semaphore(%run_scoped3A : memref<!tpu.dma_semaphore, #tpu.memory_space<semaphore_mem>>) src(%dma_wait3A_72 : memref<4096xf32, #tpu.memory_space<vmem>>) dst(%dma_wait3A_71 : memref<4096xf32, #tpu.memory_space<vmem_shared>>)
        tpu.yield
      }) : () -> ()
      %scan3A_58 = arith.constant 0 : i32
      scf.yield %scan3A_58 : i32
    }
    %scan3A_45 = arith.constant 4 : i32
    %barrier3A_46 = arith.constant 0 : index
    tpu.barrier barrier_id(%barrier3A_46)
    %scan3A_47 = arith.constant 0 : i32
    %scan3A_48 = arith.constant 0 : i32
    %scan3A_49 = arith.constant 4 : i32
    %scan3A_50 = arith.addi %scan3A_48, %scan3A_49 : i32
    %scan3A_51 = arith.constant 1 : i32
    %scan3A_52 = scf.for %scan3A_54 = %scan3A_48 to %scan3A_50 step %scan3A_51 iter_args(%scan3A_55 = %scan3A_47) -> (i32)  : i32 {
      %mul3A_56 = arith.constant 4 : i32
      %mul3A_57 = arith.muli %arg0, %mul3A_56 : i32
      %add3A_58 = arith.addi %mul3A_57, %scan3A_54 : i32
      %mul3A_59 = arith.constant 4096 : i32
      %mul3A_60 = arith.muli %scan3A_54, %mul3A_59 : i32
      %mul3A_61 = arith.constant 256 : i32
      %mul3A_62 = arith.muli %arg1, %mul3A_61 : i32
      %add3A_63 = arith.addi %mul3A_60, %mul3A_62 : i32
      %mul3A_64 = arith.constant 4096 : i32
      %mul3A_65 = arith.muli %add3A_58, %mul3A_64 : i32
      %mul3A_66 = arith.constant 256 : i32
      %mul3A_67 = arith.muli %arg1, %mul3A_66 : i32
      %add3A_68 = arith.addi %mul3A_65, %mul3A_67 : i32
      "tpu.region"() ({
        %run_scoped3A = tpu.sem_alloc : memref<!tpu.dma_semaphore, #tpu.memory_space<semaphore_mem>>
        %dma_start3A = arith.constant 0 : i32
        %dma_start3A_1369 = tpu.memref_slice %arg4[%add3A_68, %dma_start3A] : memref<32768x64xbf16, #tpu.memory_space<hbm>> -> memref<256x64xbf16, #tpu.memory_space<hbm>>
        %dma_start3A_1370 = arith.constant 0 : i32
        %dma_start3A_1371 = tpu.memref_slice %arg20[%add3A_63, %dma_start3A_1370] : memref<16384x64xbf16, #tpu.memory_space<vmem_shared>> -> memref<256x64xbf16, #tpu.memory_space<vmem_shared>>
        tpu.enqueue_dma source(%dma_start3A_1371 : memref<256x64xbf16, #tpu.memory_space<vmem_shared>>) target(%dma_start3A_1369 : memref<256x64xbf16, #tpu.memory_space<hbm>>) target_semaphore(%run_scoped3A : memref<!tpu.dma_semaphore, #tpu.memory_space<semaphore_mem>>)
        %dma_wait3A = arith.constant 0 : i32
        %dma_wait3A_1372 = tpu.memref_slice %arg4[%add3A_68, %dma_wait3A] : memref<32768x64xbf16, #tpu.memory_space<hbm>> -> memref<256x64xbf16, #tpu.memory_space<hbm>>
        %dma_wait3A_1373 = arith.constant 0 : i32
        %dma_wait3A_1374 = tpu.memref_slice %arg20[%add3A_63, %dma_wait3A_1373] : memref<16384x64xbf16, #tpu.memory_space<vmem_shared>> -> memref<256x64xbf16, #tpu.memory_space<vmem_shared>>
        tpu.wait_dma2 semaphore(%run_scoped3A : memref<!tpu.dma_semaphore, #tpu.memory_space<semaphore_mem>>) src(%dma_wait3A_1374 : memref<256x64xbf16, #tpu.memory_space<vmem_shared>>) dst(%dma_wait3A_1372 : memref<256x64xbf16, #tpu.memory_space<hbm>>)
        tpu.yield
      }) : () -> ()
      %mul3A_69 = arith.constant 256 : i32
      %mul3A_70 = arith.muli %arg1, %mul3A_69 : i32
      "tpu.region"() ({
        %run_scoped3A = tpu.sem_alloc : memref<!tpu.dma_semaphore, #tpu.memory_space<semaphore_mem>>
        %dma_start3A = arith.constant 0 : i32
        %dma_start3A_1369 = tpu.memref_slice %arg21[%scan3A_54, %dma_start3A, %mul3A_70] : memref<4x16x4096xf32, #tpu.memory_space<vmem_shared>> -> memref<1x16x256xf32, #tpu.memory_space<vmem_shared>>
        %dma_start3A_1370 = tpu.memref_squeeze %dma_start3A_1369 : memref<1x16x256xf32, #tpu.memory_space<vmem_shared>> -> memref<16x256xf32, #tpu.memory_space<vmem_shared>>
        %dma_start3A_1371 = arith.constant 0 : i32
        %dma_start3A_1372 = tpu.memref_slice %arg21[%scan3A_54, %dma_start3A_1371, %mul3A_70] : memref<4x16x4096xf32, #tpu.memory_space<vmem_shared>> -> memref<1x16x256xf32, #tpu.memory_space<vmem_shared>>
        %dma_start3A_1373 = tpu.memref_squeeze %dma_start3A_1372 : memref<1x16x256xf32, #tpu.memory_space<vmem_shared>> -> memref<16x256xf32, #tpu.memory_space<vmem_shared>>
        tpu.enqueue_dma source(%dma_start3A_1373 : memref<16x256xf32, #tpu.memory_space<vmem_shared>>) target(%arg19 : memref<16x256xf32, #tpu.memory_space<vmem>>) target_semaphore(%run_scoped3A : memref<!tpu.dma_semaphore, #tpu.memory_space<semaphore_mem>>)
        %dma_wait3A = arith.constant 0 : i32
        %dma_wait3A_1374 = tpu.memref_slice %arg21[%scan3A_54, %dma_wait3A, %mul3A_70] : memref<4x16x4096xf32, #tpu.memory_space<vmem_shared>> -> memref<1x16x256xf32, #tpu.memory_space<vmem_shared>>
        %dma_wait3A_1375 = tpu.memref_squeeze %dma_wait3A_1374 : memref<1x16x256xf32, #tpu.memory_space<vmem_shared>> -> memref<16x256xf32, #tpu.memory_space<vmem_shared>>
        %dma_wait3A_1376 = arith.constant 0 : i32
        %dma_wait3A_1377 = tpu.memref_slice %arg21[%scan3A_54, %dma_wait3A_1376, %mul3A_70] : memref<4x16x4096xf32, #tpu.memory_space<vmem_shared>> -> memref<1x16x256xf32, #tpu.memory_space<vmem_shared>>
        %dma_wait3A_1378 = tpu.memref_squeeze %dma_wait3A_1377 : memref<1x16x256xf32, #tpu.memory_space<vmem_shared>> -> memref<16x256xf32, #tpu.memory_space<vmem_shared>>
        tpu.wait_dma2 semaphore(%run_scoped3A : memref<!tpu.dma_semaphore, #tpu.memory_space<semaphore_mem>>) src(%dma_wait3A_1378 : memref<16x256xf32, #tpu.memory_space<vmem_shared>>) dst(%arg19 : memref<16x256xf32, #tpu.memory_space<vmem>>)
        tpu.yield
      }) : () -> ()
      %get3A = arith.constant 0 : i32
      %get3A_71 = arith.index_cast %get3A : i32 to index
      %get3A_72 = arith.constant 0 : index
      %get3A_73 = tpu.vector_load %arg19[%get3A_71, %get3A_72] {strides = array<i32>} : memref<16x256xf32, #tpu.memory_space<vmem>>, vector<16xf32>,
      %get3A_74 = arith.constant 1 : i32
      %get3A_75 = arith.index_cast %get3A_74 : i32 to index
      %get3A_76 = arith.constant 0 : index
      %get3A_77 = tpu.vector_load %arg19[%get3A_75, %get3A_76] {strides = array<i32>} : memref<16x256xf32, #tpu.memory_space<vmem>>, vector<16xf32>,
      %add3A_78 = arith.addf %get3A_73, %get3A_77 : vector<16xf32>
      %get3A_79 = arith.constant 2 : i32
      %get3A_80 = arith.index_cast %get3A_79 : i32 to index
      %get3A_81 = arith.constant 0 : index
      %get3A_82 = tpu.vector_load %arg19[%get3A_80, %get3A_81] {strides = array<i32>} : memref<16x256xf32, #tpu.memory_space<vmem>>, vector<16xf32>,
      %add3A_83 = arith.addf %add3A_78, %get3A_82 : vector<16xf32>
      %get3A_84 = arith.constant 3 : i32
      %get3A_85 = arith.index_cast %get3A_84 : i32 to index
      %get3A_86 = arith.constant 0 : index
      %get3A_87 = tpu.vector_load %arg19[%get3A_85, %get3A_86] {strides = array<i32>} : memref<16x256xf32, #tpu.memory_space<vmem>>, vector<16xf32>,
      %add3A_88 = arith.addf %add3A_83, %get3A_87 : vector<16xf32>
      %get3A_89 = arith.constant 4 : i32
      %get3A_90 = arith.index_cast %get3A_89 : i32 to index
      %get3A_91 = arith.constant 0 : index
      %get3A_92 = tpu.vector_load %arg19[%get3A_90, %get3A_91] {strides = array<i32>} : memref<16x256xf32, #tpu.memory_space<vmem>>, vector<16xf32>,
      %add3A_93 = arith.addf %add3A_88, %get3A_92 : vector<16xf32>
      %get3A_94 = arith.constant 5 : i32
      %get3A_95 = arith.index_cast %get3A_94 : i32 to index
      %get3A_96 = arith.constant 0 : index
      %get3A_97 = tpu.vector_load %arg19[%get3A_95, %get3A_96] {strides = array<i32>} : memref<16x256xf32, #tpu.memory_space<vmem>>, vector<16xf32>,
      %add3A_98 = arith.addf %add3A_93, %get3A_97 : vector<16xf32>
      %get3A_99 = arith.constant 6 : i32
      %get3A_100 = arith.index_cast %get3A_99 : i32 to index
      %get3A_101 = arith.constant 0 : index
      %get3A_102 = tpu.vector_load %arg19[%get3A_100, %get3A_101] {strides = array<i32>} : memref<16x256xf32, #tpu.memory_space<vmem>>, vector<16xf32>,
      %add3A_103 = arith.addf %add3A_98, %get3A_102 : vector<16xf32>
      %get3A_104 = arith.constant 7 : i32
      %get3A_105 = arith.index_cast %get3A_104 : i32 to index
      %get3A_106 = arith.constant 0 : index
      %get3A_107 = tpu.vector_load %arg19[%get3A_105, %get3A_106] {strides = array<i32>} : memref<16x256xf32, #tpu.memory_space<vmem>>, vector<16xf32>,
      %add3A_108 = arith.addf %add3A_103, %get3A_107 : vector<16xf32>
      %get3A_109 = arith.constant 8 : i32
      %get3A_110 = arith.index_cast %get3A_109 : i32 to index
      %get3A_111 = arith.constant 0 : index
      %get3A_112 = tpu.vector_load %arg19[%get3A_110, %get3A_111] {strides = array<i32>} : memref<16x256xf32, #tpu.memory_space<vmem>>, vector<16xf32>,
      %add3A_113 = arith.addf %add3A_108, %get3A_112 : vector<16xf32>
      %get3A_114 = arith.constant 9 : i32
      %get3A_115 = arith.index_cast %get3A_114 : i32 to index
      %get3A_116 = arith.constant 0 : index
      %get3A_117 = tpu.vector_load %arg19[%get3A_115, %get3A_116] {strides = array<i32>} : memref<16x256xf32, #tpu.memory_space<vmem>>, vector<16xf32>,
      %add3A_118 = arith.addf %add3A_113, %get3A_117 : vector<16xf32>
      %get3A_119 = arith.constant 10 : i32
      %get3A_120 = arith.index_cast %get3A_119 : i32 to index
      %get3A_121 = arith.constant 0 : index
      %get3A_122 = tpu.vector_load %arg19[%get3A_120, %get3A_121] {strides = array<i32>} : memref<16x256xf32, #tpu.memory_space<vmem>>, vector<16xf32>,
      %add3A_123 = arith.addf %add3A_118, %get3A_122 : vector<16xf32>
      %get3A_124 = arith.constant 11 : i32
      %get3A_125 = arith.index_cast %get3A_124 : i32 to index
      %get3A_126 = arith.constant 0 : index
      %get3A_127 = tpu.vector_load %arg19[%get3A_125, %get3A_126] {strides = array<i32>} : memref<16x256xf32, #tpu.memory_space<vmem>>, vector<16xf32>,
      %add3A_128 = arith.addf %add3A_123, %get3A_127 : vector<16xf32>
      %get3A_129 = arith.constant 12 : i32
      %get3A_130 = arith.index_cast %get3A_129 : i32 to index
      %get3A_131 = arith.constant 0 : index
      %get3A_132 = tpu.vector_load %arg19[%get3A_130, %get3A_131] {strides = array<i32>} : memref<16x256xf32, #tpu.memory_space<vmem>>, vector<16xf32>,
      %add3A_133 = arith.addf %add3A_128, %get3A_132 : vector<16xf32>
      %get3A_134 = arith.constant 13 : i32
      %get3A_135 = arith.index_cast %get3A_134 : i32 to index
      %get3A_136 = arith.constant 0 : index
      %get3A_137 = tpu.vector_load %arg19[%get3A_135, %get3A_136] {strides = array<i32>} : memref<16x256xf32, #tpu.memory_space<vmem>>, vector<16xf32>,
      %add3A_138 = arith.addf %add3A_133, %get3A_137 : vector<16xf32>
      %get3A_139 = arith.constant 14 : i32
      %get3A_140 = arith.index_cast %get3A_139 : i32 to index
      %get3A_141 = arith.constant 0 : index
      %get3A_142 = tpu.vector_load %arg19[%get3A_140, %get3A_141] {strides = array<i32>} : memref<16x256xf32, #tpu.memory_space<vmem>>, vector<16xf32>,
      %add3A_143 = arith.addf %add3A_138, %get3A_142 : vector<16xf32>
      %get3A_144 = arith.constant 15 : i32
      %get3A_145 = arith.index_cast %get3A_144 : i32 to index
      %get3A_146 = arith.constant 0 : index
      %get3A_147 = tpu.vector_load %arg19[%get3A_145, %get3A_146] {strides = array<i32>} : memref<16x256xf32, #tpu.memory_space<vmem>>, vector<16xf32>,
      %add3A_148 = arith.addf %add3A_143, %get3A_147 : vector<16xf32>
      %swap3A = arith.constant 0 : index
      %swap3A_149 = tpu.vector_load %arg18[%swap3A] {strides = array<i32>} : memref<256xf32, #tpu.memory_space<vmem>>, vector<16xf32>,
      tpu.vector_store %arg18[%swap3A], %add3A_148 {strides = array<i32>} : memref<256xf32, #tpu.memory_space<vmem>>, vector<16xf32>,
      %get3A_150 = arith.constant 0 : i32
      %get3A_151 = arith.index_cast %get3A_150 : i32 to index
      %get3A_152 = arith.constant 16 : index
      %get3A_153 = tpu.vector_load %arg19[%get3A_151, %get3A_152] {strides = array<i32>} : memref<16x256xf32, #tpu.memory_space<vmem>>, vector<16xf32>,
      %get3A_154 = arith.constant 1 : i32
      %get3A_155 = arith.index_cast %get3A_154 : i32 to index
      %get3A_156 = arith.constant 16 : index
      %get3A_157 = tpu.vector_load %arg19[%get3A_155, %get3A_156] {strides = array<i32>} : memref<16x256xf32, #tpu.memory_space<vmem>>, vector<16xf32>,
      %add3A_158 = arith.addf %get3A_153, %get3A_157 : vector<16xf32>
      %get3A_159 = arith.constant 2 : i32
      %get3A_160 = arith.index_cast %get3A_159 : i32 to index
      %get3A_161 = arith.constant 16 : index
      %get3A_162 = tpu.vector_load %arg19[%get3A_160, %get3A_161] {strides = array<i32>} : memref<16x256xf32, #tpu.memory_space<vmem>>, vector<16xf32>,
      %add3A_163 = arith.addf %add3A_158, %get3A_162 : vector<16xf32>
      %get3A_164 = arith.constant 3 : i32
      %get3A_165 = arith.index_cast %get3A_164 : i32 to index
      %get3A_166 = arith.constant 16 : index
      %get3A_167 = tpu.vector_load %arg19[%get3A_165, %get3A_166] {strides = array<i32>} : memref<16x256xf32, #tpu.memory_space<vmem>>, vector<16xf32>,
      %add3A_168 = arith.addf %add3A_163, %get3A_167 : vector<16xf32>
      %get3A_169 = arith.constant 4 : i32
      %get3A_170 = arith.index_cast %get3A_169 : i32 to index
      %get3A_171 = arith.constant 16 : index
      %get3A_172 = tpu.vector_load %arg19[%get3A_170, %get3A_171] {strides = array<i32>} : memref<16x256xf32, #tpu.memory_space<vmem>>, vector<16xf32>,
      %add3A_173 = arith.addf %add3A_168, %get3A_172 : vector<16xf32>
      %get3A_174 = arith.constant 5 : i32
      %get3A_175 = arith.index_cast %get3A_174 : i32 to index
      %get3A_176 = arith.constant 16 : index
      %get3A_177 = tpu.vector_load %arg19[%get3A_175, %get3A_176] {strides = array<i32>} : memref<16x256xf32, #tpu.memory_space<vmem>>, vector<16xf32>,
      %add3A_178 = arith.addf %add3A_173, %get3A_177 : vector<16xf32>
      %get3A_179 = arith.constant 6 : i32
      %get3A_180 = arith.index_cast %get3A_179 : i32 to index
      %get3A_181 = arith.constant 16 : index
      %get3A_182 = tpu.vector_load %arg19[%get3A_180, %get3A_181] {strides = array<i32>} : memref<16x256xf32, #tpu.memory_space<vmem>>, vector<16xf32>,
      %add3A_183 = arith.addf %add3A_178, %get3A_182 : vector<16xf32>
      %get3A_184 = arith.constant 7 : i32
      %get3A_185 = arith.index_cast %get3A_184 : i32 to index
      %get3A_186 = arith.constant 16 : index
      %get3A_187 = tpu.vector_load %arg19[%get3A_185, %get3A_186] {strides = array<i32>} : memref<16x256xf32, #tpu.memory_space<vmem>>, vector<16xf32>,
      %add3A_188 = arith.addf %add3A_183, %get3A_187 : vector<16xf32>
      %get3A_189 = arith.constant 8 : i32
      %get3A_190 = arith.index_cast %get3A_189 : i32 to index
      %get3A_191 = arith.constant 16 : index
      %get3A_192 = tpu.vector_load %arg19[%get3A_190, %get3A_191] {strides = array<i32>} : memref<16x256xf32, #tpu.memory_space<vmem>>, vector<16xf32>,
      %add3A_193 = arith.addf %add3A_188, %get3A_192 : vector<16xf32>
      %get3A_194 = arith.constant 9 : i32
      %get3A_195 = arith.index_cast %get3A_194 : i32 to index
      %get3A_196 = arith.constant 16 : index
      %get3A_197 = tpu.vector_load %arg19[%get3A_195, %get3A_196] {strides = array<i32>} : memref<16x256xf32, #tpu.memory_space<vmem>>, vector<16xf32>,
      %add3A_198 = arith.addf %add3A_193, %get3A_197 : vector<16xf32>
      %get3A_199 = arith.constant 10 : i32
      %get3A_200 = arith.index_cast %get3A_199 : i32 to index
      %get3A_201 = arith.constant 16 : index
      %get3A_202 = tpu.vector_load %arg19[%get3A_200, %get3A_201] {strides = array<i32>} : memref<16x256xf32, #tpu.memory_space<vmem>>, vector<16xf32>,
      %add3A_203 = arith.addf %add3A_198, %get3A_202 : vector<16xf32>
      %get3A_204 = arith.constant 11 : i32
      %get3A_205 = arith.index_cast %get3A_204 : i32 to index
      %get3A_206 = arith.constant 16 : index
      %get3A_207 = tpu.vector_load %arg19[%get3A_205, %get3A_206] {strides = array<i32>} : memref<16x256xf32, #tpu.memory_space<vmem>>, vector<16xf32>,
      %add3A_208 = arith.addf %add3A_203, %get3A_207 : vector<16xf32>
      %get3A_209 = arith.constant 12 : i32
      %get3A_210 = arith.index_cast %get3A_209 : i32 to index
      %get3A_211 = arith.constant 16 : index
      %get3A_212 = tpu.vector_load %arg19[%get3A_210, %get3A_211] {strides = array<i32>} : memref<16x256xf32, #tpu.memory_space<vmem>>, vector<16xf32>,
      %add3A_213 = arith.addf %add3A_208, %get3A_212 : vector<16xf32>
      %get3A_214 = arith.constant 13 : i32
      %get3A_215 = arith.index_cast %get3A_214 : i32 to index
      %get3A_216 = arith.constant 16 : index
      %get3A_217 = tpu.vector_load %arg19[%get3A_215, %get3A_216] {strides = array<i32>} : memref<16x256xf32, #tpu.memory_space<vmem>>, vector<16xf32>,
      %add3A_218 = arith.addf %add3A_213, %get3A_217 : vector<16xf32>
      %get3A_219 = arith.constant 14 : i32
      %get3A_220 = arith.index_cast %get3A_219 : i32 to index
      %get3A_221 = arith.constant 16 : index
      %get3A_222 = tpu.vector_load %arg19[%get3A_220, %get3A_221] {strides = array<i32>} : memref<16x256xf32, #tpu.memory_space<vmem>>, vector<16xf32>,
      %add3A_223 = arith.addf %add3A_218, %get3A_222 : vector<16xf32>
      %get3A_224 = arith.constant 15 : i32
      %get3A_225 = arith.index_cast %get3A_224 : i32 to index
      %get3A_226 = arith.constant 16 : index
      %get3A_227 = tpu.vector_load %arg19[%get3A_225, %get3A_226] {strides = array<i32>} : memref<16x256xf32, #tpu.memory_space<vmem>>, vector<16xf32>,
      %add3A_228 = arith.addf %add3A_223, %get3A_227 : vector<16xf32>
      %swap3A_229 = arith.constant 16 : index
      %swap3A_230 = tpu.vector_load %arg18[%swap3A_229] {strides = array<i32>} : memref<256xf32, #tpu.memory_space<vmem>>, vector<16xf32>,
      tpu.vector_store %arg18[%swap3A_229], %add3A_228 {strides = array<i32>} : memref<256xf32, #tpu.memory_space<vmem>>, vector<16xf32>,
      %get3A_231 = arith.constant 0 : i32
      %get3A_232 = arith.index_cast %get3A_231 : i32 to index
      %get3A_233 = arith.constant 32 : index
      %get3A_234 = tpu.vector_load %arg19[%get3A_232, %get3A_233] {strides = array<i32>} : memref<16x256xf32, #tpu.memory_space<vmem>>, vector<16xf32>,
      %get3A_235 = arith.constant 1 : i32
      %get3A_236 = arith.index_cast %get3A_235 : i32 to index
      %get3A_237 = arith.constant 32 : index
      %get3A_238 = tpu.vector_load %arg19[%get3A_236, %get3A_237] {strides = array<i32>} : memref<16x256xf32, #tpu.memory_space<vmem>>, vector<16xf32>,
      %add3A_239 = arith.addf %get3A_234, %get3A_238 : vector<16xf32>
      %get3A_240 = arith.constant 2 : i32
      %get3A_241 = arith.index_cast %get3A_240 : i32 to index
      %get3A_242 = arith.constant 32 : index
      %get3A_243 = tpu.vector_load %arg19[%get3A_241, %get3A_242] {strides = array<i32>} : memref<16x256xf32, #tpu.memory_space<vmem>>, vector<16xf32>,
      %add3A_244 = arith.addf %add3A_239, %get3A_243 : vector<16xf32>
      %get3A_245 = arith.constant 3 : i32
      %get3A_246 = arith.index_cast %get3A_245 : i32 to index
      %get3A_247 = arith.constant 32 : index
      %get3A_248 = tpu.vector_load %arg19[%get3A_246, %get3A_247] {strides = array<i32>} : memref<16x256xf32, #tpu.memory_space<vmem>>, vector<16xf32>,
      %add3A_249 = arith.addf %add3A_244, %get3A_248 : vector<16xf32>
      %get3A_250 = arith.constant 4 : i32
      %get3A_251 = arith.index_cast %get3A_250 : i32 to index
      %get3A_252 = arith.constant 32 : index
      %get3A_253 = tpu.vector_load %arg19[%get3A_251, %get3A_252] {strides = array<i32>} : memref<16x256xf32, #tpu.memory_space<vmem>>, vector<16xf32>,
      %add3A_254 = arith.addf %add3A_249, %get3A_253 : vector<16xf32>
      %get3A_255 = arith.constant 5 : i32
      %get3A_256 = arith.index_cast %get3A_255 : i32 to index
      %get3A_257 = arith.constant 32 : index
      %get3A_258 = tpu.vector_load %arg19[%get3A_256, %get3A_257] {strides = array<i32>} : memref<16x256xf32, #tpu.memory_space<vmem>>, vector<16xf32>,
      %add3A_259 = arith.addf %add3A_254, %get3A_258 : vector<16xf32>
      %get3A_260 = arith.constant 6 : i32
      %get3A_261 = arith.index_cast %get3A_260 : i32 to index
      %get3A_262 = arith.constant 32 : index
      %get3A_263 = tpu.vector_load %arg19[%get3A_261, %get3A_262] {strides = array<i32>} : memref<16x256xf32, #tpu.memory_space<vmem>>, vector<16xf32>,
      %add3A_264 = arith.addf %add3A_259, %get3A_263 : vector<16xf32>
      %get3A_265 = arith.constant 7 : i32
      %get3A_266 = arith.index_cast %get3A_265 : i32 to index
      %get3A_267 = arith.constant 32 : index
      %get3A_268 = tpu.vector_load %arg19[%get3A_266, %get3A_267] {strides = array<i32>} : memref<16x256xf32, #tpu.memory_space<vmem>>, vector<16xf32>,
      %add3A_269 = arith.addf %add3A_264, %get3A_268 : vector<16xf32>
      %get3A_270 = arith.constant 8 : i32
      %get3A_271 = arith.index_cast %get3A_270 : i32 to index
      %get3A_272 = arith.constant 32 : index
      %get3A_273 = tpu.vector_load %arg19[%get3A_271, %get3A_272] {strides = array<i32>} : memref<16x256xf32, #tpu.memory_space<vmem>>, vector<16xf32>,
      %add3A_274 = arith.addf %add3A_269, %get3A_273 : vector<16xf32>
      %get3A_275 = arith.constant 9 : i32
      %get3A_276 = arith.index_cast %get3A_275 : i32 to index
      %get3A_277 = arith.constant 32 : index
      %get3A_278 = tpu.vector_load %arg19[%get3A_276, %get3A_277] {strides = array<i32>} : memref<16x256xf32, #tpu.memory_space<vmem>>, vector<16xf32>,
      %add3A_279 = arith.addf %add3A_274, %get3A_278 : vector<16xf32>
      %get3A_280 = arith.constant 10 : i32
      %get3A_281 = arith.index_cast %get3A_280 : i32 to index
      %get3A_282 = arith.constant 32 : index
      %get3A_283 = tpu.vector_load %arg19[%get3A_281, %get3A_282] {strides = array<i32>} : memref<16x256xf32, #tpu.memory_space<vmem>>, vector<16xf32>,
      %add3A_284 = arith.addf %add3A_279, %get3A_283 : vector<16xf32>
      %get3A_285 = arith.constant 11 : i32
      %get3A_286 = arith.index_cast %get3A_285 : i32 to index
      %get3A_287 = arith.constant 32 : index
      %get3A_288 = tpu.vector_load %arg19[%get3A_286, %get3A_287] {strides = array<i32>} : memref<16x256xf32, #tpu.memory_space<vmem>>, vector<16xf32>,
      %add3A_289 = arith.addf %add3A_284, %get3A_288 : vector<16xf32>
      %get3A_290 = arith.constant 12 : i32
      %get3A_291 = arith.index_cast %get3A_290 : i32 to index
      %get3A_292 = arith.constant 32 : index
      %get3A_293 = tpu.vector_load %arg19[%get3A_291, %get3A_292] {strides = array<i32>} : memref<16x256xf32, #tpu.memory_space<vmem>>, vector<16xf32>,
      %add3A_294 = arith.addf %add3A_289, %get3A_293 : vector<16xf32>
      %get3A_295 = arith.constant 13 : i32
      %get3A_296 = arith.index_cast %get3A_295 : i32 to index
      %get3A_297 = arith.constant 32 : index
      %get3A_298 = tpu.vector_load %arg19[%get3A_296, %get3A_297] {strides = array<i32>} : memref<16x256xf32, #tpu.memory_space<vmem>>, vector<16xf32>,
      %add3A_299 = arith.addf %add3A_294, %get3A_298 : vector<16xf32>
      %get3A_300 = arith.constant 14 : i32
      %get3A_301 = arith.index_cast %get3A_300 : i32 to index
      %get3A_302 = arith.constant 32 : index
      %get3A_303 = tpu.vector_load %arg19[%get3A_301, %get3A_302] {strides = array<i32>} : memref<16x256xf32, #tpu.memory_space<vmem>>, vector<16xf32>,
      %add3A_304 = arith.addf %add3A_299, %get3A_303 : vector<16xf32>
      %get3A_305 = arith.constant 15 : i32
      %get3A_306 = arith.index_cast %get3A_305 : i32 to index
      %get3A_307 = arith.constant 32 : index
      %get3A_308 = tpu.vector_load %arg19[%get3A_306, %get3A_307] {strides = array<i32>} : memref<16x256xf32, #tpu.memory_space<vmem>>, vector<16xf32>,
      %add3A_309 = arith.addf %add3A_304, %get3A_308 : vector<16xf32>
      %swap3A_310 = arith.constant 32 : index
      %swap3A_311 = tpu.vector_load %arg18[%swap3A_310] {strides = array<i32>} : memref<256xf32, #tpu.memory_space<vmem>>, vector<16xf32>,
      tpu.vector_store %arg18[%swap3A_310], %add3A_309 {strides = array<i32>} : memref<256xf32, #tpu.memory_space<vmem>>, vector<16xf32>,
      %get3A_312 = arith.constant 0 : i32
      %get3A_313 = arith.index_cast %get3A_312 : i32 to index
      %get3A_314 = arith.constant 48 : index
      %get3A_315 = tpu.vector_load %arg19[%get3A_313, %get3A_314] {strides = array<i32>} : memref<16x256xf32, #tpu.memory_space<vmem>>, vector<16xf32>,
      %get3A_316 = arith.constant 1 : i32
      %get3A_317 = arith.index_cast %get3A_316 : i32 to index
      %get3A_318 = arith.constant 48 : index
      %get3A_319 = tpu.vector_load %arg19[%get3A_317, %get3A_318] {strides = array<i32>} : memref<16x256xf32, #tpu.memory_space<vmem>>, vector<16xf32>,
      %add3A_320 = arith.addf %get3A_315, %get3A_319 : vector<16xf32>
      %get3A_321 = arith.constant 2 : i32
      %get3A_322 = arith.index_cast %get3A_321 : i32 to index
      %get3A_323 = arith.constant 48 : index
      %get3A_324 = tpu.vector_load %arg19[%get3A_322, %get3A_323] {strides = array<i32>} : memref<16x256xf32, #tpu.memory_space<vmem>>, vector<16xf32>,
      %add3A_325 = arith.addf %add3A_320, %get3A_324 : vector<16xf32>
      %get3A_326 = arith.constant 3 : i32
      %get3A_327 = arith.index_cast %get3A_326 : i32 to index
      %get3A_328 = arith.constant 48 : index
      %get3A_329 = tpu.vector_load %arg19[%get3A_327, %get3A_328] {strides = array<i32>} : memref<16x256xf32, #tpu.memory_space<vmem>>, vector<16xf32>,
      %add3A_330 = arith.addf %add3A_325, %get3A_329 : vector<16xf32>
      %get3A_331 = arith.constant 4 : i32
      %get3A_332 = arith.index_cast %get3A_331 : i32 to index
      %get3A_333 = arith.constant 48 : index
      %get3A_334 = tpu.vector_load %arg19[%get3A_332, %get3A_333] {strides = array<i32>} : memref<16x256xf32, #tpu.memory_space<vmem>>, vector<16xf32>,
      %add3A_335 = arith.addf %add3A_330, %get3A_334 : vector<16xf32>
      %get3A_336 = arith.constant 5 : i32
      %get3A_337 = arith.index_cast %get3A_336 : i32 to index
      %get3A_338 = arith.constant 48 : index
      %get3A_339 = tpu.vector_load %arg19[%get3A_337, %get3A_338] {strides = array<i32>} : memref<16x256xf32, #tpu.memory_space<vmem>>, vector<16xf32>,
      %add3A_340 = arith.addf %add3A_335, %get3A_339 : vector<16xf32>
      %get3A_341 = arith.constant 6 : i32
      %get3A_342 = arith.index_cast %get3A_341 : i32 to index
      %get3A_343 = arith.constant 48 : index
      %get3A_344 = tpu.vector_load %arg19[%get3A_342, %get3A_343] {strides = array<i32>} : memref<16x256xf32, #tpu.memory_space<vmem>>, vector<16xf32>,
      %add3A_345 = arith.addf %add3A_340, %get3A_344 : vector<16xf32>
      %get3A_346 = arith.constant 7 : i32
      %get3A_347 = arith.index_cast %get3A_346 : i32 to index
      %get3A_348 = arith.constant 48 : index
      %get3A_349 = tpu.vector_load %arg19[%get3A_347, %get3A_348] {strides = array<i32>} : memref<16x256xf32, #tpu.memory_space<vmem>>, vector<16xf32>,
      %add3A_350 = arith.addf %add3A_345, %get3A_349 : vector<16xf32>
      %get3A_351 = arith.constant 8 : i32
      %get3A_352 = arith.index_cast %get3A_351 : i32 to index
      %get3A_353 = arith.constant 48 : index
      %get3A_354 = tpu.vector_load %arg19[%get3A_352, %get3A_353] {strides = array<i32>} : memref<16x256xf32, #tpu.memory_space<vmem>>, vector<16xf32>,
      %add3A_355 = arith.addf %add3A_350, %get3A_354 : vector<16xf32>
      %get3A_356 = arith.constant 9 : i32
      %get3A_357 = arith.index_cast %get3A_356 : i32 to index
      %get3A_358 = arith.constant 48 : index
      %get3A_359 = tpu.vector_load %arg19[%get3A_357, %get3A_358] {strides = array<i32>} : memref<16x256xf32, #tpu.memory_space<vmem>>, vector<16xf32>,
      %add3A_360 = arith.addf %add3A_355, %get3A_359 : vector<16xf32>
      %get3A_361 = arith.constant 10 : i32
      %get3A_362 = arith.index_cast %get3A_361 : i32 to index
      %get3A_363 = arith.constant 48 : index
      %get3A_364 = tpu.vector_load %arg19[%get3A_362, %get3A_363] {strides = array<i32>} : memref<16x256xf32, #tpu.memory_space<vmem>>, vector<16xf32>,
      %add3A_365 = arith.addf %add3A_360, %get3A_364 : vector<16xf32>
      %get3A_366 = arith.constant 11 : i32
      %get3A_367 = arith.index_cast %get3A_366 : i32 to index
      %get3A_368 = arith.constant 48 : index
      %get3A_369 = tpu.vector_load %arg19[%get3A_367, %get3A_368] {strides = array<i32>} : memref<16x256xf32, #tpu.memory_space<vmem>>, vector<16xf32>,
      %add3A_370 = arith.addf %add3A_365, %get3A_369 : vector<16xf32>
      %get3A_371 = arith.constant 12 : i32
      %get3A_372 = arith.index_cast %get3A_371 : i32 to index
      %get3A_373 = arith.constant 48 : index
      %get3A_374 = tpu.vector_load %arg19[%get3A_372, %get3A_373] {strides = array<i32>} : memref<16x256xf32, #tpu.memory_space<vmem>>, vector<16xf32>,
      %add3A_375 = arith.addf %add3A_370, %get3A_374 : vector<16xf32>
      %get3A_376 = arith.constant 13 : i32
      %get3A_377 = arith.index_cast %get3A_376 : i32 to index
      %get3A_378 = arith.constant 48 : index
      %get3A_379 = tpu.vector_load %arg19[%get3A_377, %get3A_378] {strides = array<i32>} : memref<16x256xf32, #tpu.memory_space<vmem>>, vector<16xf32>,
      %add3A_380 = arith.addf %add3A_375, %get3A_379 : vector<16xf32>
      %get3A_381 = arith.constant 14 : i32
      %get3A_382 = arith.index_cast %get3A_381 : i32 to index
      %get3A_383 = arith.constant 48 : index
      %get3A_384 = tpu.vector_load %arg19[%get3A_382, %get3A_383] {strides = array<i32>} : memref<16x256xf32, #tpu.memory_space<vmem>>, vector<16xf32>,
      %add3A_385 = arith.addf %add3A_380, %get3A_384 : vector<16xf32>
      %get3A_386 = arith.constant 15 : i32
      %get3A_387 = arith.index_cast %get3A_386 : i32 to index
      %get3A_388 = arith.constant 48 : index
      %get3A_389 = tpu.vector_load %arg19[%get3A_387, %get3A_388] {strides = array<i32>} : memref<16x256xf32, #tpu.memory_space<vmem>>, vector<16xf32>,
      %add3A_390 = arith.addf %add3A_385, %get3A_389 : vector<16xf32>
      %swap3A_391 = arith.constant 48 : index
      %swap3A_392 = tpu.vector_load %arg18[%swap3A_391] {strides = array<i32>} : memref<256xf32, #tpu.memory_space<vmem>>, vector<16xf32>,
      tpu.vector_store %arg18[%swap3A_391], %add3A_390 {strides = array<i32>} : memref<256xf32, #tpu.memory_space<vmem>>, vector<16xf32>,
      %get3A_393 = arith.constant 0 : i32
      %get3A_394 = arith.index_cast %get3A_393 : i32 to index
      %get3A_395 = arith.constant 64 : index
      %get3A_396 = tpu.vector_load %arg19[%get3A_394, %get3A_395] {strides = array<i32>} : memref<16x256xf32, #tpu.memory_space<vmem>>, vector<16xf32>,
      %get3A_397 = arith.constant 1 : i32
      %get3A_398 = arith.index_cast %get3A_397 : i32 to index
      %get3A_399 = arith.constant 64 : index
      %get3A_400 = tpu.vector_load %arg19[%get3A_398, %get3A_399] {strides = array<i32>} : memref<16x256xf32, #tpu.memory_space<vmem>>, vector<16xf32>,
      %add3A_401 = arith.addf %get3A_396, %get3A_400 : vector<16xf32>
      %get3A_402 = arith.constant 2 : i32
      %get3A_403 = arith.index_cast %get3A_402 : i32 to index
      %get3A_404 = arith.constant 64 : index
      %get3A_405 = tpu.vector_load %arg19[%get3A_403, %get3A_404] {strides = array<i32>} : memref<16x256xf32, #tpu.memory_space<vmem>>, vector<16xf32>,
      %add3A_406 = arith.addf %add3A_401, %get3A_405 : vector<16xf32>
      %get3A_407 = arith.constant 3 : i32
      %get3A_408 = arith.index_cast %get3A_407 : i32 to index
      %get3A_409 = arith.constant 64 : index
      %get3A_410 = tpu.vector_load %arg19[%get3A_408, %get3A_409] {strides = array<i32>} : memref<16x256xf32, #tpu.memory_space<vmem>>, vector<16xf32>,
      %add3A_411 = arith.addf %add3A_406, %get3A_410 : vector<16xf32>
      %get3A_412 = arith.constant 4 : i32
      %get3A_413 = arith.index_cast %get3A_412 : i32 to index
      %get3A_414 = arith.constant 64 : index
      %get3A_415 = tpu.vector_load %arg19[%get3A_413, %get3A_414] {strides = array<i32>} : memref<16x256xf32, #tpu.memory_space<vmem>>, vector<16xf32>,
      %add3A_416 = arith.addf %add3A_411, %get3A_415 : vector<16xf32>
      %get3A_417 = arith.constant 5 : i32
      %get3A_418 = arith.index_cast %get3A_417 : i32 to index
      %get3A_419 = arith.constant 64 : index
      %get3A_420 = tpu.vector_load %arg19[%get3A_418, %get3A_419] {strides = array<i32>} : memref<16x256xf32, #tpu.memory_space<vmem>>, vector<16xf32>,
      %add3A_421 = arith.addf %add3A_416, %get3A_420 : vector<16xf32>
      %get3A_422 = arith.constant 6 : i32
      %get3A_423 = arith.index_cast %get3A_422 : i32 to index
      %get3A_424 = arith.constant 64 : index
      %get3A_425 = tpu.vector_load %arg19[%get3A_423, %get3A_424] {strides = array<i32>} : memref<16x256xf32, #tpu.memory_space<vmem>>, vector<16xf32>,
      %add3A_426 = arith.addf %add3A_421, %get3A_425 : vector<16xf32>
      %get3A_427 = arith.constant 7 : i32
      %get3A_428 = arith.index_cast %get3A_427 : i32 to index
      %get3A_429 = arith.constant 64 : index
      %get3A_430 = tpu.vector_load %arg19[%get3A_428, %get3A_429] {strides = array<i32>} : memref<16x256xf32, #tpu.memory_space<vmem>>, vector<16xf32>,
      %add3A_431 = arith.addf %add3A_426, %get3A_430 : vector<16xf32>
      %get3A_432 = arith.constant 8 : i32
      %get3A_433 = arith.index_cast %get3A_432 : i32 to index
      %get3A_434 = arith.constant 64 : index
      %get3A_435 = tpu.vector_load %arg19[%get3A_433, %get3A_434] {strides = array<i32>} : memref<16x256xf32, #tpu.memory_space<vmem>>, vector<16xf32>,
      %add3A_436 = arith.addf %add3A_431, %get3A_435 : vector<16xf32>
      %get3A_437 = arith.constant 9 : i32
      %get3A_438 = arith.index_cast %get3A_437 : i32 to index
      %get3A_439 = arith.constant 64 : index
      %get3A_440 = tpu.vector_load %arg19[%get3A_438, %get3A_439] {strides = array<i32>} : memref<16x256xf32, #tpu.memory_space<vmem>>, vector<16xf32>,
      %add3A_441 = arith.addf %add3A_436, %get3A_440 : vector<16xf32>
      %get3A_442 = arith.constant 10 : i32
      %get3A_443 = arith.index_cast %get3A_442 : i32 to index
      %get3A_444 = arith.constant 64 : index
      %get3A_445 = tpu.vector_load %arg19[%get3A_443, %get3A_444] {strides = array<i32>} : memref<16x256xf32, #tpu.memory_space<vmem>>, vector<16xf32>,
      %add3A_446 = arith.addf %add3A_441, %get3A_445 : vector<16xf32>
      %get3A_447 = arith.constant 11 : i32
      %get3A_448 = arith.index_cast %get3A_447 : i32 to index
      %get3A_449 = arith.constant 64 : index
      %get3A_450 = tpu.vector_load %arg19[%get3A_448, %get3A_449] {strides = array<i32>} : memref<16x256xf32, #tpu.memory_space<vmem>>, vector<16xf32>,
      %add3A_451 = arith.addf %add3A_446, %get3A_450 : vector<16xf32>
      %get3A_452 = arith.constant 12 : i32
      %get3A_453 = arith.index_cast %get3A_452 : i32 to index
      %get3A_454 = arith.constant 64 : index
      %get3A_455 = tpu.vector_load %arg19[%get3A_453, %get3A_454] {strides = array<i32>} : memref<16x256xf32, #tpu.memory_space<vmem>>, vector<16xf32>,
      %add3A_456 = arith.addf %add3A_451, %get3A_455 : vector<16xf32>
      %get3A_457 = arith.constant 13 : i32
      %get3A_458 = arith.index_cast %get3A_457 : i32 to index
      %get3A_459 = arith.constant 64 : index
      %get3A_460 = tpu.vector_load %arg19[%get3A_458, %get3A_459] {strides = array<i32>} : memref<16x256xf32, #tpu.memory_space<vmem>>, vector<16xf32>,
      %add3A_461 = arith.addf %add3A_456, %get3A_460 : vector<16xf32>
      %get3A_462 = arith.constant 14 : i32
      %get3A_463 = arith.index_cast %get3A_462 : i32 to index
      %get3A_464 = arith.constant 64 : index
      %get3A_465 = tpu.vector_load %arg19[%get3A_463, %get3A_464] {strides = array<i32>} : memref<16x256xf32, #tpu.memory_space<vmem>>, vector<16xf32>,
      %add3A_466 = arith.addf %add3A_461, %get3A_465 : vector<16xf32>
      %get3A_467 = arith.constant 15 : i32
      %get3A_468 = arith.index_cast %get3A_467 : i32 to index
      %get3A_469 = arith.constant 64 : index
      %get3A_470 = tpu.vector_load %arg19[%get3A_468, %get3A_469] {strides = array<i32>} : memref<16x256xf32, #tpu.memory_space<vmem>>, vector<16xf32>,
      %add3A_471 = arith.addf %add3A_466, %get3A_470 : vector<16xf32>
      %swap3A_472 = arith.constant 64 : index
      %swap3A_473 = tpu.vector_load %arg18[%swap3A_472] {strides = array<i32>} : memref<256xf32, #tpu.memory_space<vmem>>, vector<16xf32>,
      tpu.vector_store %arg18[%swap3A_472], %add3A_471 {strides = array<i32>} : memref<256xf32, #tpu.memory_space<vmem>>, vector<16xf32>,
      %get3A_474 = arith.constant 0 : i32
      %get3A_475 = arith.index_cast %get3A_474 : i32 to index
      %get3A_476 = arith.constant 80 : index
      %get3A_477 = tpu.vector_load %arg19[%get3A_475, %get3A_476] {strides = array<i32>} : memref<16x256xf32, #tpu.memory_space<vmem>>, vector<16xf32>,
      %get3A_478 = arith.constant 1 : i32
      %get3A_479 = arith.index_cast %get3A_478 : i32 to index
      %get3A_480 = arith.constant 80 : index
      %get3A_481 = tpu.vector_load %arg19[%get3A_479, %get3A_480] {strides = array<i32>} : memref<16x256xf32, #tpu.memory_space<vmem>>, vector<16xf32>,
      %add3A_482 = arith.addf %get3A_477, %get3A_481 : vector<16xf32>
      %get3A_483 = arith.constant 2 : i32
      %get3A_484 = arith.index_cast %get3A_483 : i32 to index
      %get3A_485 = arith.constant 80 : index
      %get3A_486 = tpu.vector_load %arg19[%get3A_484, %get3A_485] {strides = array<i32>} : memref<16x256xf32, #tpu.memory_space<vmem>>, vector<16xf32>,
      %add3A_487 = arith.addf %add3A_482, %get3A_486 : vector<16xf32>
      %get3A_488 = arith.constant 3 : i32
      %get3A_489 = arith.index_cast %get3A_488 : i32 to index
      %get3A_490 = arith.constant 80 : index
      %get3A_491 = tpu.vector_load %arg19[%get3A_489, %get3A_490] {strides = array<i32>} : memref<16x256xf32, #tpu.memory_space<vmem>>, vector<16xf32>,
      %add3A_492 = arith.addf %add3A_487, %get3A_491 : vector<16xf32>
      %get3A_493 = arith.constant 4 : i32
      %get3A_494 = arith.index_cast %get3A_493 : i32 to index
      %get3A_495 = arith.constant 80 : index
      %get3A_496 = tpu.vector_load %arg19[%get3A_494, %get3A_495] {strides = array<i32>} : memref<16x256xf32, #tpu.memory_space<vmem>>, vector<16xf32>,
      %add3A_497 = arith.addf %add3A_492, %get3A_496 : vector<16xf32>
      %get3A_498 = arith.constant 5 : i32
      %get3A_499 = arith.index_cast %get3A_498 : i32 to index
      %get3A_500 = arith.constant 80 : index
      %get3A_501 = tpu.vector_load %arg19[%get3A_499, %get3A_500] {strides = array<i32>} : memref<16x256xf32, #tpu.memory_space<vmem>>, vector<16xf32>,
      %add3A_502 = arith.addf %add3A_497, %get3A_501 : vector<16xf32>
      %get3A_503 = arith.constant 6 : i32
      %get3A_504 = arith.index_cast %get3A_503 : i32 to index
      %get3A_505 = arith.constant 80 : index
      %get3A_506 = tpu.vector_load %arg19[%get3A_504, %get3A_505] {strides = array<i32>} : memref<16x256xf32, #tpu.memory_space<vmem>>, vector<16xf32>,
      %add3A_507 = arith.addf %add3A_502, %get3A_506 : vector<16xf32>
      %get3A_508 = arith.constant 7 : i32
      %get3A_509 = arith.index_cast %get3A_508 : i32 to index
      %get3A_510 = arith.constant 80 : index
      %get3A_511 = tpu.vector_load %arg19[%get3A_509, %get3A_510] {strides = array<i32>} : memref<16x256xf32, #tpu.memory_space<vmem>>, vector<16xf32>,
      %add3A_512 = arith.addf %add3A_507, %get3A_511 : vector<16xf32>
      %get3A_513 = arith.constant 8 : i32
      %get3A_514 = arith.index_cast %get3A_513 : i32 to index
      %get3A_515 = arith.constant 80 : index
      %get3A_516 = tpu.vector_load %arg19[%get3A_514, %get3A_515] {strides = array<i32>} : memref<16x256xf32, #tpu.memory_space<vmem>>, vector<16xf32>,
      %add3A_517 = arith.addf %add3A_512, %get3A_516 : vector<16xf32>
      %get3A_518 = arith.constant 9 : i32
      %get3A_519 = arith.index_cast %get3A_518 : i32 to index
      %get3A_520 = arith.constant 80 : index
      %get3A_521 = tpu.vector_load %arg19[%get3A_519, %get3A_520] {strides = array<i32>} : memref<16x256xf32, #tpu.memory_space<vmem>>, vector<16xf32>,
      %add3A_522 = arith.addf %add3A_517, %get3A_521 : vector<16xf32>
      %get3A_523 = arith.constant 10 : i32
      %get3A_524 = arith.index_cast %get3A_523 : i32 to index
      %get3A_525 = arith.constant 80 : index
      %get3A_526 = tpu.vector_load %arg19[%get3A_524, %get3A_525] {strides = array<i32>} : memref<16x256xf32, #tpu.memory_space<vmem>>, vector<16xf32>,
      %add3A_527 = arith.addf %add3A_522, %get3A_526 : vector<16xf32>
      %get3A_528 = arith.constant 11 : i32
      %get3A_529 = arith.index_cast %get3A_528 : i32 to index
      %get3A_530 = arith.constant 80 : index
      %get3A_531 = tpu.vector_load %arg19[%get3A_529, %get3A_530] {strides = array<i32>} : memref<16x256xf32, #tpu.memory_space<vmem>>, vector<16xf32>,
      %add3A_532 = arith.addf %add3A_527, %get3A_531 : vector<16xf32>
      %get3A_533 = arith.constant 12 : i32
      %get3A_534 = arith.index_cast %get3A_533 : i32 to index
      %get3A_535 = arith.constant 80 : index
      %get3A_536 = tpu.vector_load %arg19[%get3A_534, %get3A_535] {strides = array<i32>} : memref<16x256xf32, #tpu.memory_space<vmem>>, vector<16xf32>,
      %add3A_537 = arith.addf %add3A_532, %get3A_536 : vector<16xf32>
      %get3A_538 = arith.constant 13 : i32
      %get3A_539 = arith.index_cast %get3A_538 : i32 to index
      %get3A_540 = arith.constant 80 : index
      %get3A_541 = tpu.vector_load %arg19[%get3A_539, %get3A_540] {strides = array<i32>} : memref<16x256xf32, #tpu.memory_space<vmem>>, vector<16xf32>,
      %add3A_542 = arith.addf %add3A_537, %get3A_541 : vector<16xf32>
      %get3A_543 = arith.constant 14 : i32
      %get3A_544 = arith.index_cast %get3A_543 : i32 to index
      %get3A_545 = arith.constant 80 : index
      %get3A_546 = tpu.vector_load %arg19[%get3A_544, %get3A_545] {strides = array<i32>} : memref<16x256xf32, #tpu.memory_space<vmem>>, vector<16xf32>,
      %add3A_547 = arith.addf %add3A_542, %get3A_546 : vector<16xf32>
      %get3A_548 = arith.constant 15 : i32
      %get3A_549 = arith.index_cast %get3A_548 : i32 to index
      %get3A_550 = arith.constant 80 : index
      %get3A_551 = tpu.vector_load %arg19[%get3A_549, %get3A_550] {strides = array<i32>} : memref<16x256xf32, #tpu.memory_space<vmem>>, vector<16xf32>,
      %add3A_552 = arith.addf %add3A_547, %get3A_551 : vector<16xf32>
      %swap3A_553 = arith.constant 80 : index
      %swap3A_554 = tpu.vector_load %arg18[%swap3A_553] {strides = array<i32>} : memref<256xf32, #tpu.memory_space<vmem>>, vector<16xf32>,
      tpu.vector_store %arg18[%swap3A_553], %add3A_552 {strides = array<i32>} : memref<256xf32, #tpu.memory_space<vmem>>, vector<16xf32>,
      %get3A_555 = arith.constant 0 : i32
      %get3A_556 = arith.index_cast %get3A_555 : i32 to index
      %get3A_557 = arith.constant 96 : index
      %get3A_558 = tpu.vector_load %arg19[%get3A_556, %get3A_557] {strides = array<i32>} : memref<16x256xf32, #tpu.memory_space<vmem>>, vector<16xf32>,
      %get3A_559 = arith.constant 1 : i32
      %get3A_560 = arith.index_cast %get3A_559 : i32 to index
      %get3A_561 = arith.constant 96 : index
      %get3A_562 = tpu.vector_load %arg19[%get3A_560, %get3A_561] {strides = array<i32>} : memref<16x256xf32, #tpu.memory_space<vmem>>, vector<16xf32>,
      %add3A_563 = arith.addf %get3A_558, %get3A_562 : vector<16xf32>
      %get3A_564 = arith.constant 2 : i32
      %get3A_565 = arith.index_cast %get3A_564 : i32 to index
      %get3A_566 = arith.constant 96 : index
      %get3A_567 = tpu.vector_load %arg19[%get3A_565, %get3A_566] {strides = array<i32>} : memref<16x256xf32, #tpu.memory_space<vmem>>, vector<16xf32>,
      %add3A_568 = arith.addf %add3A_563, %get3A_567 : vector<16xf32>
      %get3A_569 = arith.constant 3 : i32
      %get3A_570 = arith.index_cast %get3A_569 : i32 to index
      %get3A_571 = arith.constant 96 : index
      %get3A_572 = tpu.vector_load %arg19[%get3A_570, %get3A_571] {strides = array<i32>} : memref<16x256xf32, #tpu.memory_space<vmem>>, vector<16xf32>,
      %add3A_573 = arith.addf %add3A_568, %get3A_572 : vector<16xf32>
      %get3A_574 = arith.constant 4 : i32
      %get3A_575 = arith.index_cast %get3A_574 : i32 to index
      %get3A_576 = arith.constant 96 : index
      %get3A_577 = tpu.vector_load %arg19[%get3A_575, %get3A_576] {strides = array<i32>} : memref<16x256xf32, #tpu.memory_space<vmem>>, vector<16xf32>,
      %add3A_578 = arith.addf %add3A_573, %get3A_577 : vector<16xf32>
      %get3A_579 = arith.constant 5 : i32
      %get3A_580 = arith.index_cast %get3A_579 : i32 to index
      %get3A_581 = arith.constant 96 : index
      %get3A_582 = tpu.vector_load %arg19[%get3A_580, %get3A_581] {strides = array<i32>} : memref<16x256xf32, #tpu.memory_space<vmem>>, vector<16xf32>,
      %add3A_583 = arith.addf %add3A_578, %get3A_582 : vector<16xf32>
      %get3A_584 = arith.constant 6 : i32
      %get3A_585 = arith.index_cast %get3A_584 : i32 to index
      %get3A_586 = arith.constant 96 : index
      %get3A_587 = tpu.vector_load %arg19[%get3A_585, %get3A_586] {strides = array<i32>} : memref<16x256xf32, #tpu.memory_space<vmem>>, vector<16xf32>,
      %add3A_588 = arith.addf %add3A_583, %get3A_587 : vector<16xf32>
      %get3A_589 = arith.constant 7 : i32
      %get3A_590 = arith.index_cast %get3A_589 : i32 to index
      %get3A_591 = arith.constant 96 : index
      %get3A_592 = tpu.vector_load %arg19[%get3A_590, %get3A_591] {strides = array<i32>} : memref<16x256xf32, #tpu.memory_space<vmem>>, vector<16xf32>,
      %add3A_593 = arith.addf %add3A_588, %get3A_592 : vector<16xf32>
      %get3A_594 = arith.constant 8 : i32
      %get3A_595 = arith.index_cast %get3A_594 : i32 to index
      %get3A_596 = arith.constant 96 : index
      %get3A_597 = tpu.vector_load %arg19[%get3A_595, %get3A_596] {strides = array<i32>} : memref<16x256xf32, #tpu.memory_space<vmem>>, vector<16xf32>,
      %add3A_598 = arith.addf %add3A_593, %get3A_597 : vector<16xf32>
      %get3A_599 = arith.constant 9 : i32
      %get3A_600 = arith.index_cast %get3A_599 : i32 to index
      %get3A_601 = arith.constant 96 : index
      %get3A_602 = tpu.vector_load %arg19[%get3A_600, %get3A_601] {strides = array<i32>} : memref<16x256xf32, #tpu.memory_space<vmem>>, vector<16xf32>,
      %add3A_603 = arith.addf %add3A_598, %get3A_602 : vector<16xf32>
      %get3A_604 = arith.constant 10 : i32
      %get3A_605 = arith.index_cast %get3A_604 : i32 to index
      %get3A_606 = arith.constant 96 : index
      %get3A_607 = tpu.vector_load %arg19[%get3A_605, %get3A_606] {strides = array<i32>} : memref<16x256xf32, #tpu.memory_space<vmem>>, vector<16xf32>,
      %add3A_608 = arith.addf %add3A_603, %get3A_607 : vector<16xf32>
      %get3A_609 = arith.constant 11 : i32
      %get3A_610 = arith.index_cast %get3A_609 : i32 to index
      %get3A_611 = arith.constant 96 : index
      %get3A_612 = tpu.vector_load %arg19[%get3A_610, %get3A_611] {strides = array<i32>} : memref<16x256xf32, #tpu.memory_space<vmem>>, vector<16xf32>,
      %add3A_613 = arith.addf %add3A_608, %get3A_612 : vector<16xf32>
      %get3A_614 = arith.constant 12 : i32
      %get3A_615 = arith.index_cast %get3A_614 : i32 to index
      %get3A_616 = arith.constant 96 : index
      %get3A_617 = tpu.vector_load %arg19[%get3A_615, %get3A_616] {strides = array<i32>} : memref<16x256xf32, #tpu.memory_space<vmem>>, vector<16xf32>,
      %add3A_618 = arith.addf %add3A_613, %get3A_617 : vector<16xf32>
      %get3A_619 = arith.constant 13 : i32
      %get3A_620 = arith.index_cast %get3A_619 : i32 to index
      %get3A_621 = arith.constant 96 : index
      %get3A_622 = tpu.vector_load %arg19[%get3A_620, %get3A_621] {strides = array<i32>} : memref<16x256xf32, #tpu.memory_space<vmem>>, vector<16xf32>,
      %add3A_623 = arith.addf %add3A_618, %get3A_622 : vector<16xf32>
      %get3A_624 = arith.constant 14 : i32
      %get3A_625 = arith.index_cast %get3A_624 : i32 to index
      %get3A_626 = arith.constant 96 : index
      %get3A_627 = tpu.vector_load %arg19[%get3A_625, %get3A_626] {strides = array<i32>} : memref<16x256xf32, #tpu.memory_space<vmem>>, vector<16xf32>,
      %add3A_628 = arith.addf %add3A_623, %get3A_627 : vector<16xf32>
      %get3A_629 = arith.constant 15 : i32
      %get3A_630 = arith.index_cast %get3A_629 : i32 to index
      %get3A_631 = arith.constant 96 : index
      %get3A_632 = tpu.vector_load %arg19[%get3A_630, %get3A_631] {strides = array<i32>} : memref<16x256xf32, #tpu.memory_space<vmem>>, vector<16xf32>,
      %add3A_633 = arith.addf %add3A_628, %get3A_632 : vector<16xf32>
      %swap3A_634 = arith.constant 96 : index
      %swap3A_635 = tpu.vector_load %arg18[%swap3A_634] {strides = array<i32>} : memref<256xf32, #tpu.memory_space<vmem>>, vector<16xf32>,
      tpu.vector_store %arg18[%swap3A_634], %add3A_633 {strides = array<i32>} : memref<256xf32, #tpu.memory_space<vmem>>, vector<16xf32>,
      %get3A_636 = arith.constant 0 : i32
      %get3A_637 = arith.index_cast %get3A_636 : i32 to index
      %get3A_638 = arith.constant 112 : index
      %get3A_639 = tpu.vector_load %arg19[%get3A_637, %get3A_638] {strides = array<i32>} : memref<16x256xf32, #tpu.memory_space<vmem>>, vector<16xf32>,
      %get3A_640 = arith.constant 1 : i32
      %get3A_641 = arith.index_cast %get3A_640 : i32 to index
      %get3A_642 = arith.constant 112 : index
      %get3A_643 = tpu.vector_load %arg19[%get3A_641, %get3A_642] {strides = array<i32>} : memref<16x256xf32, #tpu.memory_space<vmem>>, vector<16xf32>,
      %add3A_644 = arith.addf %get3A_639, %get3A_643 : vector<16xf32>
      %get3A_645 = arith.constant 2 : i32
      %get3A_646 = arith.index_cast %get3A_645 : i32 to index
      %get3A_647 = arith.constant 112 : index
      %get3A_648 = tpu.vector_load %arg19[%get3A_646, %get3A_647] {strides = array<i32>} : memref<16x256xf32, #tpu.memory_space<vmem>>, vector<16xf32>,
      %add3A_649 = arith.addf %add3A_644, %get3A_648 : vector<16xf32>
      %get3A_650 = arith.constant 3 : i32
      %get3A_651 = arith.index_cast %get3A_650 : i32 to index
      %get3A_652 = arith.constant 112 : index
      %get3A_653 = tpu.vector_load %arg19[%get3A_651, %get3A_652] {strides = array<i32>} : memref<16x256xf32, #tpu.memory_space<vmem>>, vector<16xf32>,
      %add3A_654 = arith.addf %add3A_649, %get3A_653 : vector<16xf32>
      %get3A_655 = arith.constant 4 : i32
      %get3A_656 = arith.index_cast %get3A_655 : i32 to index
      %get3A_657 = arith.constant 112 : index
      %get3A_658 = tpu.vector_load %arg19[%get3A_656, %get3A_657] {strides = array<i32>} : memref<16x256xf32, #tpu.memory_space<vmem>>, vector<16xf32>,
      %add3A_659 = arith.addf %add3A_654, %get3A_658 : vector<16xf32>
      %get3A_660 = arith.constant 5 : i32
      %get3A_661 = arith.index_cast %get3A_660 : i32 to index
      %get3A_662 = arith.constant 112 : index
      %get3A_663 = tpu.vector_load %arg19[%get3A_661, %get3A_662] {strides = array<i32>} : memref<16x256xf32, #tpu.memory_space<vmem>>, vector<16xf32>,
      %add3A_664 = arith.addf %add3A_659, %get3A_663 : vector<16xf32>
      %get3A_665 = arith.constant 6 : i32
      %get3A_666 = arith.index_cast %get3A_665 : i32 to index
      %get3A_667 = arith.constant 112 : index
      %get3A_668 = tpu.vector_load %arg19[%get3A_666, %get3A_667] {strides = array<i32>} : memref<16x256xf32, #tpu.memory_space<vmem>>, vector<16xf32>,
      %add3A_669 = arith.addf %add3A_664, %get3A_668 : vector<16xf32>
      %get3A_670 = arith.constant 7 : i32
      %get3A_671 = arith.index_cast %get3A_670 : i32 to index
      %get3A_672 = arith.constant 112 : index
      %get3A_673 = tpu.vector_load %arg19[%get3A_671, %get3A_672] {strides = array<i32>} : memref<16x256xf32, #tpu.memory_space<vmem>>, vector<16xf32>,
      %add3A_674 = arith.addf %add3A_669, %get3A_673 : vector<16xf32>
      %get3A_675 = arith.constant 8 : i32
      %get3A_676 = arith.index_cast %get3A_675 : i32 to index
      %get3A_677 = arith.constant 112 : index
      %get3A_678 = tpu.vector_load %arg19[%get3A_676, %get3A_677] {strides = array<i32>} : memref<16x256xf32, #tpu.memory_space<vmem>>, vector<16xf32>,
      %add3A_679 = arith.addf %add3A_674, %get3A_678 : vector<16xf32>
      %get3A_680 = arith.constant 9 : i32
      %get3A_681 = arith.index_cast %get3A_680 : i32 to index
      %get3A_682 = arith.constant 112 : index
      %get3A_683 = tpu.vector_load %arg19[%get3A_681, %get3A_682] {strides = array<i32>} : memref<16x256xf32, #tpu.memory_space<vmem>>, vector<16xf32>,
      %add3A_684 = arith.addf %add3A_679, %get3A_683 : vector<16xf32>
      %get3A_685 = arith.constant 10 : i32
      %get3A_686 = arith.index_cast %get3A_685 : i32 to index
      %get3A_687 = arith.constant 112 : index
      %get3A_688 = tpu.vector_load %arg19[%get3A_686, %get3A_687] {strides = array<i32>} : memref<16x256xf32, #tpu.memory_space<vmem>>, vector<16xf32>,
      %add3A_689 = arith.addf %add3A_684, %get3A_688 : vector<16xf32>
      %get3A_690 = arith.constant 11 : i32
      %get3A_691 = arith.index_cast %get3A_690 : i32 to index
      %get3A_692 = arith.constant 112 : index
      %get3A_693 = tpu.vector_load %arg19[%get3A_691, %get3A_692] {strides = array<i32>} : memref<16x256xf32, #tpu.memory_space<vmem>>, vector<16xf32>,
      %add3A_694 = arith.addf %add3A_689, %get3A_693 : vector<16xf32>
      %get3A_695 = arith.constant 12 : i32
      %get3A_696 = arith.index_cast %get3A_695 : i32 to index
      %get3A_697 = arith.constant 112 : index
      %get3A_698 = tpu.vector_load %arg19[%get3A_696, %get3A_697] {strides = array<i32>} : memref<16x256xf32, #tpu.memory_space<vmem>>, vector<16xf32>,
      %add3A_699 = arith.addf %add3A_694, %get3A_698 : vector<16xf32>
      %get3A_700 = arith.constant 13 : i32
      %get3A_701 = arith.index_cast %get3A_700 : i32 to index
      %get3A_702 = arith.constant 112 : index
      %get3A_703 = tpu.vector_load %arg19[%get3A_701, %get3A_702] {strides = array<i32>} : memref<16x256xf32, #tpu.memory_space<vmem>>, vector<16xf32>,
      %add3A_704 = arith.addf %add3A_699, %get3A_703 : vector<16xf32>
      %get3A_705 = arith.constant 14 : i32
      %get3A_706 = arith.index_cast %get3A_705 : i32 to index
      %get3A_707 = arith.constant 112 : index
      %get3A_708 = tpu.vector_load %arg19[%get3A_706, %get3A_707] {strides = array<i32>} : memref<16x256xf32, #tpu.memory_space<vmem>>, vector<16xf32>,
      %add3A_709 = arith.addf %add3A_704, %get3A_708 : vector<16xf32>
      %get3A_710 = arith.constant 15 : i32
      %get3A_711 = arith.index_cast %get3A_710 : i32 to index
      %get3A_712 = arith.constant 112 : index
      %get3A_713 = tpu.vector_load %arg19[%get3A_711, %get3A_712] {strides = array<i32>} : memref<16x256xf32, #tpu.memory_space<vmem>>, vector<16xf32>,
      %add3A_714 = arith.addf %add3A_709, %get3A_713 : vector<16xf32>
      %swap3A_715 = arith.constant 112 : index
      %swap3A_716 = tpu.vector_load %arg18[%swap3A_715] {strides = array<i32>} : memref<256xf32, #tpu.memory_space<vmem>>, vector<16xf32>,
      tpu.vector_store %arg18[%swap3A_715], %add3A_714 {strides = array<i32>} : memref<256xf32, #tpu.memory_space<vmem>>, vector<16xf32>,
      %get3A_717 = arith.constant 0 : i32
      %get3A_718 = arith.index_cast %get3A_717 : i32 to index
      %get3A_719 = arith.constant 128 : index
      %get3A_720 = tpu.vector_load %arg19[%get3A_718, %get3A_719] {strides = array<i32>} : memref<16x256xf32, #tpu.memory_space<vmem>>, vector<16xf32>,
      %get3A_721 = arith.constant 1 : i32
      %get3A_722 = arith.index_cast %get3A_721 : i32 to index
      %get3A_723 = arith.constant 128 : index
      %get3A_724 = tpu.vector_load %arg19[%get3A_722, %get3A_723] {strides = array<i32>} : memref<16x256xf32, #tpu.memory_space<vmem>>, vector<16xf32>,
      %add3A_725 = arith.addf %get3A_720, %get3A_724 : vector<16xf32>
      %get3A_726 = arith.constant 2 : i32
      %get3A_727 = arith.index_cast %get3A_726 : i32 to index
      %get3A_728 = arith.constant 128 : index
      %get3A_729 = tpu.vector_load %arg19[%get3A_727, %get3A_728] {strides = array<i32>} : memref<16x256xf32, #tpu.memory_space<vmem>>, vector<16xf32>,
      %add3A_730 = arith.addf %add3A_725, %get3A_729 : vector<16xf32>
      %get3A_731 = arith.constant 3 : i32
      %get3A_732 = arith.index_cast %get3A_731 : i32 to index
      %get3A_733 = arith.constant 128 : index
      %get3A_734 = tpu.vector_load %arg19[%get3A_732, %get3A_733] {strides = array<i32>} : memref<16x256xf32, #tpu.memory_space<vmem>>, vector<16xf32>,
      %add3A_735 = arith.addf %add3A_730, %get3A_734 : vector<16xf32>
      %get3A_736 = arith.constant 4 : i32
      %get3A_737 = arith.index_cast %get3A_736 : i32 to index
      %get3A_738 = arith.constant 128 : index
      %get3A_739 = tpu.vector_load %arg19[%get3A_737, %get3A_738] {strides = array<i32>} : memref<16x256xf32, #tpu.memory_space<vmem>>, vector<16xf32>,
      %add3A_740 = arith.addf %add3A_735, %get3A_739 : vector<16xf32>
      %get3A_741 = arith.constant 5 : i32
      %get3A_742 = arith.index_cast %get3A_741 : i32 to index
      %get3A_743 = arith.constant 128 : index
      %get3A_744 = tpu.vector_load %arg19[%get3A_742, %get3A_743] {strides = array<i32>} : memref<16x256xf32, #tpu.memory_space<vmem>>, vector<16xf32>,
      %add3A_745 = arith.addf %add3A_740, %get3A_744 : vector<16xf32>
      %get3A_746 = arith.constant 6 : i32
      %get3A_747 = arith.index_cast %get3A_746 : i32 to index
      %get3A_748 = arith.constant 128 : index
      %get3A_749 = tpu.vector_load %arg19[%get3A_747, %get3A_748] {strides = array<i32>} : memref<16x256xf32, #tpu.memory_space<vmem>>, vector<16xf32>,
      %add3A_750 = arith.addf %add3A_745, %get3A_749 : vector<16xf32>
      %get3A_751 = arith.constant 7 : i32
      %get3A_752 = arith.index_cast %get3A_751 : i32 to index
      %get3A_753 = arith.constant 128 : index
      %get3A_754 = tpu.vector_load %arg19[%get3A_752, %get3A_753] {strides = array<i32>} : memref<16x256xf32, #tpu.memory_space<vmem>>, vector<16xf32>,
      %add3A_755 = arith.addf %add3A_750, %get3A_754 : vector<16xf32>
      %get3A_756 = arith.constant 8 : i32
      %get3A_757 = arith.index_cast %get3A_756 : i32 to index
      %get3A_758 = arith.constant 128 : index
      %get3A_759 = tpu.vector_load %arg19[%get3A_757, %get3A_758] {strides = array<i32>} : memref<16x256xf32, #tpu.memory_space<vmem>>, vector<16xf32>,
      %add3A_760 = arith.addf %add3A_755, %get3A_759 : vector<16xf32>
      %get3A_761 = arith.constant 9 : i32
      %get3A_762 = arith.index_cast %get3A_761 : i32 to index
      %get3A_763 = arith.constant 128 : index
      %get3A_764 = tpu.vector_load %arg19[%get3A_762, %get3A_763] {strides = array<i32>} : memref<16x256xf32, #tpu.memory_space<vmem>>, vector<16xf32>,
      %add3A_765 = arith.addf %add3A_760, %get3A_764 : vector<16xf32>
      %get3A_766 = arith.constant 10 : i32
      %get3A_767 = arith.index_cast %get3A_766 : i32 to index
      %get3A_768 = arith.constant 128 : index
      %get3A_769 = tpu.vector_load %arg19[%get3A_767, %get3A_768] {strides = array<i32>} : memref<16x256xf32, #tpu.memory_space<vmem>>, vector<16xf32>,
      %add3A_770 = arith.addf %add3A_765, %get3A_769 : vector<16xf32>
      %get3A_771 = arith.constant 11 : i32
      %get3A_772 = arith.index_cast %get3A_771 : i32 to index
      %get3A_773 = arith.constant 128 : index
      %get3A_774 = tpu.vector_load %arg19[%get3A_772, %get3A_773] {strides = array<i32>} : memref<16x256xf32, #tpu.memory_space<vmem>>, vector<16xf32>,
      %add3A_775 = arith.addf %add3A_770, %get3A_774 : vector<16xf32>
      %get3A_776 = arith.constant 12 : i32
      %get3A_777 = arith.index_cast %get3A_776 : i32 to index
      %get3A_778 = arith.constant 128 : index
      %get3A_779 = tpu.vector_load %arg19[%get3A_777, %get3A_778] {strides = array<i32>} : memref<16x256xf32, #tpu.memory_space<vmem>>, vector<16xf32>,
      %add3A_780 = arith.addf %add3A_775, %get3A_779 : vector<16xf32>
      %get3A_781 = arith.constant 13 : i32
      %get3A_782 = arith.index_cast %get3A_781 : i32 to index
      %get3A_783 = arith.constant 128 : index
      %get3A_784 = tpu.vector_load %arg19[%get3A_782, %get3A_783] {strides = array<i32>} : memref<16x256xf32, #tpu.memory_space<vmem>>, vector<16xf32>,
      %add3A_785 = arith.addf %add3A_780, %get3A_784 : vector<16xf32>
      %get3A_786 = arith.constant 14 : i32
      %get3A_787 = arith.index_cast %get3A_786 : i32 to index
      %get3A_788 = arith.constant 128 : index
      %get3A_789 = tpu.vector_load %arg19[%get3A_787, %get3A_788] {strides = array<i32>} : memref<16x256xf32, #tpu.memory_space<vmem>>, vector<16xf32>,
      %add3A_790 = arith.addf %add3A_785, %get3A_789 : vector<16xf32>
      %get3A_791 = arith.constant 15 : i32
      %get3A_792 = arith.index_cast %get3A_791 : i32 to index
      %get3A_793 = arith.constant 128 : index
      %get3A_794 = tpu.vector_load %arg19[%get3A_792, %get3A_793] {strides = array<i32>} : memref<16x256xf32, #tpu.memory_space<vmem>>, vector<16xf32>,
      %add3A_795 = arith.addf %add3A_790, %get3A_794 : vector<16xf32>
      %swap3A_796 = arith.constant 128 : index
      %swap3A_797 = tpu.vector_load %arg18[%swap3A_796] {strides = array<i32>} : memref<256xf32, #tpu.memory_space<vmem>>, vector<16xf32>,
      tpu.vector_store %arg18[%swap3A_796], %add3A_795 {strides = array<i32>} : memref<256xf32, #tpu.memory_space<vmem>>, vector<16xf32>,
      %get3A_798 = arith.constant 0 : i32
      %get3A_799 = arith.index_cast %get3A_798 : i32 to index
      %get3A_800 = arith.constant 144 : index
      %get3A_801 = tpu.vector_load %arg19[%get3A_799, %get3A_800] {strides = array<i32>} : memref<16x256xf32, #tpu.memory_space<vmem>>, vector<16xf32>,
      %get3A_802 = arith.constant 1 : i32
      %get3A_803 = arith.index_cast %get3A_802 : i32 to index
      %get3A_804 = arith.constant 144 : index
      %get3A_805 = tpu.vector_load %arg19[%get3A_803, %get3A_804] {strides = array<i32>} : memref<16x256xf32, #tpu.memory_space<vmem>>, vector<16xf32>,
      %add3A_806 = arith.addf %get3A_801, %get3A_805 : vector<16xf32>
      %get3A_807 = arith.constant 2 : i32
      %get3A_808 = arith.index_cast %get3A_807 : i32 to index
      %get3A_809 = arith.constant 144 : index
      %get3A_810 = tpu.vector_load %arg19[%get3A_808, %get3A_809] {strides = array<i32>} : memref<16x256xf32, #tpu.memory_space<vmem>>, vector<16xf32>,
      %add3A_811 = arith.addf %add3A_806, %get3A_810 : vector<16xf32>
      %get3A_812 = arith.constant 3 : i32
      %get3A_813 = arith.index_cast %get3A_812 : i32 to index
      %get3A_814 = arith.constant 144 : index
      %get3A_815 = tpu.vector_load %arg19[%get3A_813, %get3A_814] {strides = array<i32>} : memref<16x256xf32, #tpu.memory_space<vmem>>, vector<16xf32>,
      %add3A_816 = arith.addf %add3A_811, %get3A_815 : vector<16xf32>
      %get3A_817 = arith.constant 4 : i32
      %get3A_818 = arith.index_cast %get3A_817 : i32 to index
      %get3A_819 = arith.constant 144 : index
      %get3A_820 = tpu.vector_load %arg19[%get3A_818, %get3A_819] {strides = array<i32>} : memref<16x256xf32, #tpu.memory_space<vmem>>, vector<16xf32>,
      %add3A_821 = arith.addf %add3A_816, %get3A_820 : vector<16xf32>
      %get3A_822 = arith.constant 5 : i32
      %get3A_823 = arith.index_cast %get3A_822 : i32 to index
      %get3A_824 = arith.constant 144 : index
      %get3A_825 = tpu.vector_load %arg19[%get3A_823, %get3A_824] {strides = array<i32>} : memref<16x256xf32, #tpu.memory_space<vmem>>, vector<16xf32>,
      %add3A_826 = arith.addf %add3A_821, %get3A_825 : vector<16xf32>
      %get3A_827 = arith.constant 6 : i32
      %get3A_828 = arith.index_cast %get3A_827 : i32 to index
      %get3A_829 = arith.constant 144 : index
      %get3A_830 = tpu.vector_load %arg19[%get3A_828, %get3A_829] {strides = array<i32>} : memref<16x256xf32, #tpu.memory_space<vmem>>, vector<16xf32>,
      %add3A_831 = arith.addf %add3A_826, %get3A_830 : vector<16xf32>
      %get3A_832 = arith.constant 7 : i32
      %get3A_833 = arith.index_cast %get3A_832 : i32 to index
      %get3A_834 = arith.constant 144 : index
      %get3A_835 = tpu.vector_load %arg19[%get3A_833, %get3A_834] {strides = array<i32>} : memref<16x256xf32, #tpu.memory_space<vmem>>, vector<16xf32>,
      %add3A_836 = arith.addf %add3A_831, %get3A_835 : vector<16xf32>
      %get3A_837 = arith.constant 8 : i32
      %get3A_838 = arith.index_cast %get3A_837 : i32 to index
      %get3A_839 = arith.constant 144 : index
      %get3A_840 = tpu.vector_load %arg19[%get3A_838, %get3A_839] {strides = array<i32>} : memref<16x256xf32, #tpu.memory_space<vmem>>, vector<16xf32>,
      %add3A_841 = arith.addf %add3A_836, %get3A_840 : vector<16xf32>
      %get3A_842 = arith.constant 9 : i32
      %get3A_843 = arith.index_cast %get3A_842 : i32 to index
      %get3A_844 = arith.constant 144 : index
      %get3A_845 = tpu.vector_load %arg19[%get3A_843, %get3A_844] {strides = array<i32>} : memref<16x256xf32, #tpu.memory_space<vmem>>, vector<16xf32>,
      %add3A_846 = arith.addf %add3A_841, %get3A_845 : vector<16xf32>
      %get3A_847 = arith.constant 10 : i32
      %get3A_848 = arith.index_cast %get3A_847 : i32 to index
      %get3A_849 = arith.constant 144 : index
      %get3A_850 = tpu.vector_load %arg19[%get3A_848, %get3A_849] {strides = array<i32>} : memref<16x256xf32, #tpu.memory_space<vmem>>, vector<16xf32>,
      %add3A_851 = arith.addf %add3A_846, %get3A_850 : vector<16xf32>
      %get3A_852 = arith.constant 11 : i32
      %get3A_853 = arith.index_cast %get3A_852 : i32 to index
      %get3A_854 = arith.constant 144 : index
      %get3A_855 = tpu.vector_load %arg19[%get3A_853, %get3A_854] {strides = array<i32>} : memref<16x256xf32, #tpu.memory_space<vmem>>, vector<16xf32>,
      %add3A_856 = arith.addf %add3A_851, %get3A_855 : vector<16xf32>
      %get3A_857 = arith.constant 12 : i32
      %get3A_858 = arith.index_cast %get3A_857 : i32 to index
      %get3A_859 = arith.constant 144 : index
      %get3A_860 = tpu.vector_load %arg19[%get3A_858, %get3A_859] {strides = array<i32>} : memref<16x256xf32, #tpu.memory_space<vmem>>, vector<16xf32>,
      %add3A_861 = arith.addf %add3A_856, %get3A_860 : vector<16xf32>
      %get3A_862 = arith.constant 13 : i32
      %get3A_863 = arith.index_cast %get3A_862 : i32 to index
      %get3A_864 = arith.constant 144 : index
      %get3A_865 = tpu.vector_load %arg19[%get3A_863, %get3A_864] {strides = array<i32>} : memref<16x256xf32, #tpu.memory_space<vmem>>, vector<16xf32>,
      %add3A_866 = arith.addf %add3A_861, %get3A_865 : vector<16xf32>
      %get3A_867 = arith.constant 14 : i32
      %get3A_868 = arith.index_cast %get3A_867 : i32 to index
      %get3A_869 = arith.constant 144 : index
      %get3A_870 = tpu.vector_load %arg19[%get3A_868, %get3A_869] {strides = array<i32>} : memref<16x256xf32, #tpu.memory_space<vmem>>, vector<16xf32>,
      %add3A_871 = arith.addf %add3A_866, %get3A_870 : vector<16xf32>
      %get3A_872 = arith.constant 15 : i32
      %get3A_873 = arith.index_cast %get3A_872 : i32 to index
      %get3A_874 = arith.constant 144 : index
      %get3A_875 = tpu.vector_load %arg19[%get3A_873, %get3A_874] {strides = array<i32>} : memref<16x256xf32, #tpu.memory_space<vmem>>, vector<16xf32>,
      %add3A_876 = arith.addf %add3A_871, %get3A_875 : vector<16xf32>
      %swap3A_877 = arith.constant 144 : index
      %swap3A_878 = tpu.vector_load %arg18[%swap3A_877] {strides = array<i32>} : memref<256xf32, #tpu.memory_space<vmem>>, vector<16xf32>,
      tpu.vector_store %arg18[%swap3A_877], %add3A_876 {strides = array<i32>} : memref<256xf32, #tpu.memory_space<vmem>>, vector<16xf32>,
      %get3A_879 = arith.constant 0 : i32
      %get3A_880 = arith.index_cast %get3A_879 : i32 to index
      %get3A_881 = arith.constant 160 : index
      %get3A_882 = tpu.vector_load %arg19[%get3A_880, %get3A_881] {strides = array<i32>} : memref<16x256xf32, #tpu.memory_space<vmem>>, vector<16xf32>,
      %get3A_883 = arith.constant 1 : i32
      %get3A_884 = arith.index_cast %get3A_883 : i32 to index
      %get3A_885 = arith.constant 160 : index
      %get3A_886 = tpu.vector_load %arg19[%get3A_884, %get3A_885] {strides = array<i32>} : memref<16x256xf32, #tpu.memory_space<vmem>>, vector<16xf32>,
      %add3A_887 = arith.addf %get3A_882, %get3A_886 : vector<16xf32>
      %get3A_888 = arith.constant 2 : i32
      %get3A_889 = arith.index_cast %get3A_888 : i32 to index
      %get3A_890 = arith.constant 160 : index
      %get3A_891 = tpu.vector_load %arg19[%get3A_889, %get3A_890] {strides = array<i32>} : memref<16x256xf32, #tpu.memory_space<vmem>>, vector<16xf32>,
      %add3A_892 = arith.addf %add3A_887, %get3A_891 : vector<16xf32>
      %get3A_893 = arith.constant 3 : i32
      %get3A_894 = arith.index_cast %get3A_893 : i32 to index
      %get3A_895 = arith.constant 160 : index
      %get3A_896 = tpu.vector_load %arg19[%get3A_894, %get3A_895] {strides = array<i32>} : memref<16x256xf32, #tpu.memory_space<vmem>>, vector<16xf32>,
      %add3A_897 = arith.addf %add3A_892, %get3A_896 : vector<16xf32>
      %get3A_898 = arith.constant 4 : i32
      %get3A_899 = arith.index_cast %get3A_898 : i32 to index
      %get3A_900 = arith.constant 160 : index
      %get3A_901 = tpu.vector_load %arg19[%get3A_899, %get3A_900] {strides = array<i32>} : memref<16x256xf32, #tpu.memory_space<vmem>>, vector<16xf32>,
      %add3A_902 = arith.addf %add3A_897, %get3A_901 : vector<16xf32>
      %get3A_903 = arith.constant 5 : i32
      %get3A_904 = arith.index_cast %get3A_903 : i32 to index
      %get3A_905 = arith.constant 160 : index
      %get3A_906 = tpu.vector_load %arg19[%get3A_904, %get3A_905] {strides = array<i32>} : memref<16x256xf32, #tpu.memory_space<vmem>>, vector<16xf32>,
      %add3A_907 = arith.addf %add3A_902, %get3A_906 : vector<16xf32>
      %get3A_908 = arith.constant 6 : i32
      %get3A_909 = arith.index_cast %get3A_908 : i32 to index
      %get3A_910 = arith.constant 160 : index
      %get3A_911 = tpu.vector_load %arg19[%get3A_909, %get3A_910] {strides = array<i32>} : memref<16x256xf32, #tpu.memory_space<vmem>>, vector<16xf32>,
      %add3A_912 = arith.addf %add3A_907, %get3A_911 : vector<16xf32>
      %get3A_913 = arith.constant 7 : i32
      %get3A_914 = arith.index_cast %get3A_913 : i32 to index
      %get3A_915 = arith.constant 160 : index
      %get3A_916 = tpu.vector_load %arg19[%get3A_914, %get3A_915] {strides = array<i32>} : memref<16x256xf32, #tpu.memory_space<vmem>>, vector<16xf32>,
      %add3A_917 = arith.addf %add3A_912, %get3A_916 : vector<16xf32>
      %get3A_918 = arith.constant 8 : i32
      %get3A_919 = arith.index_cast %get3A_918 : i32 to index
      %get3A_920 = arith.constant 160 : index
      %get3A_921 = tpu.vector_load %arg19[%get3A_919, %get3A_920] {strides = array<i32>} : memref<16x256xf32, #tpu.memory_space<vmem>>, vector<16xf32>,
      %add3A_922 = arith.addf %add3A_917, %get3A_921 : vector<16xf32>
      %get3A_923 = arith.constant 9 : i32
      %get3A_924 = arith.index_cast %get3A_923 : i32 to index
      %get3A_925 = arith.constant 160 : index
      %get3A_926 = tpu.vector_load %arg19[%get3A_924, %get3A_925] {strides = array<i32>} : memref<16x256xf32, #tpu.memory_space<vmem>>, vector<16xf32>,
      %add3A_927 = arith.addf %add3A_922, %get3A_926 : vector<16xf32>
      %get3A_928 = arith.constant 10 : i32
      %get3A_929 = arith.index_cast %get3A_928 : i32 to index
      %get3A_930 = arith.constant 160 : index
      %get3A_931 = tpu.vector_load %arg19[%get3A_929, %get3A_930] {strides = array<i32>} : memref<16x256xf32, #tpu.memory_space<vmem>>, vector<16xf32>,
      %add3A_932 = arith.addf %add3A_927, %get3A_931 : vector<16xf32>
      %get3A_933 = arith.constant 11 : i32
      %get3A_934 = arith.index_cast %get3A_933 : i32 to index
      %get3A_935 = arith.constant 160 : index
      %get3A_936 = tpu.vector_load %arg19[%get3A_934, %get3A_935] {strides = array<i32>} : memref<16x256xf32, #tpu.memory_space<vmem>>, vector<16xf32>,
      %add3A_937 = arith.addf %add3A_932, %get3A_936 : vector<16xf32>
      %get3A_938 = arith.constant 12 : i32
      %get3A_939 = arith.index_cast %get3A_938 : i32 to index
      %get3A_940 = arith.constant 160 : index
      %get3A_941 = tpu.vector_load %arg19[%get3A_939, %get3A_940] {strides = array<i32>} : memref<16x256xf32, #tpu.memory_space<vmem>>, vector<16xf32>,
      %add3A_942 = arith.addf %add3A_937, %get3A_941 : vector<16xf32>
      %get3A_943 = arith.constant 13 : i32
      %get3A_944 = arith.index_cast %get3A_943 : i32 to index
      %get3A_945 = arith.constant 160 : index
      %get3A_946 = tpu.vector_load %arg19[%get3A_944, %get3A_945] {strides = array<i32>} : memref<16x256xf32, #tpu.memory_space<vmem>>, vector<16xf32>,
      %add3A_947 = arith.addf %add3A_942, %get3A_946 : vector<16xf32>
      %get3A_948 = arith.constant 14 : i32
      %get3A_949 = arith.index_cast %get3A_948 : i32 to index
      %get3A_950 = arith.constant 160 : index
      %get3A_951 = tpu.vector_load %arg19[%get3A_949, %get3A_950] {strides = array<i32>} : memref<16x256xf32, #tpu.memory_space<vmem>>, vector<16xf32>,
      %add3A_952 = arith.addf %add3A_947, %get3A_951 : vector<16xf32>
      %get3A_953 = arith.constant 15 : i32
      %get3A_954 = arith.index_cast %get3A_953 : i32 to index
      %get3A_955 = arith.constant 160 : index
      %get3A_956 = tpu.vector_load %arg19[%get3A_954, %get3A_955] {strides = array<i32>} : memref<16x256xf32, #tpu.memory_space<vmem>>, vector<16xf32>,
      %add3A_957 = arith.addf %add3A_952, %get3A_956 : vector<16xf32>
      %swap3A_958 = arith.constant 160 : index
      %swap3A_959 = tpu.vector_load %arg18[%swap3A_958] {strides = array<i32>} : memref<256xf32, #tpu.memory_space<vmem>>, vector<16xf32>,
      tpu.vector_store %arg18[%swap3A_958], %add3A_957 {strides = array<i32>} : memref<256xf32, #tpu.memory_space<vmem>>, vector<16xf32>,
      %get3A_960 = arith.constant 0 : i32
      %get3A_961 = arith.index_cast %get3A_960 : i32 to index
      %get3A_962 = arith.constant 176 : index
      %get3A_963 = tpu.vector_load %arg19[%get3A_961, %get3A_962] {strides = array<i32>} : memref<16x256xf32, #tpu.memory_space<vmem>>, vector<16xf32>,
      %get3A_964 = arith.constant 1 : i32
      %get3A_965 = arith.index_cast %get3A_964 : i32 to index
      %get3A_966 = arith.constant 176 : index
      %get3A_967 = tpu.vector_load %arg19[%get3A_965, %get3A_966] {strides = array<i32>} : memref<16x256xf32, #tpu.memory_space<vmem>>, vector<16xf32>,
      %add3A_968 = arith.addf %get3A_963, %get3A_967 : vector<16xf32>
      %get3A_969 = arith.constant 2 : i32
      %get3A_970 = arith.index_cast %get3A_969 : i32 to index
      %get3A_971 = arith.constant 176 : index
      %get3A_972 = tpu.vector_load %arg19[%get3A_970, %get3A_971] {strides = array<i32>} : memref<16x256xf32, #tpu.memory_space<vmem>>, vector<16xf32>,
      %add3A_973 = arith.addf %add3A_968, %get3A_972 : vector<16xf32>
      %get3A_974 = arith.constant 3 : i32
      %get3A_975 = arith.index_cast %get3A_974 : i32 to index
      %get3A_976 = arith.constant 176 : index
      %get3A_977 = tpu.vector_load %arg19[%get3A_975, %get3A_976] {strides = array<i32>} : memref<16x256xf32, #tpu.memory_space<vmem>>, vector<16xf32>,
      %add3A_978 = arith.addf %add3A_973, %get3A_977 : vector<16xf32>
      %get3A_979 = arith.constant 4 : i32
      %get3A_980 = arith.index_cast %get3A_979 : i32 to index
      %get3A_981 = arith.constant 176 : index
      %get3A_982 = tpu.vector_load %arg19[%get3A_980, %get3A_981] {strides = array<i32>} : memref<16x256xf32, #tpu.memory_space<vmem>>, vector<16xf32>,
      %add3A_983 = arith.addf %add3A_978, %get3A_982 : vector<16xf32>
      %get3A_984 = arith.constant 5 : i32
      %get3A_985 = arith.index_cast %get3A_984 : i32 to index
      %get3A_986 = arith.constant 176 : index
      %get3A_987 = tpu.vector_load %arg19[%get3A_985, %get3A_986] {strides = array<i32>} : memref<16x256xf32, #tpu.memory_space<vmem>>, vector<16xf32>,
      %add3A_988 = arith.addf %add3A_983, %get3A_987 : vector<16xf32>
      %get3A_989 = arith.constant 6 : i32
      %get3A_990 = arith.index_cast %get3A_989 : i32 to index
      %get3A_991 = arith.constant 176 : index
      %get3A_992 = tpu.vector_load %arg19[%get3A_990, %get3A_991] {strides = array<i32>} : memref<16x256xf32, #tpu.memory_space<vmem>>, vector<16xf32>,
      %add3A_993 = arith.addf %add3A_988, %get3A_992 : vector<16xf32>
      %get3A_994 = arith.constant 7 : i32
      %get3A_995 = arith.index_cast %get3A_994 : i32 to index
      %get3A_996 = arith.constant 176 : index
      %get3A_997 = tpu.vector_load %arg19[%get3A_995, %get3A_996] {strides = array<i32>} : memref<16x256xf32, #tpu.memory_space<vmem>>, vector<16xf32>,
      %add3A_998 = arith.addf %add3A_993, %get3A_997 : vector<16xf32>
      %get3A_999 = arith.constant 8 : i32
      %get3A_1000 = arith.index_cast %get3A_999 : i32 to index
      %get3A_1001 = arith.constant 176 : index
      %get3A_1002 = tpu.vector_load %arg19[%get3A_1000, %get3A_1001] {strides = array<i32>} : memref<16x256xf32, #tpu.memory_space<vmem>>, vector<16xf32>,
      %add3A_1003 = arith.addf %add3A_998, %get3A_1002 : vector<16xf32>
      %get3A_1004 = arith.constant 9 : i32
      %get3A_1005 = arith.index_cast %get3A_1004 : i32 to index
      %get3A_1006 = arith.constant 176 : index
      %get3A_1007 = tpu.vector_load %arg19[%get3A_1005, %get3A_1006] {strides = array<i32>} : memref<16x256xf32, #tpu.memory_space<vmem>>, vector<16xf32>,
      %add3A_1008 = arith.addf %add3A_1003, %get3A_1007 : vector<16xf32>
      %get3A_1009 = arith.constant 10 : i32
      %get3A_1010 = arith.index_cast %get3A_1009 : i32 to index
      %get3A_1011 = arith.constant 176 : index
      %get3A_1012 = tpu.vector_load %arg19[%get3A_1010, %get3A_1011] {strides = array<i32>} : memref<16x256xf32, #tpu.memory_space<vmem>>, vector<16xf32>,
      %add3A_1013 = arith.addf %add3A_1008, %get3A_1012 : vector<16xf32>
      %get3A_1014 = arith.constant 11 : i32
      %get3A_1015 = arith.index_cast %get3A_1014 : i32 to index
      %get3A_1016 = arith.constant 176 : index
      %get3A_1017 = tpu.vector_load %arg19[%get3A_1015, %get3A_1016] {strides = array<i32>} : memref<16x256xf32, #tpu.memory_space<vmem>>, vector<16xf32>,
      %add3A_1018 = arith.addf %add3A_1013, %get3A_1017 : vector<16xf32>
      %get3A_1019 = arith.constant 12 : i32
      %get3A_1020 = arith.index_cast %get3A_1019 : i32 to index
      %get3A_1021 = arith.constant 176 : index
      %get3A_1022 = tpu.vector_load %arg19[%get3A_1020, %get3A_1021] {strides = array<i32>} : memref<16x256xf32, #tpu.memory_space<vmem>>, vector<16xf32>,
      %add3A_1023 = arith.addf %add3A_1018, %get3A_1022 : vector<16xf32>
      %get3A_1024 = arith.constant 13 : i32
      %get3A_1025 = arith.index_cast %get3A_1024 : i32 to index
      %get3A_1026 = arith.constant 176 : index
      %get3A_1027 = tpu.vector_load %arg19[%get3A_1025, %get3A_1026] {strides = array<i32>} : memref<16x256xf32, #tpu.memory_space<vmem>>, vector<16xf32>,
      %add3A_1028 = arith.addf %add3A_1023, %get3A_1027 : vector<16xf32>
      %get3A_1029 = arith.constant 14 : i32
      %get3A_1030 = arith.index_cast %get3A_1029 : i32 to index
      %get3A_1031 = arith.constant 176 : index
      %get3A_1032 = tpu.vector_load %arg19[%get3A_1030, %get3A_1031] {strides = array<i32>} : memref<16x256xf32, #tpu.memory_space<vmem>>, vector<16xf32>,
      %add3A_1033 = arith.addf %add3A_1028, %get3A_1032 : vector<16xf32>
      %get3A_1034 = arith.constant 15 : i32
      %get3A_1035 = arith.index_cast %get3A_1034 : i32 to index
      %get3A_1036 = arith.constant 176 : index
      %get3A_1037 = tpu.vector_load %arg19[%get3A_1035, %get3A_1036] {strides = array<i32>} : memref<16x256xf32, #tpu.memory_space<vmem>>, vector<16xf32>,
      %add3A_1038 = arith.addf %add3A_1033, %get3A_1037 : vector<16xf32>
      %swap3A_1039 = arith.constant 176 : index
      %swap3A_1040 = tpu.vector_load %arg18[%swap3A_1039] {strides = array<i32>} : memref<256xf32, #tpu.memory_space<vmem>>, vector<16xf32>,
      tpu.vector_store %arg18[%swap3A_1039], %add3A_1038 {strides = array<i32>} : memref<256xf32, #tpu.memory_space<vmem>>, vector<16xf32>,
      %get3A_1041 = arith.constant 0 : i32
      %get3A_1042 = arith.index_cast %get3A_1041 : i32 to index
      %get3A_1043 = arith.constant 192 : index
      %get3A_1044 = tpu.vector_load %arg19[%get3A_1042, %get3A_1043] {strides = array<i32>} : memref<16x256xf32, #tpu.memory_space<vmem>>, vector<16xf32>,
      %get3A_1045 = arith.constant 1 : i32
      %get3A_1046 = arith.index_cast %get3A_1045 : i32 to index
      %get3A_1047 = arith.constant 192 : index
      %get3A_1048 = tpu.vector_load %arg19[%get3A_1046, %get3A_1047] {strides = array<i32>} : memref<16x256xf32, #tpu.memory_space<vmem>>, vector<16xf32>,
      %add3A_1049 = arith.addf %get3A_1044, %get3A_1048 : vector<16xf32>
      %get3A_1050 = arith.constant 2 : i32
      %get3A_1051 = arith.index_cast %get3A_1050 : i32 to index
      %get3A_1052 = arith.constant 192 : index
      %get3A_1053 = tpu.vector_load %arg19[%get3A_1051, %get3A_1052] {strides = array<i32>} : memref<16x256xf32, #tpu.memory_space<vmem>>, vector<16xf32>,
      %add3A_1054 = arith.addf %add3A_1049, %get3A_1053 : vector<16xf32>
      %get3A_1055 = arith.constant 3 : i32
      %get3A_1056 = arith.index_cast %get3A_1055 : i32 to index
      %get3A_1057 = arith.constant 192 : index
      %get3A_1058 = tpu.vector_load %arg19[%get3A_1056, %get3A_1057] {strides = array<i32>} : memref<16x256xf32, #tpu.memory_space<vmem>>, vector<16xf32>,
      %add3A_1059 = arith.addf %add3A_1054, %get3A_1058 : vector<16xf32>
      %get3A_1060 = arith.constant 4 : i32
      %get3A_1061 = arith.index_cast %get3A_1060 : i32 to index
      %get3A_1062 = arith.constant 192 : index
      %get3A_1063 = tpu.vector_load %arg19[%get3A_1061, %get3A_1062] {strides = array<i32>} : memref<16x256xf32, #tpu.memory_space<vmem>>, vector<16xf32>,
      %add3A_1064 = arith.addf %add3A_1059, %get3A_1063 : vector<16xf32>
      %get3A_1065 = arith.constant 5 : i32
      %get3A_1066 = arith.index_cast %get3A_1065 : i32 to index
      %get3A_1067 = arith.constant 192 : index
      %get3A_1068 = tpu.vector_load %arg19[%get3A_1066, %get3A_1067] {strides = array<i32>} : memref<16x256xf32, #tpu.memory_space<vmem>>, vector<16xf32>,
      %add3A_1069 = arith.addf %add3A_1064, %get3A_1068 : vector<16xf32>
      %get3A_1070 = arith.constant 6 : i32
      %get3A_1071 = arith.index_cast %get3A_1070 : i32 to index
      %get3A_1072 = arith.constant 192 : index
      %get3A_1073 = tpu.vector_load %arg19[%get3A_1071, %get3A_1072] {strides = array<i32>} : memref<16x256xf32, #tpu.memory_space<vmem>>, vector<16xf32>,
      %add3A_1074 = arith.addf %add3A_1069, %get3A_1073 : vector<16xf32>
      %get3A_1075 = arith.constant 7 : i32
      %get3A_1076 = arith.index_cast %get3A_1075 : i32 to index
      %get3A_1077 = arith.constant 192 : index
      %get3A_1078 = tpu.vector_load %arg19[%get3A_1076, %get3A_1077] {strides = array<i32>} : memref<16x256xf32, #tpu.memory_space<vmem>>, vector<16xf32>,
      %add3A_1079 = arith.addf %add3A_1074, %get3A_1078 : vector<16xf32>
      %get3A_1080 = arith.constant 8 : i32
      %get3A_1081 = arith.index_cast %get3A_1080 : i32 to index
      %get3A_1082 = arith.constant 192 : index
      %get3A_1083 = tpu.vector_load %arg19[%get3A_1081, %get3A_1082] {strides = array<i32>} : memref<16x256xf32, #tpu.memory_space<vmem>>, vector<16xf32>,
      %add3A_1084 = arith.addf %add3A_1079, %get3A_1083 : vector<16xf32>
      %get3A_1085 = arith.constant 9 : i32
      %get3A_1086 = arith.index_cast %get3A_1085 : i32 to index
      %get3A_1087 = arith.constant 192 : index
      %get3A_1088 = tpu.vector_load %arg19[%get3A_1086, %get3A_1087] {strides = array<i32>} : memref<16x256xf32, #tpu.memory_space<vmem>>, vector<16xf32>,
      %add3A_1089 = arith.addf %add3A_1084, %get3A_1088 : vector<16xf32>
      %get3A_1090 = arith.constant 10 : i32
      %get3A_1091 = arith.index_cast %get3A_1090 : i32 to index
      %get3A_1092 = arith.constant 192 : index
      %get3A_1093 = tpu.vector_load %arg19[%get3A_1091, %get3A_1092] {strides = array<i32>} : memref<16x256xf32, #tpu.memory_space<vmem>>, vector<16xf32>,
      %add3A_1094 = arith.addf %add3A_1089, %get3A_1093 : vector<16xf32>
      %get3A_1095 = arith.constant 11 : i32
      %get3A_1096 = arith.index_cast %get3A_1095 : i32 to index
      %get3A_1097 = arith.constant 192 : index
      %get3A_1098 = tpu.vector_load %arg19[%get3A_1096, %get3A_1097] {strides = array<i32>} : memref<16x256xf32, #tpu.memory_space<vmem>>, vector<16xf32>,
      %add3A_1099 = arith.addf %add3A_1094, %get3A_1098 : vector<16xf32>
      %get3A_1100 = arith.constant 12 : i32
      %get3A_1101 = arith.index_cast %get3A_1100 : i32 to index
      %get3A_1102 = arith.constant 192 : index
      %get3A_1103 = tpu.vector_load %arg19[%get3A_1101, %get3A_1102] {strides = array<i32>} : memref<16x256xf32, #tpu.memory_space<vmem>>, vector<16xf32>,
      %add3A_1104 = arith.addf %add3A_1099, %get3A_1103 : vector<16xf32>
      %get3A_1105 = arith.constant 13 : i32
      %get3A_1106 = arith.index_cast %get3A_1105 : i32 to index
      %get3A_1107 = arith.constant 192 : index
      %get3A_1108 = tpu.vector_load %arg19[%get3A_1106, %get3A_1107] {strides = array<i32>} : memref<16x256xf32, #tpu.memory_space<vmem>>, vector<16xf32>,
      %add3A_1109 = arith.addf %add3A_1104, %get3A_1108 : vector<16xf32>
      %get3A_1110 = arith.constant 14 : i32
      %get3A_1111 = arith.index_cast %get3A_1110 : i32 to index
      %get3A_1112 = arith.constant 192 : index
      %get3A_1113 = tpu.vector_load %arg19[%get3A_1111, %get3A_1112] {strides = array<i32>} : memref<16x256xf32, #tpu.memory_space<vmem>>, vector<16xf32>,
      %add3A_1114 = arith.addf %add3A_1109, %get3A_1113 : vector<16xf32>
      %get3A_1115 = arith.constant 15 : i32
      %get3A_1116 = arith.index_cast %get3A_1115 : i32 to index
      %get3A_1117 = arith.constant 192 : index
      %get3A_1118 = tpu.vector_load %arg19[%get3A_1116, %get3A_1117] {strides = array<i32>} : memref<16x256xf32, #tpu.memory_space<vmem>>, vector<16xf32>,
      %add3A_1119 = arith.addf %add3A_1114, %get3A_1118 : vector<16xf32>
      %swap3A_1120 = arith.constant 192 : index
      %swap3A_1121 = tpu.vector_load %arg18[%swap3A_1120] {strides = array<i32>} : memref<256xf32, #tpu.memory_space<vmem>>, vector<16xf32>,
      tpu.vector_store %arg18[%swap3A_1120], %add3A_1119 {strides = array<i32>} : memref<256xf32, #tpu.memory_space<vmem>>, vector<16xf32>,
      %get3A_1122 = arith.constant 0 : i32
      %get3A_1123 = arith.index_cast %get3A_1122 : i32 to index
      %get3A_1124 = arith.constant 208 : index
      %get3A_1125 = tpu.vector_load %arg19[%get3A_1123, %get3A_1124] {strides = array<i32>} : memref<16x256xf32, #tpu.memory_space<vmem>>, vector<16xf32>,
      %get3A_1126 = arith.constant 1 : i32
      %get3A_1127 = arith.index_cast %get3A_1126 : i32 to index
      %get3A_1128 = arith.constant 208 : index
      %get3A_1129 = tpu.vector_load %arg19[%get3A_1127, %get3A_1128] {strides = array<i32>} : memref<16x256xf32, #tpu.memory_space<vmem>>, vector<16xf32>,
      %add3A_1130 = arith.addf %get3A_1125, %get3A_1129 : vector<16xf32>
      %get3A_1131 = arith.constant 2 : i32
      %get3A_1132 = arith.index_cast %get3A_1131 : i32 to index
      %get3A_1133 = arith.constant 208 : index
      %get3A_1134 = tpu.vector_load %arg19[%get3A_1132, %get3A_1133] {strides = array<i32>} : memref<16x256xf32, #tpu.memory_space<vmem>>, vector<16xf32>,
      %add3A_1135 = arith.addf %add3A_1130, %get3A_1134 : vector<16xf32>
      %get3A_1136 = arith.constant 3 : i32
      %get3A_1137 = arith.index_cast %get3A_1136 : i32 to index
      %get3A_1138 = arith.constant 208 : index
      %get3A_1139 = tpu.vector_load %arg19[%get3A_1137, %get3A_1138] {strides = array<i32>} : memref<16x256xf32, #tpu.memory_space<vmem>>, vector<16xf32>,
      %add3A_1140 = arith.addf %add3A_1135, %get3A_1139 : vector<16xf32>
      %get3A_1141 = arith.constant 4 : i32
      %get3A_1142 = arith.index_cast %get3A_1141 : i32 to index
      %get3A_1143 = arith.constant 208 : index
      %get3A_1144 = tpu.vector_load %arg19[%get3A_1142, %get3A_1143] {strides = array<i32>} : memref<16x256xf32, #tpu.memory_space<vmem>>, vector<16xf32>,
      %add3A_1145 = arith.addf %add3A_1140, %get3A_1144 : vector<16xf32>
      %get3A_1146 = arith.constant 5 : i32
      %get3A_1147 = arith.index_cast %get3A_1146 : i32 to index
      %get3A_1148 = arith.constant 208 : index
      %get3A_1149 = tpu.vector_load %arg19[%get3A_1147, %get3A_1148] {strides = array<i32>} : memref<16x256xf32, #tpu.memory_space<vmem>>, vector<16xf32>,
      %add3A_1150 = arith.addf %add3A_1145, %get3A_1149 : vector<16xf32>
      %get3A_1151 = arith.constant 6 : i32
      %get3A_1152 = arith.index_cast %get3A_1151 : i32 to index
      %get3A_1153 = arith.constant 208 : index
      %get3A_1154 = tpu.vector_load %arg19[%get3A_1152, %get3A_1153] {strides = array<i32>} : memref<16x256xf32, #tpu.memory_space<vmem>>, vector<16xf32>,
      %add3A_1155 = arith.addf %add3A_1150, %get3A_1154 : vector<16xf32>
      %get3A_1156 = arith.constant 7 : i32
      %get3A_1157 = arith.index_cast %get3A_1156 : i32 to index
      %get3A_1158 = arith.constant 208 : index
      %get3A_1159 = tpu.vector_load %arg19[%get3A_1157, %get3A_1158] {strides = array<i32>} : memref<16x256xf32, #tpu.memory_space<vmem>>, vector<16xf32>,
      %add3A_1160 = arith.addf %add3A_1155, %get3A_1159 : vector<16xf32>
      %get3A_1161 = arith.constant 8 : i32
      %get3A_1162 = arith.index_cast %get3A_1161 : i32 to index
      %get3A_1163 = arith.constant 208 : index
      %get3A_1164 = tpu.vector_load %arg19[%get3A_1162, %get3A_1163] {strides = array<i32>} : memref<16x256xf32, #tpu.memory_space<vmem>>, vector<16xf32>,
      %add3A_1165 = arith.addf %add3A_1160, %get3A_1164 : vector<16xf32>
      %get3A_1166 = arith.constant 9 : i32
      %get3A_1167 = arith.index_cast %get3A_1166 : i32 to index
      %get3A_1168 = arith.constant 208 : index
      %get3A_1169 = tpu.vector_load %arg19[%get3A_1167, %get3A_1168] {strides = array<i32>} : memref<16x256xf32, #tpu.memory_space<vmem>>, vector<16xf32>,
      %add3A_1170 = arith.addf %add3A_1165, %get3A_1169 : vector<16xf32>
      %get3A_1171 = arith.constant 10 : i32
      %get3A_1172 = arith.index_cast %get3A_1171 : i32 to index
      %get3A_1173 = arith.constant 208 : index
      %get3A_1174 = tpu.vector_load %arg19[%get3A_1172, %get3A_1173] {strides = array<i32>} : memref<16x256xf32, #tpu.memory_space<vmem>>, vector<16xf32>,
      %add3A_1175 = arith.addf %add3A_1170, %get3A_1174 : vector<16xf32>
      %get3A_1176 = arith.constant 11 : i32
      %get3A_1177 = arith.index_cast %get3A_1176 : i32 to index
      %get3A_1178 = arith.constant 208 : index
      %get3A_1179 = tpu.vector_load %arg19[%get3A_1177, %get3A_1178] {strides = array<i32>} : memref<16x256xf32, #tpu.memory_space<vmem>>, vector<16xf32>,
      %add3A_1180 = arith.addf %add3A_1175, %get3A_1179 : vector<16xf32>
      %get3A_1181 = arith.constant 12 : i32
      %get3A_1182 = arith.index_cast %get3A_1181 : i32 to index
      %get3A_1183 = arith.constant 208 : index
      %get3A_1184 = tpu.vector_load %arg19[%get3A_1182, %get3A_1183] {strides = array<i32>} : memref<16x256xf32, #tpu.memory_space<vmem>>, vector<16xf32>,
      %add3A_1185 = arith.addf %add3A_1180, %get3A_1184 : vector<16xf32>
      %get3A_1186 = arith.constant 13 : i32
      %get3A_1187 = arith.index_cast %get3A_1186 : i32 to index
      %get3A_1188 = arith.constant 208 : index
      %get3A_1189 = tpu.vector_load %arg19[%get3A_1187, %get3A_1188] {strides = array<i32>} : memref<16x256xf32, #tpu.memory_space<vmem>>, vector<16xf32>,
      %add3A_1190 = arith.addf %add3A_1185, %get3A_1189 : vector<16xf32>
      %get3A_1191 = arith.constant 14 : i32
      %get3A_1192 = arith.index_cast %get3A_1191 : i32 to index
      %get3A_1193 = arith.constant 208 : index
      %get3A_1194 = tpu.vector_load %arg19[%get3A_1192, %get3A_1193] {strides = array<i32>} : memref<16x256xf32, #tpu.memory_space<vmem>>, vector<16xf32>,
      %add3A_1195 = arith.addf %add3A_1190, %get3A_1194 : vector<16xf32>
      %get3A_1196 = arith.constant 15 : i32
      %get3A_1197 = arith.index_cast %get3A_1196 : i32 to index
      %get3A_1198 = arith.constant 208 : index
      %get3A_1199 = tpu.vector_load %arg19[%get3A_1197, %get3A_1198] {strides = array<i32>} : memref<16x256xf32, #tpu.memory_space<vmem>>, vector<16xf32>,
      %add3A_1200 = arith.addf %add3A_1195, %get3A_1199 : vector<16xf32>
      %swap3A_1201 = arith.constant 208 : index
      %swap3A_1202 = tpu.vector_load %arg18[%swap3A_1201] {strides = array<i32>} : memref<256xf32, #tpu.memory_space<vmem>>, vector<16xf32>,
      tpu.vector_store %arg18[%swap3A_1201], %add3A_1200 {strides = array<i32>} : memref<256xf32, #tpu.memory_space<vmem>>, vector<16xf32>,
      %get3A_1203 = arith.constant 0 : i32
      %get3A_1204 = arith.index_cast %get3A_1203 : i32 to index
      %get3A_1205 = arith.constant 224 : index
      %get3A_1206 = tpu.vector_load %arg19[%get3A_1204, %get3A_1205] {strides = array<i32>} : memref<16x256xf32, #tpu.memory_space<vmem>>, vector<16xf32>,
      %get3A_1207 = arith.constant 1 : i32
      %get3A_1208 = arith.index_cast %get3A_1207 : i32 to index
      %get3A_1209 = arith.constant 224 : index
      %get3A_1210 = tpu.vector_load %arg19[%get3A_1208, %get3A_1209] {strides = array<i32>} : memref<16x256xf32, #tpu.memory_space<vmem>>, vector<16xf32>,
      %add3A_1211 = arith.addf %get3A_1206, %get3A_1210 : vector<16xf32>
      %get3A_1212 = arith.constant 2 : i32
      %get3A_1213 = arith.index_cast %get3A_1212 : i32 to index
      %get3A_1214 = arith.constant 224 : index
      %get3A_1215 = tpu.vector_load %arg19[%get3A_1213, %get3A_1214] {strides = array<i32>} : memref<16x256xf32, #tpu.memory_space<vmem>>, vector<16xf32>,
      %add3A_1216 = arith.addf %add3A_1211, %get3A_1215 : vector<16xf32>
      %get3A_1217 = arith.constant 3 : i32
      %get3A_1218 = arith.index_cast %get3A_1217 : i32 to index
      %get3A_1219 = arith.constant 224 : index
      %get3A_1220 = tpu.vector_load %arg19[%get3A_1218, %get3A_1219] {strides = array<i32>} : memref<16x256xf32, #tpu.memory_space<vmem>>, vector<16xf32>,
      %add3A_1221 = arith.addf %add3A_1216, %get3A_1220 : vector<16xf32>
      %get3A_1222 = arith.constant 4 : i32
      %get3A_1223 = arith.index_cast %get3A_1222 : i32 to index
      %get3A_1224 = arith.constant 224 : index
      %get3A_1225 = tpu.vector_load %arg19[%get3A_1223, %get3A_1224] {strides = array<i32>} : memref<16x256xf32, #tpu.memory_space<vmem>>, vector<16xf32>,
      %add3A_1226 = arith.addf %add3A_1221, %get3A_1225 : vector<16xf32>
      %get3A_1227 = arith.constant 5 : i32
      %get3A_1228 = arith.index_cast %get3A_1227 : i32 to index
      %get3A_1229 = arith.constant 224 : index
      %get3A_1230 = tpu.vector_load %arg19[%get3A_1228, %get3A_1229] {strides = array<i32>} : memref<16x256xf32, #tpu.memory_space<vmem>>, vector<16xf32>,
      %add3A_1231 = arith.addf %add3A_1226, %get3A_1230 : vector<16xf32>
      %get3A_1232 = arith.constant 6 : i32
      %get3A_1233 = arith.index_cast %get3A_1232 : i32 to index
      %get3A_1234 = arith.constant 224 : index
      %get3A_1235 = tpu.vector_load %arg19[%get3A_1233, %get3A_1234] {strides = array<i32>} : memref<16x256xf32, #tpu.memory_space<vmem>>, vector<16xf32>,
      %add3A_1236 = arith.addf %add3A_1231, %get3A_1235 : vector<16xf32>
      %get3A_1237 = arith.constant 7 : i32
      %get3A_1238 = arith.index_cast %get3A_1237 : i32 to index
      %get3A_1239 = arith.constant 224 : index
      %get3A_1240 = tpu.vector_load %arg19[%get3A_1238, %get3A_1239] {strides = array<i32>} : memref<16x256xf32, #tpu.memory_space<vmem>>, vector<16xf32>,
      %add3A_1241 = arith.addf %add3A_1236, %get3A_1240 : vector<16xf32>
      %get3A_1242 = arith.constant 8 : i32
      %get3A_1243 = arith.index_cast %get3A_1242 : i32 to index
      %get3A_1244 = arith.constant 224 : index
      %get3A_1245 = tpu.vector_load %arg19[%get3A_1243, %get3A_1244] {strides = array<i32>} : memref<16x256xf32, #tpu.memory_space<vmem>>, vector<16xf32>,
      %add3A_1246 = arith.addf %add3A_1241, %get3A_1245 : vector<16xf32>
      %get3A_1247 = arith.constant 9 : i32
      %get3A_1248 = arith.index_cast %get3A_1247 : i32 to index
      %get3A_1249 = arith.constant 224 : index
      %get3A_1250 = tpu.vector_load %arg19[%get3A_1248, %get3A_1249] {strides = array<i32>} : memref<16x256xf32, #tpu.memory_space<vmem>>, vector<16xf32>,
      %add3A_1251 = arith.addf %add3A_1246, %get3A_1250 : vector<16xf32>
      %get3A_1252 = arith.constant 10 : i32
      %get3A_1253 = arith.index_cast %get3A_1252 : i32 to index
      %get3A_1254 = arith.constant 224 : index
      %get3A_1255 = tpu.vector_load %arg19[%get3A_1253, %get3A_1254] {strides = array<i32>} : memref<16x256xf32, #tpu.memory_space<vmem>>, vector<16xf32>,
      %add3A_1256 = arith.addf %add3A_1251, %get3A_1255 : vector<16xf32>
      %get3A_1257 = arith.constant 11 : i32
      %get3A_1258 = arith.index_cast %get3A_1257 : i32 to index
      %get3A_1259 = arith.constant 224 : index
      %get3A_1260 = tpu.vector_load %arg19[%get3A_1258, %get3A_1259] {strides = array<i32>} : memref<16x256xf32, #tpu.memory_space<vmem>>, vector<16xf32>,
      %add3A_1261 = arith.addf %add3A_1256, %get3A_1260 : vector<16xf32>
      %get3A_1262 = arith.constant 12 : i32
      %get3A_1263 = arith.index_cast %get3A_1262 : i32 to index
      %get3A_1264 = arith.constant 224 : index
      %get3A_1265 = tpu.vector_load %arg19[%get3A_1263, %get3A_1264] {strides = array<i32>} : memref<16x256xf32, #tpu.memory_space<vmem>>, vector<16xf32>,
      %add3A_1266 = arith.addf %add3A_1261, %get3A_1265 : vector<16xf32>
      %get3A_1267 = arith.constant 13 : i32
      %get3A_1268 = arith.index_cast %get3A_1267 : i32 to index
      %get3A_1269 = arith.constant 224 : index
      %get3A_1270 = tpu.vector_load %arg19[%get3A_1268, %get3A_1269] {strides = array<i32>} : memref<16x256xf32, #tpu.memory_space<vmem>>, vector<16xf32>,
      %add3A_1271 = arith.addf %add3A_1266, %get3A_1270 : vector<16xf32>
      %get3A_1272 = arith.constant 14 : i32
      %get3A_1273 = arith.index_cast %get3A_1272 : i32 to index
      %get3A_1274 = arith.constant 224 : index
      %get3A_1275 = tpu.vector_load %arg19[%get3A_1273, %get3A_1274] {strides = array<i32>} : memref<16x256xf32, #tpu.memory_space<vmem>>, vector<16xf32>,
      %add3A_1276 = arith.addf %add3A_1271, %get3A_1275 : vector<16xf32>
      %get3A_1277 = arith.constant 15 : i32
      %get3A_1278 = arith.index_cast %get3A_1277 : i32 to index
      %get3A_1279 = arith.constant 224 : index
      %get3A_1280 = tpu.vector_load %arg19[%get3A_1278, %get3A_1279] {strides = array<i32>} : memref<16x256xf32, #tpu.memory_space<vmem>>, vector<16xf32>,
      %add3A_1281 = arith.addf %add3A_1276, %get3A_1280 : vector<16xf32>
      %swap3A_1282 = arith.constant 224 : index
      %swap3A_1283 = tpu.vector_load %arg18[%swap3A_1282] {strides = array<i32>} : memref<256xf32, #tpu.memory_space<vmem>>, vector<16xf32>,
      tpu.vector_store %arg18[%swap3A_1282], %add3A_1281 {strides = array<i32>} : memref<256xf32, #tpu.memory_space<vmem>>, vector<16xf32>,
      %get3A_1284 = arith.constant 0 : i32
      %get3A_1285 = arith.index_cast %get3A_1284 : i32 to index
      %get3A_1286 = arith.constant 240 : index
      %get3A_1287 = tpu.vector_load %arg19[%get3A_1285, %get3A_1286] {strides = array<i32>} : memref<16x256xf32, #tpu.memory_space<vmem>>, vector<16xf32>,
      %get3A_1288 = arith.constant 1 : i32
      %get3A_1289 = arith.index_cast %get3A_1288 : i32 to index
      %get3A_1290 = arith.constant 240 : index
      %get3A_1291 = tpu.vector_load %arg19[%get3A_1289, %get3A_1290] {strides = array<i32>} : memref<16x256xf32, #tpu.memory_space<vmem>>, vector<16xf32>,
      %add3A_1292 = arith.addf %get3A_1287, %get3A_1291 : vector<16xf32>
      %get3A_1293 = arith.constant 2 : i32
      %get3A_1294 = arith.index_cast %get3A_1293 : i32 to index
      %get3A_1295 = arith.constant 240 : index
      %get3A_1296 = tpu.vector_load %arg19[%get3A_1294, %get3A_1295] {strides = array<i32>} : memref<16x256xf32, #tpu.memory_space<vmem>>, vector<16xf32>,
      %add3A_1297 = arith.addf %add3A_1292, %get3A_1296 : vector<16xf32>
      %get3A_1298 = arith.constant 3 : i32
      %get3A_1299 = arith.index_cast %get3A_1298 : i32 to index
      %get3A_1300 = arith.constant 240 : index
      %get3A_1301 = tpu.vector_load %arg19[%get3A_1299, %get3A_1300] {strides = array<i32>} : memref<16x256xf32, #tpu.memory_space<vmem>>, vector<16xf32>,
      %add3A_1302 = arith.addf %add3A_1297, %get3A_1301 : vector<16xf32>
      %get3A_1303 = arith.constant 4 : i32
      %get3A_1304 = arith.index_cast %get3A_1303 : i32 to index
      %get3A_1305 = arith.constant 240 : index
      %get3A_1306 = tpu.vector_load %arg19[%get3A_1304, %get3A_1305] {strides = array<i32>} : memref<16x256xf32, #tpu.memory_space<vmem>>, vector<16xf32>,
      %add3A_1307 = arith.addf %add3A_1302, %get3A_1306 : vector<16xf32>
      %get3A_1308 = arith.constant 5 : i32
      %get3A_1309 = arith.index_cast %get3A_1308 : i32 to index
      %get3A_1310 = arith.constant 240 : index
      %get3A_1311 = tpu.vector_load %arg19[%get3A_1309, %get3A_1310] {strides = array<i32>} : memref<16x256xf32, #tpu.memory_space<vmem>>, vector<16xf32>,
      %add3A_1312 = arith.addf %add3A_1307, %get3A_1311 : vector<16xf32>
      %get3A_1313 = arith.constant 6 : i32
      %get3A_1314 = arith.index_cast %get3A_1313 : i32 to index
      %get3A_1315 = arith.constant 240 : index
      %get3A_1316 = tpu.vector_load %arg19[%get3A_1314, %get3A_1315] {strides = array<i32>} : memref<16x256xf32, #tpu.memory_space<vmem>>, vector<16xf32>,
      %add3A_1317 = arith.addf %add3A_1312, %get3A_1316 : vector<16xf32>
      %get3A_1318 = arith.constant 7 : i32
      %get3A_1319 = arith.index_cast %get3A_1318 : i32 to index
      %get3A_1320 = arith.constant 240 : index
      %get3A_1321 = tpu.vector_load %arg19[%get3A_1319, %get3A_1320] {strides = array<i32>} : memref<16x256xf32, #tpu.memory_space<vmem>>, vector<16xf32>,
      %add3A_1322 = arith.addf %add3A_1317, %get3A_1321 : vector<16xf32>
      %get3A_1323 = arith.constant 8 : i32
      %get3A_1324 = arith.index_cast %get3A_1323 : i32 to index
      %get3A_1325 = arith.constant 240 : index
      %get3A_1326 = tpu.vector_load %arg19[%get3A_1324, %get3A_1325] {strides = array<i32>} : memref<16x256xf32, #tpu.memory_space<vmem>>, vector<16xf32>,
      %add3A_1327 = arith.addf %add3A_1322, %get3A_1326 : vector<16xf32>
      %get3A_1328 = arith.constant 9 : i32
      %get3A_1329 = arith.index_cast %get3A_1328 : i32 to index
      %get3A_1330 = arith.constant 240 : index
      %get3A_1331 = tpu.vector_load %arg19[%get3A_1329, %get3A_1330] {strides = array<i32>} : memref<16x256xf32, #tpu.memory_space<vmem>>, vector<16xf32>,
      %add3A_1332 = arith.addf %add3A_1327, %get3A_1331 : vector<16xf32>
      %get3A_1333 = arith.constant 10 : i32
      %get3A_1334 = arith.index_cast %get3A_1333 : i32 to index
      %get3A_1335 = arith.constant 240 : index
      %get3A_1336 = tpu.vector_load %arg19[%get3A_1334, %get3A_1335] {strides = array<i32>} : memref<16x256xf32, #tpu.memory_space<vmem>>, vector<16xf32>,
      %add3A_1337 = arith.addf %add3A_1332, %get3A_1336 : vector<16xf32>
      %get3A_1338 = arith.constant 11 : i32
      %get3A_1339 = arith.index_cast %get3A_1338 : i32 to index
      %get3A_1340 = arith.constant 240 : index
      %get3A_1341 = tpu.vector_load %arg19[%get3A_1339, %get3A_1340] {strides = array<i32>} : memref<16x256xf32, #tpu.memory_space<vmem>>, vector<16xf32>,
      %add3A_1342 = arith.addf %add3A_1337, %get3A_1341 : vector<16xf32>
      %get3A_1343 = arith.constant 12 : i32
      %get3A_1344 = arith.index_cast %get3A_1343 : i32 to index
      %get3A_1345 = arith.constant 240 : index
      %get3A_1346 = tpu.vector_load %arg19[%get3A_1344, %get3A_1345] {strides = array<i32>} : memref<16x256xf32, #tpu.memory_space<vmem>>, vector<16xf32>,
      %add3A_1347 = arith.addf %add3A_1342, %get3A_1346 : vector<16xf32>
      %get3A_1348 = arith.constant 13 : i32
      %get3A_1349 = arith.index_cast %get3A_1348 : i32 to index
      %get3A_1350 = arith.constant 240 : index
      %get3A_1351 = tpu.vector_load %arg19[%get3A_1349, %get3A_1350] {strides = array<i32>} : memref<16x256xf32, #tpu.memory_space<vmem>>, vector<16xf32>,
      %add3A_1352 = arith.addf %add3A_1347, %get3A_1351 : vector<16xf32>
      %get3A_1353 = arith.constant 14 : i32
      %get3A_1354 = arith.index_cast %get3A_1353 : i32 to index
      %get3A_1355 = arith.constant 240 : index
      %get3A_1356 = tpu.vector_load %arg19[%get3A_1354, %get3A_1355] {strides = array<i32>} : memref<16x256xf32, #tpu.memory_space<vmem>>, vector<16xf32>,
      %add3A_1357 = arith.addf %add3A_1352, %get3A_1356 : vector<16xf32>
      %get3A_1358 = arith.constant 15 : i32
      %get3A_1359 = arith.index_cast %get3A_1358 : i32 to index
      %get3A_1360 = arith.constant 240 : index
      %get3A_1361 = tpu.vector_load %arg19[%get3A_1359, %get3A_1360] {strides = array<i32>} : memref<16x256xf32, #tpu.memory_space<vmem>>, vector<16xf32>,
      %add3A_1362 = arith.addf %add3A_1357, %get3A_1361 : vector<16xf32>
      %swap3A_1363 = arith.constant 240 : index
      %swap3A_1364 = tpu.vector_load %arg18[%swap3A_1363] {strides = array<i32>} : memref<256xf32, #tpu.memory_space<vmem>>, vector<16xf32>,
      tpu.vector_store %arg18[%swap3A_1363], %add3A_1362 {strides = array<i32>} : memref<256xf32, #tpu.memory_space<vmem>>, vector<16xf32>,
      %mul3A_1365 = arith.constant 16 : i32
      %mul3A_1366 = arith.muli %add3A_58, %mul3A_1365 : i32
      %add3A_1367 = arith.addi %mul3A_1366, %arg1 : i32
      "tpu.region"() ({
        %run_scoped3A = tpu.sem_alloc : memref<!tpu.dma_semaphore, #tpu.memory_space<semaphore_mem>>
        %dma_start3A = arith.constant 0 : i32
        %dma_start3A_1369 = tpu.memref_slice %arg5[%add3A_1367, %dma_start3A] : memref<128x256xf32, #tpu.memory_space<hbm>> -> memref<1x256xf32, #tpu.memory_space<hbm>>
        %dma_start3A_1370 = tpu.memref_squeeze %dma_start3A_1369 : memref<1x256xf32, #tpu.memory_space<hbm>> -> memref<256xf32, #tpu.memory_space<hbm>>
        %dma_start3A_1371 = arith.constant 0 : i32
        %dma_start3A_1372 = tpu.memref_slice %arg5[%add3A_1367, %dma_start3A_1371] : memref<128x256xf32, #tpu.memory_space<hbm>> -> memref<1x256xf32, #tpu.memory_space<hbm>>
        %dma_start3A_1373 = tpu.memref_squeeze %dma_start3A_1372 : memref<1x256xf32, #tpu.memory_space<hbm>> -> memref<256xf32, #tpu.memory_space<hbm>>
        tpu.enqueue_dma source(%arg18 : memref<256xf32, #tpu.memory_space<vmem>>) target(%dma_start3A_1373 : memref<256xf32, #tpu.memory_space<hbm>>) target_semaphore(%run_scoped3A : memref<!tpu.dma_semaphore, #tpu.memory_space<semaphore_mem>>)
        %dma_wait3A = arith.constant 0 : i32
        %dma_wait3A_1374 = tpu.memref_slice %arg5[%add3A_1367, %dma_wait3A] : memref<128x256xf32, #tpu.memory_space<hbm>> -> memref<1x256xf32, #tpu.memory_space<hbm>>
        %dma_wait3A_1375 = tpu.memref_squeeze %dma_wait3A_1374 : memref<1x256xf32, #tpu.memory_space<hbm>> -> memref<256xf32, #tpu.memory_space<hbm>>
        %dma_wait3A_1376 = arith.constant 0 : i32
        %dma_wait3A_1377 = tpu.memref_slice %arg5[%add3A_1367, %dma_wait3A_1376] : memref<128x256xf32, #tpu.memory_space<hbm>> -> memref<1x256xf32, #tpu.memory_space<hbm>>
        %dma_wait3A_1378 = tpu.memref_squeeze %dma_wait3A_1377 : memref<1x256xf32, #tpu.memory_space<hbm>> -> memref<256xf32, #tpu.memory_space<hbm>>
        tpu.wait_dma2 semaphore(%run_scoped3A : memref<!tpu.dma_semaphore, #tpu.memory_space<semaphore_mem>>) src(%arg18 : memref<256xf32, #tpu.memory_space<vmem>>) dst(%dma_wait3A_1378 : memref<256xf32, #tpu.memory_space<hbm>>)
        tpu.yield
      }) : () -> ()
      %scan3A_1368 = arith.constant 0 : i32
      scf.yield %scan3A_1368 : i32
    }
    %scan3A_53 = arith.constant 4 : i32
    return
  }
}

module attributes {stable_mosaic.version = 14 : i64} {
  func.func @_conv_body(%arg0: i32, %arg1: memref<8192x64xbf16, #tpu.memory_space<vmem>>, %arg2: memref<8192x1xf32, #tpu.memory_space<vmem>>, %arg3: memref<8192x64xf32, #tpu.memory_space<vmem>>, %arg4: memref<64x64xf32, #tpu.memory_space<vmem>>, %arg5: memref<1x64xf32, #tpu.memory_space<vmem>>, %arg6: memref<8192x64xbf16, #tpu.memory_space<vmem>>) attributes {dimension_semantics = [#tpu.dimension_semantics<arbitrary>], iteration_bounds = array<i64: 4>, scalar_prefetch = 0 : i64, scratch_operands = 0 : i64, tpu.core_type = #tpu.core_type<tc>, window_params = [{transform_indices = @transform_0, window_bounds = array<i64: 8192, 64>}, {transform_indices = @transform_1, window_bounds = array<i64: 8192, 1>}, {transform_indices = @transform_2, window_bounds = array<i64: 8192, 64>}, {pipeline_mode = #tpu.pipeline_mode<synchronous>, transform_indices = @transform_3, window_bounds = array<i64: 64, 64>}, {pipeline_mode = #tpu.pipeline_mode<synchronous>, transform_indices = @transform_4, window_bounds = array<i64: 1, 64>}, {transform_indices = @transform_5, window_bounds = array<i64: 8192, 64>}]} {
    %get3A = arith.constant 0 : index
    %get3A_0 = arith.constant 0 : index
    %get3A_1 = vector.load %arg2[%get3A, %get3A_0] : memref<8192x1xf32, #tpu.memory_space<vmem>>, vector<8192x1xf32>
    %get3A_2 = arith.constant 0 : index
    %get3A_3 = arith.constant 0 : index
    %get3A_4 = vector.load %arg1[%get3A_2, %get3A_3] : memref<8192x64xbf16, #tpu.memory_space<vmem>>, vector<8192x64xbf16>
    %convert_element_type3A = arith.extf %get3A_4 : vector<8192x64xbf16> to vector<8192x64xf32>
    %max3A = arith.constant 1.000000e+00 : f32
    %max3A_5 = vector.broadcast %max3A : f32 to vector<8192x1xf32>
    %max3A_6 = arith.maximumf %get3A_1, %max3A_5 : vector<8192x1xf32>
    %div3A = vector.broadcast %max3A_6 : vector<8192x1xf32> to vector<8192x64xf32>
    %div3A_7 = arith.divf %convert_element_type3A, %div3A : vector<8192x64xf32>
    %get3A_8 = arith.constant 0 : index
    %get3A_9 = arith.constant 0 : index
    %get3A_10 = vector.load %arg4[%get3A_8, %get3A_9] : memref<64x64xf32, #tpu.memory_space<vmem>>, vector<64x64xf32>
    %dot_general3A = arith.constant dense<0.000000e+00> : vector<8192x64xf32>
    %dot_general3A_11 = tpu.matmul %div3A_7, %get3A_10, %dot_general3A {dimension_numbers = #tpu.dot_dimension_numbers<[1], [0], [0], [1], [0, 0, 1, 1], [], []>, transpose_lhs_hint = false} : vector<8192x64xf32>, vector<64x64xf32>, vector<8192x64xf32> -> vector<8192x64xf32>
    %get3A_12 = arith.constant 0 : index
    %get3A_13 = arith.constant 0 : index
    %get3A_14 = vector.load %arg5[%get3A_12, %get3A_13] : memref<1x64xf32, #tpu.memory_space<vmem>>, vector<1x64xf32>
    %gt3A = arith.constant 0.000000e+00 : f32
    %gt3A_15 = vector.broadcast %gt3A : f32 to vector<8192x1xf32>
    %gt3A_16 = arith.cmpf ogt, %get3A_1, %gt3A_15 : vector<8192x1xf32>
    %convert_element_type3A_17 = arith.extui %gt3A_16 : vector<8192x1xi1> to vector<8192x1xi32>
    %convert_element_type3A_18 = arith.sitofp %convert_element_type3A_17 : vector<8192x1xi32> to vector<8192x1xf32>
    %mul3A = vector.broadcast %get3A_14 : vector<1x64xf32> to vector<8192x64xf32>
    %mul3A_19 = vector.broadcast %convert_element_type3A_18 : vector<8192x1xf32> to vector<8192x64xf32>
    %mul3A_20 = arith.mulf %mul3A, %mul3A_19 : vector<8192x64xf32>
    %add3A = arith.addf %dot_general3A_11, %mul3A_20 : vector<8192x64xf32>
    %get3A_21 = arith.constant 0 : index
    %get3A_22 = arith.constant 0 : index
    %get3A_23 = vector.load %arg3[%get3A_21, %get3A_22] : memref<8192x64xf32, #tpu.memory_space<vmem>>, vector<8192x64xf32>
    %add3A_24 = arith.addf %add3A, %get3A_23 : vector<8192x64xf32>
    %ge3A = arith.constant 0.000000e+00 : f32
    %ge3A_25 = vector.broadcast %ge3A : f32 to vector<8192x64xf32>
    %ge3A_26 = arith.cmpf oge, %add3A_24, %ge3A_25 : vector<8192x64xf32>
    %mul3A_27 = arith.constant 0.00999999977 : f32
    %mul3A_28 = vector.broadcast %mul3A_27 : f32 to vector<8192x64xf32>
    %mul3A_29 = arith.mulf %mul3A_28, %add3A_24 : vector<8192x64xf32>
    %select_n3A = arith.select %ge3A_26, %add3A_24, %mul3A_29 : vector<8192x64xi1>, vector<8192x64xf32>
    %convert_element_type3A_30 = arith.truncf %select_n3A : vector<8192x64xf32> to vector<8192x64xbf16>
    %swap3A = arith.constant 0 : index
    %swap3A_31 = arith.constant 0 : index
    %swap3A_32 = vector.load %arg6[%swap3A, %swap3A_31] : memref<8192x64xbf16, #tpu.memory_space<vmem>>, vector<8192x64xbf16>
    tpu.vector_store %arg6[%swap3A, %swap3A_31], %convert_element_type3A_30 {strides = array<i32>} : memref<8192x64xbf16, #tpu.memory_space<vmem>>, vector<8192x64xbf16>,
    return
  }
  func.func @transform_0(%arg0: i32) -> (i32, i32) {
    %c0_i32 = arith.constant 0 : i32
    %c0_i32_0 = arith.constant 0 : i32
    return %arg0, %c0_i32 : i32, i32
  }
  func.func @transform_1(%arg0: i32) -> (i32, i32) {
    %c0_i32 = arith.constant 0 : i32
    %c0_i32_0 = arith.constant 0 : i32
    return %arg0, %c0_i32 : i32, i32
  }
  func.func @transform_2(%arg0: i32) -> (i32, i32) {
    %c0_i32 = arith.constant 0 : i32
    %c0_i32_0 = arith.constant 0 : i32
    return %arg0, %c0_i32 : i32, i32
  }
  func.func @transform_3(%arg0: i32) -> (i32, i32) {
    %c0_i32 = arith.constant 0 : i32
    %c0_i32_0 = arith.constant 0 : i32
    %c0_i32_1 = arith.constant 0 : i32
    return %c0_i32, %c0_i32_0 : i32, i32
  }
  func.func @transform_4(%arg0: i32) -> (i32, i32) {
    %c0_i32 = arith.constant 0 : i32
    %c0_i32_0 = arith.constant 0 : i32
    %c0_i32_1 = arith.constant 0 : i32
    return %c0_i32, %c0_i32_0 : i32, i32
  }
  func.func @transform_5(%arg0: i32) -> (i32, i32) {
    %c0_i32 = arith.constant 0 : i32
    %c0_i32_0 = arith.constant 0 : i32
    return %arg0, %c0_i32 : i32, i32
  }
}

module attributes {stable_mosaic.version = 14 : i64} {
  func.func @_enc_body(%arg0: i32, %arg1: memref<8x8192xbf16, #tpu.memory_space<vmem>>, %arg2: memref<8192x128xf32, #tpu.memory_space<vmem>>, %arg3: memref<1x128xf32, #tpu.memory_space<vmem>>, %arg4: memref<128x64xf32, #tpu.memory_space<vmem>>, %arg5: memref<1x64xf32, #tpu.memory_space<vmem>>, %arg6: memref<128x64xf32, #tpu.memory_space<vmem>>, %arg7: memref<1x64xf32, #tpu.memory_space<vmem>>, %arg8: memref<64x128xf32, #tpu.memory_space<vmem>>, %arg9: memref<1x128xf32, #tpu.memory_space<vmem>>, %arg10: memref<8x64xf32, #tpu.memory_space<vmem>>, %arg11: memref<8x64xf32, #tpu.memory_space<vmem>>, %arg12: memref<8x64xf32, #tpu.memory_space<vmem>>, %arg13: memref<8x128xf32, #tpu.memory_space<vmem>>, %arg14: memref<8x128xf32, #tpu.memory_space<vmem>>) attributes {dimension_semantics = [#tpu.dimension_semantics<arbitrary>], iteration_bounds = array<i64: 32>, scalar_prefetch = 0 : i64, scratch_operands = 1 : i64, tpu.core_type = #tpu.core_type<tc>, window_params = [{transform_indices = @transform_0, window_bounds = array<i64: 8, 8192>}, {transform_indices = @transform_1, window_bounds = array<i64: 8192, 128>}, {pipeline_mode = #tpu.pipeline_mode<synchronous>, transform_indices = @transform_2, window_bounds = array<i64: 1, 128>}, {pipeline_mode = #tpu.pipeline_mode<synchronous>, transform_indices = @transform_3, window_bounds = array<i64: 128, 64>}, {pipeline_mode = #tpu.pipeline_mode<synchronous>, transform_indices = @transform_4, window_bounds = array<i64: 1, 64>}, {pipeline_mode = #tpu.pipeline_mode<synchronous>, transform_indices = @transform_5, window_bounds = array<i64: 128, 64>}, {pipeline_mode = #tpu.pipeline_mode<synchronous>, transform_indices = @transform_6, window_bounds = array<i64: 1, 64>}, {pipeline_mode = #tpu.pipeline_mode<synchronous>, transform_indices = @transform_7, window_bounds = array<i64: 64, 128>}, {pipeline_mode = #tpu.pipeline_mode<synchronous>, transform_indices = @transform_8, window_bounds = array<i64: 1, 128>}, {pipeline_mode = #tpu.pipeline_mode<synchronous>, transform_indices = @transform_9, window_bounds = array<i64: 8, 64>}, {pipeline_mode = #tpu.pipeline_mode<synchronous>, transform_indices = @transform_10, window_bounds = array<i64: 8, 64>}, {pipeline_mode = #tpu.pipeline_mode<synchronous>, transform_indices = @transform_11, window_bounds = array<i64: 8, 64>}, {pipeline_mode = #tpu.pipeline_mode<synchronous>, transform_indices = @transform_12, window_bounds = array<i64: 8, 128>}]} {
    %eq3A = arith.constant 0 : i32
    %eq3A_0 = arith.cmpi eq, %arg0, %eq3A : i32
    %convert_element_type3A = arith.extui %eq3A_0 : i1 to i32
    %cond3A = arith.constant 0 : i32
    %cond3A_1 = arith.cmpi ne, %convert_element_type3A, %cond3A : i32
    scf.if %cond3A_1 {
      %broadcast_in_dim3A = arith.constant 0.000000e+00 : f32
      %broadcast_in_dim3A_19 = vector.broadcast %broadcast_in_dim3A : f32 to vector<8x128xf32>
      %swap3A_20 = arith.constant 0 : index
      %swap3A_21 = arith.constant 0 : index
      %swap3A_22 = vector.load %arg14[%swap3A_20, %swap3A_21] : memref<8x128xf32, #tpu.memory_space<vmem>>, vector<8x128xf32>
      tpu.vector_store %arg14[%swap3A_20, %swap3A_21], %broadcast_in_dim3A_19 {strides = array<i32>} : memref<8x128xf32, #tpu.memory_space<vmem>>, vector<8x128xf32>,
    } else {
    }
    %get3A = arith.constant 0 : index
    %get3A_2 = arith.constant 0 : index
    %get3A_3 = vector.load %arg14[%get3A, %get3A_2] : memref<8x128xf32, #tpu.memory_space<vmem>>, vector<8x128xf32>
    %get3A_4 = arith.constant 0 : index
    %get3A_5 = arith.constant 0 : index
    %get3A_6 = vector.load %arg1[%get3A_4, %get3A_5] : memref<8x8192xbf16, #tpu.memory_space<vmem>>, vector<8x8192xbf16>
    %convert_element_type3A_7 = arith.extf %get3A_6 : vector<8x8192xbf16> to vector<8x8192xf32>
    %get3A_8 = arith.constant 0 : index
    %get3A_9 = arith.constant 0 : index
    %get3A_10 = vector.load %arg2[%get3A_8, %get3A_9] : memref<8192x128xf32, #tpu.memory_space<vmem>>, vector<8192x128xf32>
    %dot_general3A = arith.constant dense<0.000000e+00> : vector<8x128xf32>
    %dot_general3A_11 = tpu.matmul %convert_element_type3A_7, %get3A_10, %dot_general3A {dimension_numbers = #tpu.dot_dimension_numbers<[1], [0], [0], [1], [0, 0, 1, 1], [], []>, transpose_lhs_hint = false} : vector<8x8192xf32>, vector<8192x128xf32>, vector<8x128xf32> -> vector<8x128xf32>
    %add3A = arith.addf %get3A_3, %dot_general3A_11 : vector<8x128xf32>
    %swap3A = arith.constant 0 : index
    %swap3A_12 = arith.constant 0 : index
    %swap3A_13 = vector.load %arg14[%swap3A, %swap3A_12] : memref<8x128xf32, #tpu.memory_space<vmem>>, vector<8x128xf32>
    tpu.vector_store %arg14[%swap3A, %swap3A_12], %add3A {strides = array<i32>} : memref<8x128xf32, #tpu.memory_space<vmem>>, vector<8x128xf32>,
    %eq3A_14 = arith.constant 31 : i32
    %eq3A_15 = arith.cmpi eq, %arg0, %eq3A_14 : i32
    %convert_element_type3A_16 = arith.extui %eq3A_15 : i1 to i32
    %cond3A_17 = arith.constant 0 : i32
    %cond3A_18 = arith.cmpi ne, %convert_element_type3A_16, %cond3A_17 : i32
    scf.if %cond3A_18 {
      %get3A_19 = arith.constant 0 : index
      %get3A_20 = arith.constant 0 : index
      %get3A_21 = vector.load %arg14[%get3A_19, %get3A_20] : memref<8x128xf32, #tpu.memory_space<vmem>>, vector<8x128xf32>
      %get3A_22 = arith.constant 0 : index
      %get3A_23 = arith.constant 0 : index
      %get3A_24 = vector.load %arg3[%get3A_22, %get3A_23] : memref<1x128xf32, #tpu.memory_space<vmem>>, vector<1x128xf32>
      %add3A_25 = vector.broadcast %get3A_24 : vector<1x128xf32> to vector<8x128xf32>
      %add3A_26 = arith.addf %get3A_21, %add3A_25 : vector<8x128xf32>
      %max3A = arith.constant 0.000000e+00 : f32
      %max3A_27 = vector.broadcast %max3A : f32 to vector<8x128xf32>
      %max3A_28 = arith.maximumf %add3A_26, %max3A_27 : vector<8x128xf32>
      %get3A_29 = arith.constant 0 : index
      %get3A_30 = arith.constant 0 : index
      %get3A_31 = vector.load %arg4[%get3A_29, %get3A_30] : memref<128x64xf32, #tpu.memory_space<vmem>>, vector<128x64xf32>
      %dot_general3A_32 = arith.constant dense<0.000000e+00> : vector<8x64xf32>
      %dot_general3A_33 = tpu.matmul %max3A_28, %get3A_31, %dot_general3A_32 {dimension_numbers = #tpu.dot_dimension_numbers<[1], [0], [0], [1], [0, 0, 1, 1], [], []>, transpose_lhs_hint = false} : vector<8x128xf32>, vector<128x64xf32>, vector<8x64xf32> -> vector<8x64xf32>
      %get3A_34 = arith.constant 0 : index
      %get3A_35 = arith.constant 0 : index
      %get3A_36 = vector.load %arg5[%get3A_34, %get3A_35] : memref<1x64xf32, #tpu.memory_space<vmem>>, vector<1x64xf32>
      %add3A_37 = vector.broadcast %get3A_36 : vector<1x64xf32> to vector<8x64xf32>
      %add3A_38 = arith.addf %dot_general3A_33, %add3A_37 : vector<8x64xf32>
      %get3A_39 = arith.constant 0 : index
      %get3A_40 = arith.constant 0 : index
      %get3A_41 = vector.load %arg6[%get3A_39, %get3A_40] : memref<128x64xf32, #tpu.memory_space<vmem>>, vector<128x64xf32>
      %dot_general3A_42 = arith.constant dense<0.000000e+00> : vector<8x64xf32>
      %dot_general3A_43 = tpu.matmul %max3A_28, %get3A_41, %dot_general3A_42 {dimension_numbers = #tpu.dot_dimension_numbers<[1], [0], [0], [1], [0, 0, 1, 1], [], []>, transpose_lhs_hint = false} : vector<8x128xf32>, vector<128x64xf32>, vector<8x64xf32> -> vector<8x64xf32>
      %get3A_44 = arith.constant 0 : index
      %get3A_45 = arith.constant 0 : index
      %get3A_46 = vector.load %arg7[%get3A_44, %get3A_45] : memref<1x64xf32, #tpu.memory_space<vmem>>, vector<1x64xf32>
      %add3A_47 = vector.broadcast %get3A_46 : vector<1x64xf32> to vector<8x64xf32>
      %add3A_48 = arith.addf %dot_general3A_43, %add3A_47 : vector<8x64xf32>
      %mul3A = arith.constant 5.000000e-01 : f32
      %mul3A_49 = vector.broadcast %mul3A : f32 to vector<8x64xf32>
      %mul3A_50 = arith.mulf %mul3A_49, %add3A_48 : vector<8x64xf32>
      %exp3A = math.exp %mul3A_50 : vector<8x64xf32>
      %get3A_51 = arith.constant 0 : index
      %get3A_52 = arith.constant 0 : index
      %get3A_53 = vector.load %arg10[%get3A_51, %get3A_52] : memref<8x64xf32, #tpu.memory_space<vmem>>, vector<8x64xf32>
      %mul3A_54 = arith.mulf %exp3A, %get3A_53 : vector<8x64xf32>
      %add3A_55 = arith.addf %add3A_38, %mul3A_54 : vector<8x64xf32>
      %get3A_56 = arith.constant 0 : index
      %get3A_57 = arith.constant 0 : index
      %get3A_58 = vector.load %arg8[%get3A_56, %get3A_57] : memref<64x128xf32, #tpu.memory_space<vmem>>, vector<64x128xf32>
      %dot_general3A_59 = arith.constant dense<0.000000e+00> : vector<8x128xf32>
      %dot_general3A_60 = tpu.matmul %add3A_55, %get3A_58, %dot_general3A_59 {dimension_numbers = #tpu.dot_dimension_numbers<[1], [0], [0], [1], [0, 0, 1, 1], [], []>, transpose_lhs_hint = false} : vector<8x64xf32>, vector<64x128xf32>, vector<8x128xf32> -> vector<8x128xf32>
      %get3A_61 = arith.constant 0 : index
      %get3A_62 = arith.constant 0 : index
      %get3A_63 = vector.load %arg9[%get3A_61, %get3A_62] : memref<1x128xf32, #tpu.memory_space<vmem>>, vector<1x128xf32>
      %add3A_64 = vector.broadcast %get3A_63 : vector<1x128xf32> to vector<8x128xf32>
      %add3A_65 = arith.addf %dot_general3A_60, %add3A_64 : vector<8x128xf32>
      %swap3A_66 = arith.constant 0 : index
      %swap3A_67 = arith.constant 0 : index
      %swap3A_68 = vector.load %arg11[%swap3A_66, %swap3A_67] : memref<8x64xf32, #tpu.memory_space<vmem>>, vector<8x64xf32>
      tpu.vector_store %arg11[%swap3A_66, %swap3A_67], %add3A_38 {strides = array<i32>} : memref<8x64xf32, #tpu.memory_space<vmem>>, vector<8x64xf32>,
      %swap3A_69 = arith.constant 0 : index
      %swap3A_70 = arith.constant 0 : index
      %swap3A_71 = vector.load %arg12[%swap3A_69, %swap3A_70] : memref<8x64xf32, #tpu.memory_space<vmem>>, vector<8x64xf32>
      tpu.vector_store %arg12[%swap3A_69, %swap3A_70], %add3A_48 {strides = array<i32>} : memref<8x64xf32, #tpu.memory_space<vmem>>, vector<8x64xf32>,
      %max3A_72 = arith.constant 0.000000e+00 : f32
      %max3A_73 = vector.broadcast %max3A_72 : f32 to vector<8x128xf32>
      %max3A_74 = arith.maximumf %add3A_65, %max3A_73 : vector<8x128xf32>
      %swap3A_75 = arith.constant 0 : index
      %swap3A_76 = arith.constant 0 : index
      %swap3A_77 = vector.load %arg13[%swap3A_75, %swap3A_76] : memref<8x128xf32, #tpu.memory_space<vmem>>, vector<8x128xf32>
      tpu.vector_store %arg13[%swap3A_75, %swap3A_76], %max3A_74 {strides = array<i32>} : memref<8x128xf32, #tpu.memory_space<vmem>>, vector<8x128xf32>,
    } else {
    }
    return
  }
  func.func @transform_0(%arg0: i32) -> (i32, i32) {
    %c0_i32 = arith.constant 0 : i32
    %c0_i32_0 = arith.constant 0 : i32
    return %c0_i32, %arg0 : i32, i32
  }
  func.func @transform_1(%arg0: i32) -> (i32, i32) {
    %c0_i32 = arith.constant 0 : i32
    %c0_i32_0 = arith.constant 0 : i32
    return %arg0, %c0_i32 : i32, i32
  }
  func.func @transform_2(%arg0: i32) -> (i32, i32) {
    %c0_i32 = arith.constant 0 : i32
    %c0_i32_0 = arith.constant 0 : i32
    %c0_i32_1 = arith.constant 0 : i32
    return %c0_i32, %c0_i32_0 : i32, i32
  }
  func.func @transform_3(%arg0: i32) -> (i32, i32) {
    %c0_i32 = arith.constant 0 : i32
    %c0_i32_0 = arith.constant 0 : i32
    %c0_i32_1 = arith.constant 0 : i32
    return %c0_i32, %c0_i32_0 : i32, i32
  }
  func.func @transform_4(%arg0: i32) -> (i32, i32) {
    %c0_i32 = arith.constant 0 : i32
    %c0_i32_0 = arith.constant 0 : i32
    %c0_i32_1 = arith.constant 0 : i32
    return %c0_i32, %c0_i32_0 : i32, i32
  }
  func.func @transform_5(%arg0: i32) -> (i32, i32) {
    %c0_i32 = arith.constant 0 : i32
    %c0_i32_0 = arith.constant 0 : i32
    %c0_i32_1 = arith.constant 0 : i32
    return %c0_i32, %c0_i32_0 : i32, i32
  }
  func.func @transform_6(%arg0: i32) -> (i32, i32) {
    %c0_i32 = arith.constant 0 : i32
    %c0_i32_0 = arith.constant 0 : i32
    %c0_i32_1 = arith.constant 0 : i32
    return %c0_i32, %c0_i32_0 : i32, i32
  }
  func.func @transform_7(%arg0: i32) -> (i32, i32) {
    %c0_i32 = arith.constant 0 : i32
    %c0_i32_0 = arith.constant 0 : i32
    %c0_i32_1 = arith.constant 0 : i32
    return %c0_i32, %c0_i32_0 : i32, i32
  }
  func.func @transform_8(%arg0: i32) -> (i32, i32) {
    %c0_i32 = arith.constant 0 : i32
    %c0_i32_0 = arith.constant 0 : i32
    %c0_i32_1 = arith.constant 0 : i32
    return %c0_i32, %c0_i32_0 : i32, i32
  }
  func.func @transform_9(%arg0: i32) -> (i32, i32) {
    %c0_i32 = arith.constant 0 : i32
    %c0_i32_0 = arith.constant 0 : i32
    %c0_i32_1 = arith.constant 0 : i32
    return %c0_i32, %c0_i32_0 : i32, i32
  }
  func.func @transform_10(%arg0: i32) -> (i32, i32) {
    %c0_i32 = arith.constant 0 : i32
    %c0_i32_0 = arith.constant 0 : i32
    %c0_i32_1 = arith.constant 0 : i32
    return %c0_i32, %c0_i32_0 : i32, i32
  }
  func.func @transform_11(%arg0: i32) -> (i32, i32) {
    %c0_i32 = arith.constant 0 : i32
    %c0_i32_0 = arith.constant 0 : i32
    %c0_i32_1 = arith.constant 0 : i32
    return %c0_i32, %c0_i32_0 : i32, i32
  }
  func.func @transform_12(%arg0: i32) -> (i32, i32) {
    %c0_i32 = arith.constant 0 : i32
    %c0_i32_0 = arith.constant 0 : i32
    %c0_i32_1 = arith.constant 0 : i32
    return %c0_i32, %c0_i32_0 : i32, i32
  }
}

module attributes {stable_mosaic.version = 14 : i64} {
  func.func @_dec_body(%arg0: i32, %arg1: memref<8x128xf32, #tpu.memory_space<vmem>>, %arg2: memref<128x8192xf32, #tpu.memory_space<vmem>>, %arg3: memref<1x8192xf32, #tpu.memory_space<vmem>>, %arg4: memref<8x8192xf32, #tpu.memory_space<vmem>>) attributes {dimension_semantics = [#tpu.dimension_semantics<arbitrary>], iteration_bounds = array<i64: 32>, scalar_prefetch = 0 : i64, scratch_operands = 0 : i64, tpu.core_type = #tpu.core_type<tc>, window_params = [{pipeline_mode = #tpu.pipeline_mode<synchronous>, transform_indices = @transform_0, window_bounds = array<i64: 8, 128>}, {transform_indices = @transform_1, window_bounds = array<i64: 128, 8192>}, {transform_indices = @transform_2, window_bounds = array<i64: 1, 8192>}, {transform_indices = @transform_3, window_bounds = array<i64: 8, 8192>}]} {
    %get3A = arith.constant 0 : index
    %get3A_0 = arith.constant 0 : index
    %get3A_1 = vector.load %arg1[%get3A, %get3A_0] : memref<8x128xf32, #tpu.memory_space<vmem>>, vector<8x128xf32>
    %get3A_2 = arith.constant 0 : index
    %get3A_3 = arith.constant 0 : index
    %get3A_4 = vector.load %arg2[%get3A_2, %get3A_3] : memref<128x8192xf32, #tpu.memory_space<vmem>>, vector<128x8192xf32>
    %dot_general3A = arith.constant dense<0.000000e+00> : vector<8x8192xf32>
    %dot_general3A_5 = tpu.matmul %get3A_1, %get3A_4, %dot_general3A {dimension_numbers = #tpu.dot_dimension_numbers<[1], [0], [0], [1], [0, 0, 1, 1], [], []>, transpose_lhs_hint = false} : vector<8x128xf32>, vector<128x8192xf32>, vector<8x8192xf32> -> vector<8x8192xf32>
    %get3A_6 = arith.constant 0 : index
    %get3A_7 = arith.constant 0 : index
    %get3A_8 = vector.load %arg3[%get3A_6, %get3A_7] : memref<1x8192xf32, #tpu.memory_space<vmem>>, vector<1x8192xf32>
    %add3A = vector.broadcast %get3A_8 : vector<1x8192xf32> to vector<8x8192xf32>
    %add3A_9 = arith.addf %dot_general3A_5, %add3A : vector<8x8192xf32>
    %logistic3A = arith.negf %add3A_9 : vector<8x8192xf32>
    %logistic3A_10 = math.exp %logistic3A : vector<8x8192xf32>
    %logistic3A_11 = arith.constant 1.000000e+00 : f32
    %logistic3A_12 = vector.broadcast %logistic3A_11 : f32 to vector<8x8192xf32>
    %logistic3A_13 = arith.addf %logistic3A_12, %logistic3A_10 : vector<8x8192xf32>
    %logistic3A_14 = arith.divf %logistic3A_12, %logistic3A_13 : vector<8x8192xf32>
    %swap3A = arith.constant 0 : index
    %swap3A_15 = arith.constant 0 : index
    %swap3A_16 = vector.load %arg4[%swap3A, %swap3A_15] : memref<8x8192xf32, #tpu.memory_space<vmem>>, vector<8x8192xf32>
    tpu.vector_store %arg4[%swap3A, %swap3A_15], %logistic3A_14 {strides = array<i32>} : memref<8x8192xf32, #tpu.memory_space<vmem>>, vector<8x8192xf32>,
    return
  }
  func.func @transform_0(%arg0: i32) -> (i32, i32) {
    %c0_i32 = arith.constant 0 : i32
    %c0_i32_0 = arith.constant 0 : i32
    %c0_i32_1 = arith.constant 0 : i32
    return %c0_i32, %c0_i32_0 : i32, i32
  }
  func.func @transform_1(%arg0: i32) -> (i32, i32) {
    %c0_i32 = arith.constant 0 : i32
    %c0_i32_0 = arith.constant 0 : i32
    return %c0_i32, %arg0 : i32, i32
  }
  func.func @transform_2(%arg0: i32) -> (i32, i32) {
    %c0_i32 = arith.constant 0 : i32
    %c0_i32_0 = arith.constant 0 : i32
    return %c0_i32, %arg0 : i32, i32
  }
  func.func @transform_3(%arg0: i32) -> (i32, i32) {
    %c0_i32 = arith.constant 0 : i32
    %c0_i32_0 = arith.constant 0 : i32
    return %c0_i32, %arg0 : i32, i32
  }
}

</mosaic_0001>

<sc_bundles>
// kernel: kernel.6.cloned.1.call-start
scs
__scs_entry_jumppad:
0x0: {  	(pc) =	sbr.rel $0x88, $3  }
0x1: {  	(tag) =	ssettag $0x0;
	lr =	simm.s32 $0x1  }
0x2: {  	[smem:$0x3F93] =	sst lr;
	_ =	strace $0xD0000000  }
0x3: {  	_ = 	snop  }
0x4: {  	_ = 	snop  }
0x5: {  	_ = 	snop  }
0x6: {  	_ = 	snop  }
0x7: {  	_ = 	snop  }
__scs_overlays_trampoline_lowered:
0x8: {  	[smem:$0x3FA2] =	sst s0  }
0x9: {  	[smem:$0x3FA3] =	sst s1  }
0xa: {  	[smem:$0x3FA4] =	sst s2  }
0xb: {  	[smem:$0x3FA5] =	sst s3  }
0xc: {  	[smem:$0x3FA6] =	sst s4  }
0xd: {  	[smem:$0x3FA7] =	sst s5  }
0xe: {  	[smem:$0x3FA8] =	sst s6  }
0xf: {  	[smem:$0x3FA9] =	sst s7  }
0x10: {  	[smem:$0x3FAA] =	sst s8  }
0x11: {  	[smem:$0x3FAB] =	sst s9;
	s0 =	simm.s32 @!p0 $0x0  }
0x12: {  	s1 =	sld [smem:$0x3F91];
	s0 =	simm.s32 @p0 $0x1  }
0x13: {  	[smem:$0x3FAC] =	sst s0;
	s0 =	simm.s32 @!p1 $0x0  }
0x14: {  	s2 =	sld [smem:$0x3F90];
	s0 =	simm.s32 @p1 $0x1  }
0x15: {  	[smem:$0x3FAD] =	sst s0;
	s0 =	simm.s32 @!p2 $0x0  }
0x16: {  	s3 =	sld [smem:$0x3FDB];
	s0 =	simm.s32 @p2 $0x1  }
0x17: {  	s4 =	simm.s32 $0x1BF5;
	[smem:$0x3FAF] =	sst s0  }
0x18: {  	s0 =	sld [smem:$0x3F92];
	_ =	swait.ge [sflag:s4], $0x0  }
0x19: {  	s7 =	sld [smem:$0x3F93]  }
0x1a: {  	s8 =	sadd.s32 $0xFFFFE003, lr  }
0x1b: {  	s9 =	sadd.s32 $0xFFFFFEF7, lr;
	s5 =	simm.s32 $0xFFFFFFFF;
	p2 =	slt.u32 s8, $0xFFFFF086  }
0x1c: {  	p1 =	slt.u32 s9, $0xF7A;
	s5 =	simm.s32 @!p2 $0x0  }
0x1d: {  	s5 =	simm.s32 @p1 $0x1;
	p0 =	seq.s32 s7, s2  }
0x1e: {  	s7 =	smul.u32 @!p0 $0xF7A, s2;
	p2 =	seq.s32 @!p0 s5, $0x0  }
0x1f: {  	s9 =	smul.u32 $0xF7A, s1;
	s8 =	simm.s32 @!p0 $0x1BF5;
	p2 =	por !p2, p0  }
0x20: {  	[sflag:s8] =	ssyncset.s32 @!p0 $0xFFFFF086;
	s6 =	sadd.s32 @!p0 s3, s7;
	s7 =	simm.s32 @!p0 $0x108  }
0x21: {  	s3 =	sadd.s32 s3, s9;
	s6 =	sadd.s32 @!p0 $0x88, s6;
	s7 =	simm.s32 @p2 $0x1082  }
0x22: {  	[simem:s7], [sflag:s8] =	dma.local @!p0 [hbm:s6], $0xF7A  }
0x23: {  	s9 =	sor.u32 $0xD0000000, s2;
	s6 =	simm.s32 $0x108;
	_ =	swait.ge @!p0 [sflag:s8], $0x0  }
0x24: {  	s3 =	sadd.s32 $0x88, s3;
	s6 =	simm.s32 @!p1 $0x1082;
	[sflag:s4] =	ssyncset.s32 $0xFFFFF086  }
0x25: {  	[simem:s6], [sflag:s4] =	dma.local [hbm:s3], $0xF7A  }
0x26: {  	[smem:$0x3F93] =	sst s1;
	(tag) =	ssettag s2;
	_ =	strace s9  }
0x27: {  	s1 =	sld [smem:$0x3FA3]  }
0x28: {  	s2 =	sld [smem:$0x3FA4]  }
0x29: {  	s4 =	sld [smem:$0x3FA6]  }
0x2a: {  	p0 =	seq.s32 s5, $0x0;
	s5 =	sld [smem:$0x3FA7]  }
0x2b: {  	s6 =	sld [smem:$0x3FA8]  }
0x2c: {  	s7 =	sld [smem:$0x3FA9]  }
0x2d: {  	s3 =	simm.s32 $0x108;
	s8 =	sld [smem:$0x3FAA]  }
0x2e: {  	s3 =	simm.s32 @!p0 $0x1082;
	s9 =	sld [smem:$0x3FAB]  }
0x2f: {  	lr =	sadd.s32 s0, s3;
	s0 =	sld [smem:$0x3FA2]  }
0x30: {  	s3 =	sld [smem:$0x3FA5]  }
0x31: {  	[smem:$0x3FAE] =	sst s10  }
0x32: {  	s10 =	sld [smem:$0x3FAC];
	_ =	sdelay $0x3  }
0x33: {  	p0 =	seq.s32 s10, $0x1;
	s10 =	sld [smem:$0x3FAE];
	_ =	sdelay $0x3  }
0x34: {  	[smem:$0x3FAE] =	sst s10  }
0x35: {  	s10 =	sld [smem:$0x3FAD];
	_ =	sdelay $0x3  }
0x36: {  	p1 =	seq.s32 s10, $0x1;
	s10 =	sld [smem:$0x3FAE];
	_ =	sdelay $0x3  }
0x37: {  	[smem:$0x3FAE] =	sst s10  }
0x38: {  	s10 =	sld [smem:$0x3FAF]  }
0x39: {  	_ = 	snop;
	(pc) =	sbr.ind lr, $3  }
0x3a: {  	_ = 	snop  }
0x3b: {  	_ = 	snop  }
0x3c: {  	p2 =	seq.s32 s10, $0x1;
	s10 =	sld [smem:$0x3FAE]  }
0x3d: {  	_ =	shalt  }
0x3e: {  	_ =	shalt  }
0x3f: {  	_ =	shalt  }
0x40: {  	_ =	shalt  }
0x41: {  	_ =	shalt  }
0x42: {  	_ =	shalt  }
0x43: {  	_ =	shalt  }
0x44: {  	_ =	shalt  }
0x45: {  	_ =	shalt  }
0x46: {  	_ =	shalt  }
0x47: {  	_ =	shalt  }
0x48: {  	_ =	shalt  }
0x49: {  	_ =	shalt  }
0x4a: {  	_ =	shalt  }
0x4b: {  	_ =	shalt  }
0x4c: {  	_ =	shalt  }
0x4d: {  	_ =	shalt  }
0x4e: {  	_ =	shalt  }
0x4f: {  	_ =	shalt  }
0x50: {  	_ =	shalt  }
0x51: {  	_ =	shalt  }
0x52: {  	_ =	shalt  }
0x53: {  	_ =	shalt  }
0x54: {  	_ =	shalt  }
0x55: {  	_ =	shalt  }
0x56: {  	_ =	shalt  }
0x57: {  	_ =	shalt  }
0x58: {  	_ =	shalt  }
0x59: {  	_ =	shalt  }
0x5a: {  	_ =	shalt  }
0x5b: {  	_ =	shalt  }
0x5c: {  	_ =	shalt  }
0x5d: {  	_ =	shalt  }
0x5e: {  	_ =	shalt  }
0x5f: {  	_ =	shalt  }
0x60: {  	_ =	shalt  }
0x61: {  	_ =	shalt  }
0x62: {  	_ =	shalt  }
0x63: {  	_ =	shalt  }
0x64: {  	_ =	shalt  }
0x65: {  	_ =	shalt  }
0x66: {  	_ =	shalt  }
0x67: {  	_ =	shalt  }
0x68: {  	_ =	shalt  }
0x69: {  	_ =	shalt  }
0x6a: {  	_ =	shalt  }
0x6b: {  	_ =	shalt  }
0x6c: {  	_ =	shalt  }
0x6d: {  	_ =	shalt  }
0x6e: {  	_ =	shalt  }
0x6f: {  	_ =	shalt  }
0x70: {  	_ =	shalt  }
0x71: {  	_ =	shalt  }
0x72: {  	_ =	shalt  }
0x73: {  	_ =	shalt  }
0x74: {  	_ =	shalt  }
0x75: {  	_ =	shalt  }
0x76: {  	_ =	shalt  }
0x77: {  	_ =	shalt  }
0x78: {  	_ =	shalt  }
0x79: {  	_ =	shalt  }
0x7a: {  	_ =	shalt  }
0x7b: {  	_ =	shalt  }
0x7c: {  	_ =	shalt  }
0x7d: {  	_ =	shalt  }
0x7e: {  	_ =	shalt  }
0x7f: {  	_ =	shalt  }
0x80: {  	_ =	shalt  }
0x81: {  	_ =	shalt  }
0x82: {  	_ =	shalt  }
0x83: {  	_ =	shalt  }
0x84: {  	_ =	shalt  }
0x85: {  	_ =	shalt  }
0x86: {  	_ =	shalt  }
0x87: {  	_ =	shalt  }
.Lfunc_end0:
.L_simem_size_0:
called_computation_lowered:
.L_overlay_start_0:
0x88: {  	s2 =	sld [smem:$0x3FD9]  }
0x89: {  	s3 =	sld [smem:$0x3FFE];
	_ =	sdelay $0x1  }
0x8a: {  	s1 =	srdreg.scid  }
0x8b: {  	s0 =	sand.u32 $0x1, s1  }
0x8c: {  	s14 =	sshll.u32 s0, $0xA;
	s2 =	sadd.s32 s3, s2  }
0x8d: {  	s2 =	sadd.s32 s2, s14  }
0x8e: {  	[smem:$0x3FBA] =	sst s2  }
0x8f: {  	_ = 	snop  }
0x90: {  	s2 =	sld [smem:$0x3FD0];
	_ =	sdelay $0x2  }
0x91: {  	s15 =	simm.s32 $0xA;
	s4 =	simm.s32 $0x10  }
0x92: {  	[smem:s4], [sflag:s15] =	dma.local [hbm:s2], $0x1  }
0x93: {  	_ =	swait.eq [sflag:s15], $0x1  }
0x94: {  	[sflag:s15] =	ssyncset.done $0x0  }
0x95: {  	[sflag:s15] =	ssyncadd.s32 $0xFFFFFFFF  }
0x96: {  	s16 =	sld [smem:$0x10];
	(tm) =	ssettm $0x1  }
0x97: {  	s17 =	sld [smem:$0x3FFB];
	_ =	sdelay $0x3  }
0x98: {  	_ =	strace s17  }
0x99: {  	s3 =	sld [smem:$0x3FFC];
	_ =	sdelay $0x3  }
0x9a: {  	_ =	strace s3  }
0x9b: {  	s3 =	sld [smem:$0x3FFD];
	_ =	sdelay $0x3  }
0x9c: {  	_ =	strace s3  }
0x9d: {  	_ =	strace $0x8FFFFFFF  }
0x9e: {  	s18 =	sld [smem:$0x3FDB];
	_ =	sdelay $0x1  }
0x9f: {  	s19 =	simm.s32 $_scs_section_size  }
0xa0: {  	s5 =	simm.s32 $_size__tile_overlayer_lowered;
	s6 =	simm.s32 $_tile_overlayer_lowered  }
0xa1: {  	s22 =	simm.s32 $0x1BFF;
	s21 =	sshll.u32 s6, $0x1;
	s3 =	sadd.s32 s19, s18  }
0xa2: {  	s7 =	simm.s32 $0x0;
	s20 =	sshll.u32 s5, $0x1;
	s5 =	sadd.s32 s21, s3  }
0xa3: {  	[timem:s7], [sflag:s22] =	dma.local [hbm:s5], s20  }
0xa4: {  	_ =	swait.ge [sflag:s22], s20  }
0xa5: {  	s4 =	ssub.s32 $0x0, s20;
	[sflag:s22] =	ssyncset.done $0x0  }
0xa6: {  	[sflag:s22] =	ssyncadd.s32 s4;
	_ =	sdelay $0x1  }
0xa7: {  	s23 =	simm.s32 $0x1B8B  }
0xa8: {  	_ =	swait.ge [sflag:s23], $0x1  }
0xa9: {  	[sflag:s23] =	ssyncset.done $0x0  }
0xaa: {  	s25 =	simm.s32 $0x1B8E;
	s24 =	sld [smem:$0x3FFE];
	[sflag:s23] =	ssyncadd.s32 $0xFFFFFFFF  }
0xab: {  	s26 =	simm.s32 $execute0_lowered;
	[smem:$0x3FD2] =	sst s25  }
0xac: {  	s5 =	sshll.u32 s26, $0x1;
	_ =	strace $0x80000046;
	[dreg:$0x1] =	wrdreg $0xFFFFFFFF  }
0xad: {  	s28 =	simm.s32 $_size_execute0_lowered;
	s3 =	sadd.s32 s3, s5;
	[dreg:$0x0] =	wrdreg $0x0  }
0xae: {  	s5 =	sshll.u32 s28, $0x1;
	[dreg:$0x2] =	wrdreg s3  }
0xaf: {  	[dreg:$0x3] =	wrdreg s5  }
0xb0: {  	[dreg:$0x4] =	wrdreg $0xC0  }
0xb1: {  	_ =	task [dreg:s7], $0x5FFFF  }
0xb2: {  	[dreg:$0x1] =	wrdreg $0xFFFFFFFF  }
0xb3: {  	[dreg:$0x0] =	wrdreg $0x60  }
0xb4: {  	[dreg:$0x2] =	wrdreg s24  }
0xb5: {  	[dreg:$0x3] =	wrdreg s16  }
0xb6: {  	[dreg:$0x4] =	wrdreg $0x131000  }
0xb7: {  	[dreg:$0x5] =	wrdreg $0x1B1000  }
0xb8: {  	[dreg:$0x6] =	wrdreg $0x9  }
0xb9: {  	_ =	task.clear_ibuf [dreg:s7], $0x7FFFF;
	_ =	strace $0x90000046  }
0xba: {  	s29 =	simm.s32 $0x9;
	_ =	strace $0x80000048  }
0xbb: {  	_ =	swait.ge [sflag:s29], $0x1  }
0xbc: {  	[sflag:s29] =	ssyncadd.s32 $0xFFFFFFFF  }
0xbd: {  	_ =	strace $0x90000048  }
0xbe: {  	_ =	sfence  }
0xbf: {  	s30 =	sld [smem:$0x0];
	_ =	sdelay $0x2  }
0xc0: {  	s31 =	sshll.u32 s1, $0xD;
	s1 =	sshrl.u32 s1, $0x2  }
0xc1: {  	s3 =	sand.u32 $0x4000, s31;
	s1 =	sadd.s32 s1, s30  }
0xc2: {  	s0 =	sor.u32 s3, s0;
	s1 =	sshll.u32 s1, $0x11  }
0xc3: {  	s0 =	sor.u32 s1, s0  }
0xc4: {  	s0 =	sadd.s32 $0x8F2B, s0  }
0xc5: {  	[sflag:s0] =	ssyncadd.remote.s32 $0x1  }
0xc6: {  	_ =	sfence.sel $0xFFFF  }
0xc7: {  	[dreg:$0x0] =	wrdreg $0xFFFFFFFF;
	(pc) =	sbr.abs _section_cstart, $3  }
0xc8: {  	[dreg:$0x1] =	wrdreg $0xFFFFFFFF  }
0xc9: {  	_ =	task.clear_ibuf [dreg:s7], $0x2FFFF;
	_ =	strace $0x9FFFFFFF  }
0xca: {  	(tm) =	ssettm $0x7FFFFFFF  }
0xcb: {  	_ =	shalt  }
tec
execute0_lowered:
.L_overlay_start_1:
0x0: {  	(tag) =	ssettag $0x1  }
0x1: {  	s0 =	rddreg [dreg:$0x0]  }
0x2: {  	s8 =	rddreg [dreg:$0x1]  }
0x3: {  	s2 =	rddreg [dreg:$0x2]  }
0x4: {  	s1 =	rddreg [dreg:$0x3];
	s11 =	simm.s32 $0x0;
	s3 =	srdreg.scid  }
0x5: {  	s9 =	stileid.u32;
	s28 =	simm.s32 $0x4000;
	s29 =	simm.s32 $0x5000  }
0x6: {  	s31 =	simm.s32 $0x6000;
	[smem:$0x7FF] =	sst s11;
	s3 =	sand.u32 $0x1, s3  }
0x7: {  	s4 =	sadd.s32 $0x3200, s0;
	s10 =	sshll.u32 s9, $0xD;
	s17 =	sshll.u32 s9, $0xC  }
0x8: {  	s18 =	sshll.u32 s9, $0xA;
	s19 =	sadd.s32 $0x4000, s8;
	s22 =	sshll.u32 s9, $0x5  }
0x9: {  	s8 =	simm.s32 $0x7000;
	s9 =	simm.s32 $0xC000;
	_ =	strace $0x80000047  }
0xa: {  	[dreg:$0x5] =	wrdreg s4;
	s13 =	sshll.u32 s3, $0x10;
	s5 =	ssub.s32 $0x2, s3  }
0xb: {  	s6 =	sshll.u32 s3, $0xB;
	[dreg:$0x6] =	wrdreg s10;
	s14 =	sadd.s32 s10, s2  }
0xc: {  	s3 =	sshll.u32 s3, $0x14;
	[dreg:$0xc] =	wrdreg s19;
	s20 =	sadd.s32 s17, s1  }
0xd: {  	s21 =	sshrl.u32 s18, $0x2;
	s10 =	simm.s32 $0x8000;
	[dreg:$0x7] =	wrdreg s14  }
0xe: {  	s17 =	simm.s32 $0xA000;
	s4 =	sadd.s32 s13, s0;
	[dreg:$0xb] =	wrdreg s3  }
0xf: {  	s7 =	sshrl.u32 s5, $0x1;
	s15 =	sadd.s32 $0x20000, s14;
	[dreg:$0xd] =	wrdreg s20  }
0x10: {  	s0 =	sadd.s32 s6, s0;
	s16 =	sadd.s32 $0x40000, s14;
	[dreg:$0x8] =	wrdreg s15  }
0x11: {  	s6 =	sadd.s32 $0x60000, s14;
	s1 =	sadd.s32 s21, s1;
	[dreg:$0x9] =	wrdreg s16  }
0x12: {  	s24 =	sadd.s32 $0x10000, s20;
	s25 =	sadd.s32 $0x20000, s20;
	[dreg:$0xa] =	wrdreg s6  }
0x13: {  	s26 =	sadd.s32 $0x30000, s20;
	s14 =	simm.s32 $0xB000;
	[dreg:$0xe] =	wrdreg s1  }
0x14: {  	s20 =	simm.s32 $0x5;
	s13 =	simm.s32 $0x9;
	[dreg:$0x10] =	wrdreg s24  }
0x15: {  	s21 =	simm.s32 $0x6;
	s5 =	ssub.s32 s5, s7;
	[dreg:$0x11] =	wrdreg s25  }
0x16: {  	s0 =	sadd.s32 s22, s0;
	[dreg:$0x12] =	wrdreg s26;
	s30 =	sadd.s32 s18, s4  }
0x17: {  	s24 =	simm.s32 $0x1;
	s25 =	simm.s32 $0x2;
	s26 =	simm.s32 $0x80  }
0x18: {  	s15 =	simm.s32 $0x9000;
	s16 =	simm.s32 $0x3;
	s18 =	simm.s32 $0x4  }
0x19: {  	s7 =	simm.s32 $0xA;
	s1 =	simm.s32 $0x7;
	s23 =	smax.u32 s5, $0x1  }
0x1a: {  	s22 =	sadd.s32 $0x23200, s0;
	s0 =	sadd.s32 $0x24200, s30;
	[dreg:$0xf] =	wrdreg s23  }
0x1b: {  	s4 =	simm.s32 $0xB;
	s5 =	simm.s32 $0x0;
	[dreg:$0x14] =	wrdreg s0  }
0x1c: {  	v62 =	vimm.bf16 $0.0e+00;
	v1 =	vimm.f32 $0.0e+00;
	v2 =	vimm.f32 $1.000000000e+00;
	s23 =	simm.s32 $0x8;
	s0 =	simm.s32 $0xC;
	[dreg:$0x13] =	wrdreg s22  }
.LBB2_1:
0x1d: {  	s3 =	sand.u32 $0x7F80, s11;
	s30 =	sand.u32 $0x20, s11  }
0x1e: {  	[dreg:$0x15] =	wrdreg s5;
	s3 =	sshrl.u32 s3, $0x2;
	s5 =	sshrl.u32 s30, $0x1  }
0x1f: {  	s5 =	sor.u32 s5, s3  }
0x20: {  	s3 =	simm.s32 $0x40;
	[tilespmem:s5+$0x10000] =	vst v62;
	s5 =	simm.s32 $0x0  }
.LBB2_2:
0x21: {  	p0 =	sne.s32 s3, $0x7FC0  }
.Ltmp0:
0x22: {  	s6 =	sand.u32 $0x7F80, s3;
	s5 =	sadd.s32 $0x20, s5;
	(pc) =	sbr.rel @p0 .LBB2_2-.Ltmp0, $4  }
0x23: {  	s3 =	sadd.s32 $0x40, s3;
	s11 =	sand.u32 $0x20, s5  }
0x24: {  	s6 =	sshrl.u32 s6, $0x2;
	s11 =	sshrl.u32 s11, $0x1  }
0x25: {  	s6 =	sor.u32 s11, s6  }
0x26: {  	[tilespmem:s6+$0x10000] =	vst v62  }
0x27: {  	s3 =	rddreg [dreg:$0x7];
	s5 =	simm.s32 $0x10000;
	s6 =	simm.s32 $0x11  }
0x28: {  	[spmem:s3] =	stream.linear.scatter [tilespmem:s5], [sflag:$0x11], $0x2000, $0x38;
	[tilespmem:$0x1F100] =	vst v63  }
0x29: {  	_ =	swait.ge [sflag:s6], $0x2000  }
0x2a: {  	[sflag:s6] =	ssyncset.done $0x0  }
0x2b: {  	s19 =	rddreg [dreg:$0x8];
	[sflag:s6] =	ssyncadd.s32 $0xFFFFE000  }
0x2c: {  	[spmem:s19] =	stream.linear.scatter [tilespmem:s5], [sflag:$0x11], $0x2000, $0x38;
	[tilespmem:$0x1F100] =	vst v63  }
0x2d: {  	_ =	swait.ge [sflag:s6], $0x2000  }
0x2e: {  	[sflag:s6] =	ssyncset.done $0x0  }
0x2f: {  	s22 =	rddreg [dreg:$0x9];
	[sflag:s6] =	ssyncadd.s32 $0xFFFFE000  }
0x30: {  	[spmem:s22] =	stream.linear.scatter [tilespmem:s5], [sflag:$0x11], $0x2000, $0x38;
	[tilespmem:$0x1F100] =	vst v63  }
0x31: {  	_ =	swait.ge [sflag:s6], $0x2000  }
0x32: {  	[sflag:s6] =	ssyncset.done $0x0  }
0x33: {  	s30 =	rddreg [dreg:$0xa];
	[sflag:s6] =	ssyncadd.s32 $0xFFFFE000  }
0x34: {  	[spmem:s30] =	stream.linear.scatter [tilespmem:s5], [sflag:$0x11], $0x2000, $0x38;
	[tilespmem:$0x1F100] =	vst v63  }
0x35: {  	_ =	swait.ge [sflag:s6], $0x2000  }
0x36: {  	[sflag:s6] =	ssyncset.done $0x0  }
0x37: {  	s3 =	simm.s32 $0x40;
	s5 =	simm.s32 $0x0;
	[sflag:s6] =	ssyncadd.s32 $0xFFFFE000  }
.LBB2_4:
0x38: {  	p0 =	sne.s32 s3, $0xFFC0;
	[tilespmem:s5+$0xC000] =	vst v1;
	s5 =	smov.u32 s3;
	s3 =	sadd.s32 $0x40, s3  }
.Ltmp1:
0x39: {  	(pc) =	sbr.rel @p0 .LBB2_4-.Ltmp1, $2  }
0x3a: {  	_ =	sdelay $0x2  }
0x3b: {  	s5 =	sshra.s32 s5, $0x2  }
.Ltmp2:
0x3c: {  	(pc) =	sbr.rel .LBB2_6-.Ltmp2, $4  }
0x3d: {  	_ = 	snop  }
0x3e: {  	[tilespmem:s5+$0xC000] =	vst v1  }
0x3f: {  	[bflag:$0x0] =	sbarrier.arrive $0xFFFF  }
0x40: {  	s12 =	simm.s32 $0x0  }
.LBB2_11:
0x41: {  	s3 =	simm.s32 $0xD  }
0x42: {  	_ =	swait.ge [sflag:s3], $0x1000  }
0x43: {  	[sflag:s3] =	ssyncset.done $0x0  }
0x44: {  	s19 =	simm.s32 $0xE;
	[sflag:s3] =	ssyncadd.s32 $0xFFFFF000  }
0x45: {  	_ =	swait.ge [sflag:s19], $0x1000  }
0x46: {  	[sflag:s19] =	ssyncset.done $0x0  }
0x47: {  	s22 =	simm.s32 $0xF;
	s12 =	sadd.s32 $0x1, s12;
	[sflag:s19] =	ssyncadd.s32 $0xFFFFF000  }
0x48: {  	p0 =	sne.s32 s12, $0x4;
	_ =	swait.ge [sflag:s22], $0x1000  }
.Ltmp3:
0x49: {  	[sflag:s22] =	ssyncset.done $0x0;
	(pc) =	sbr.rel @!p0 .LBB2_12-.Ltmp3, $4  }
0x4a: {  	s30 =	simm.s32 $0x10;
	[sflag:s22] =	ssyncadd.s32 $0xFFFFF000  }
0x4b: {  	_ =	swait.ge [sflag:s30], $0x1000  }
0x4c: {  	[sflag:s30] =	ssyncset.done $0x0  }
0x4d: {  	[sflag:s30] =	ssyncadd.s32 $0xFFFFF000  }
.LBB2_6:
0x4e: {  	s5 =	sshll.u32 s12, $0x12;
	s3 =	rddreg [dreg:$0xb]  }
0x4f: {  	s19 =	rddreg [dreg:$0x6];
	s5 =	sadd.s32 s3, s5  }
0x50: {  	s6 =	sor.u32 s19, s5  }
0x51: {  	s22 =	rddreg [dreg:$0x1];
	s6 =	sshrl.u32 s6, $0x3  }
0x52: {  	s19 =	simm.s32 $0x0;
	s11 =	sadd.s32 s22, s6  }
0x53: {  	[tilespmem:s19], [sflag:$0x1] =	stream.linear.gather [hbm4b:s11+s19], $0x2000, $0x38;
	[tilespmem:$0x1F100] =	vst v63  }
0x54: {  	s11 =	rddreg [dreg:$0xc]  }
0x55: {  	s22 =	simm.s32 $0x2000;
	s6 =	sadd.s32 s6, s11  }
0x56: {  	[tilespmem:s22], [sflag:$0x2] =	stream.linear.gather [hbm4b:s6+s19], $0x2000, $0x38;
	[tilespmem:$0x1F100] =	vst v63  }
0x57: {  	_ =	swait.ge [sflag:s24], $0x2000  }
0x58: {  	[sflag:s24] =	ssyncset.done $0x0  }
0x59: {  	[sflag:s24] =	ssyncadd.s32 $0xFFFFE000  }
0x5a: {  	s11 =	sand.u32 $0x7E00, s19;
	_ =	swait.ge [sflag:s25], $0x2000  }
0x5b: {  	s19 =	sand.u32 $0x70, s19;
	s6 =	sshrl.u32 s11, $0x2;
	[sflag:s25] =	ssyncset.done $0x0  }
0x5c: {  	s19 =	sor.u32 s19, s6;
	[sflag:s25] =	ssyncadd.s32 $0xFFFFE000  }
0x5d: {  	v4 =	vld [tilespmem:s19+$0x2000];
	_ =	sdelay $0x2  }
0x5e: {  	s30 =	sshll.u32 s12, $0xC;
	s22 =	simm.s32 $0x40  }
0x5f: {  	v3 =	vmov s30;
	s30 =	simm.s32 $0x10;
	s11 =	sand.u32 $0x7E00, s22;
	s6 =	simm.s32 $0x80  }
.LBB2_7:
0x60: {  	p0 =	sne.s32 s6, $0x7FC0;
	s22 =	sand.u32 $0x70, s30;
	s11 =	sshrl.u32 s11, $0x2;
	v4 =	vadd.s32 v3, v4  }
0x61: {  	[tilespmem:s19+$0x2000] =	vst v4;
	s19 =	sor.u32 s22, s11  }
.Ltmp4:
0x62: {  	v4 =	vld [tilespmem:s19+$0x2000];
	(pc) =	sbr.rel @p0 .LBB2_7-.Ltmp4, $2  }
0x63: {  	_ =	sdelay $0x2  }
0x64: {  	s30 =	sadd.s32 $0x10, s30;
	s11 =	sand.u32 $0x7E00, s6;
	s6 =	sadd.s32 $0x40, s6  }
0x65: {  	s6 =	sand.u32 $0x70, s30;
	s11 =	sshrl.u32 s11, $0x2;
	v4 =	vadd.s32 v3, v4  }
0x66: {  	s6 =	sor.u32 s6, s11;
	[tilespmem:s19+$0x2000] =	vst v4  }
0x67: {  	v4 =	vld [tilespmem:s6+$0x2000];
	_ =	sdelay $0x4  }
0x68: {  	s5 =	sshrl.u32 s5, $0x4;
	s3 =	rddreg [dreg:$0x5];
	v3 =	vadd.s32 v3, v4  }
0x69: {  	s30 =	simm.s32 $0x0;
	s19 =	sadd.s32 s3, s5;
	[tilespmem:s6+$0x2000] =	vst v3  }
0x6a: {  	[tilespmem:s28], [sflag:$0x1] =	stream.indirect.gather [hbm4b:s19+s26], $0x20, s30, s26, $0xb8;
	[tilespmem:$0x1F100] =	vst v63  }
0x6b: {  	_ = 	snop  }
0x6c: {  	[tilespmem:s29], [sflag:$0x2] =	stream.indirect.gather [hbm4b:s19+s26], $0x20, s26, s26, $0xb8;
	[tilespmem:$0x1F100] =	vst v63  }
0x6d: {  	s11 =	simm.s32 $0x100  }
0x6e: {  	[tilespmem:s31], [sflag:$0x3] =	stream.indirect.gather [hbm4b:s19+s26], $0x20, s11, s26, $0xb8;
	[tilespmem:$0x1F100] =	vst v63  }
0x6f: {  	s22 =	simm.s32 $0x180  }
0x70: {  	[tilespmem:s8], [sflag:$0x4] =	stream.indirect.gather [hbm4b:s19+s26], $0x20, s22, s26, $0xb8;
	[tilespmem:$0x1F100] =	vst v63  }
.LBB2_9:
0x71: {  	_ =	swait.ge [sflag:s24], $0x1000  }
0x72: {  	[sflag:s24] =	ssyncset.done $0x0  }
0x73: {  	s5 =	sshra.s32 s30, $0x2;
	[sflag:s24] =	ssyncadd.s32 $0xFFFFF000  }
0x74: {  	v3 =	vld [tilespmem:s5+$0x2000];
	_ =	sdelay $0x7  }
0x75: {  	[tilespmem:v3+s9+$0x0] =	vst.idx.add.f32.msk $0xffff, v2  }
0x76: {  	v3 =	vld [tilespmem:s5+$0x2010];
	_ =	sdelay $0x7  }
0x77: {  	[tilespmem:v3+s9+$0x0] =	vst.idx.add.f32.msk $0xffff, v2  }
0x78: {  	v3 =	vld [tilespmem:s5+$0x2020];
	_ =	sdelay $0x7  }
0x79: {  	[tilespmem:v3+s9+$0x0] =	vst.idx.add.f32.msk $0xffff, v2  }
0x7a: {  	v3 =	vld [tilespmem:s5+$0x2030];
	_ =	sdelay $0x7  }
0x7b: {  	[tilespmem:v3+s9+$0x0] =	vst.idx.add.f32.msk $0xffff, v2  }
0x7c: {  	v3 =	vld [tilespmem:s5+$0x2040];
	_ =	sdelay $0x7  }
0x7d: {  	[tilespmem:v3+s9+$0x0] =	vst.idx.add.f32.msk $0xffff, v2  }
0x7e: {  	v3 =	vld [tilespmem:s5+$0x2050];
	_ =	sdelay $0x7  }
0x7f: {  	[tilespmem:v3+s9+$0x0] =	vst.idx.add.f32.msk $0xffff, v2  }
0x80: {  	v3 =	vld [tilespmem:s5+$0x2060];
	_ =	sdelay $0x7  }
0x81: {  	[tilespmem:v3+s9+$0x0] =	vst.idx.add.f32.msk $0xffff, v2  }
0x82: {  	v3 =	vld [tilespmem:s5+$0x2070];
	_ =	sdelay $0x7  }
0x83: {  	p0 =	seq.s32 s30, $0x0;
	s6 =	sadd.s32 $0x2000, s5;
	[tilespmem:v3+s9+$0x0] =	vst.idx.add.f32.msk $0xffff, v2  }
0x84: {  	[spmem:s2] =	stream.indirect.scatter.add.bf16 [tilespmem:s28], [sflag:$0x9], $0x20, s6, s26, $0xb8;
	[tilespmem:$0x1F100] =	vst v63  }
0x85: {  	s6 =	simm.s32 @!p0 $0xD  }
0x86: {  	_ =	swait.ge @!p0 [sflag:s6], $0x1000  }
0x87: {  	[sflag:s6] =	ssyncset.done @!p0 $0x0  }
0x88: {  	s22 =	sadd.s32 $0x200, s5;
	[sflag:s6] =	ssyncadd.s32 @!p0 $0xFFFFF000  }
0x89: {  	[tilespmem:s10], [sflag:$0x5] =	stream.indirect.gather [hbm4b:s19+s26], $0x20, s22, s26, $0xb8;
	[tilespmem:$0x1F100] =	vst v63  }
0x8a: {  	_ =	swait.ge [sflag:s25], $0x1000  }
0x8b: {  	[sflag:s25] =	ssyncset.done $0x0  }
0x8c: {  	[sflag:s25] =	ssyncadd.s32 $0xFFFFF000  }
0x8d: {  	v3 =	vld [tilespmem:s5+$0x2080];
	_ =	sdelay $0x7  }
0x8e: {  	[tilespmem:v3+s9+$0x0] =	vst.idx.add.f32.msk $0xffff, v2  }
0x8f: {  	v3 =	vld [tilespmem:s5+$0x2090];
	_ =	sdelay $0x7  }
0x90: {  	[tilespmem:v3+s9+$0x0] =	vst.idx.add.f32.msk $0xffff, v2  }
0x91: {  	v3 =	vld [tilespmem:s5+$0x20A0];
	_ =	sdelay $0x7  }
0x92: {  	[tilespmem:v3+s9+$0x0] =	vst.idx.add.f32.msk $0xffff, v2  }
0x93: {  	v3 =	vld [tilespmem:s5+$0x20B0];
	_ =	sdelay $0x7  }
0x94: {  	[tilespmem:v3+s9+$0x0] =	vst.idx.add.f32.msk $0xffff, v2  }
0x95: {  	v3 =	vld [tilespmem:s5+$0x20C0];
	_ =	sdelay $0x7  }
0x96: {  	[tilespmem:v3+s9+$0x0] =	vst.idx.add.f32.msk $0xffff, v2  }
0x97: {  	v3 =	vld [tilespmem:s5+$0x20D0];
	_ =	sdelay $0x7  }
0x98: {  	[tilespmem:v3+s9+$0x0] =	vst.idx.add.f32.msk $0xffff, v2  }
0x99: {  	v3 =	vld [tilespmem:s5+$0x20E0];
	_ =	sdelay $0x7  }
0x9a: {  	[tilespmem:v3+s9+$0x0] =	vst.idx.add.f32.msk $0xffff, v2  }
0x9b: {  	v3 =	vld [tilespmem:s5+$0x20F0];
	_ =	sdelay $0x7  }
0x9c: {  	s3 =	sadd.s32 $0x2080, s5;
	s6 =	simm.s32 @!p0 $0xE;
	[tilespmem:v3+s9+$0x0] =	vst.idx.add.f32.msk $0xffff, v2  }
0x9d: {  	[spmem:s2] =	stream.indirect.scatter.add.bf16 [tilespmem:s29], [sflag:$0xA], $0x20, s3, s26, $0xb8;
	[tilespmem:$0x1F100] =	vst v63  }
0x9e: {  	_ =	swait.ge @!p0 [sflag:s6], $0x1000  }
0x9f: {  	[sflag:s6] =	ssyncset.done @!p0 $0x0  }
0xa0: {  	s11 =	sadd.s32 $0x280, s5;
	[sflag:s6] =	ssyncadd.s32 @!p0 $0xFFFFF000  }
0xa1: {  	[tilespmem:s15], [sflag:$0x6] =	stream.indirect.gather [hbm4b:s19+s26], $0x20, s11, s26, $0xb8;
	[tilespmem:$0x1F100] =	vst v63  }
0xa2: {  	_ =	swait.ge [sflag:s16], $0x1000  }
0xa3: {  	[sflag:s16] =	ssyncset.done $0x0  }
0xa4: {  	[sflag:s16] =	ssyncadd.s32 $0xFFFFF000  }
0xa5: {  	v3 =	vld [tilespmem:s5+$0x2100];
	_ =	sdelay $0x7  }
0xa6: {  	[tilespmem:v3+s9+$0x0] =	vst.idx.add.f32.msk $0xffff, v2  }
0xa7: {  	v3 =	vld [tilespmem:s5+$0x2110];
	_ =	sdelay $0x7  }
0xa8: {  	[tilespmem:v3+s9+$0x0] =	vst.idx.add.f32.msk $0xffff, v2  }
0xa9: {  	v3 =	vld [tilespmem:s5+$0x2120];
	_ =	sdelay $0x7  }
0xaa: {  	[tilespmem:v3+s9+$0x0] =	vst.idx.add.f32.msk $0xffff, v2  }
0xab: {  	v3 =	vld [tilespmem:s5+$0x2130];
	_ =	sdelay $0x7  }
0xac: {  	[tilespmem:v3+s9+$0x0] =	vst.idx.add.f32.msk $0xffff, v2  }
0xad: {  	v3 =	vld [tilespmem:s5+$0x2140];
	_ =	sdelay $0x7  }
0xae: {  	[tilespmem:v3+s9+$0x0] =	vst.idx.add.f32.msk $0xffff, v2  }
0xaf: {  	v3 =	vld [tilespmem:s5+$0x2150];
	_ =	sdelay $0x7  }
0xb0: {  	[tilespmem:v3+s9+$0x0] =	vst.idx.add.f32.msk $0xffff, v2  }
0xb1: {  	v3 =	vld [tilespmem:s5+$0x2160];
	_ =	sdelay $0x7  }
0xb2: {  	[tilespmem:v3+s9+$0x0] =	vst.idx.add.f32.msk $0xffff, v2  }
0xb3: {  	v3 =	vld [tilespmem:s5+$0x2170];
	_ =	sdelay $0x7  }
0xb4: {  	s22 =	sadd.s32 $0x2100, s5;
	s6 =	simm.s32 @!p0 $0xF;
	[tilespmem:v3+s9+$0x0] =	vst.idx.add.f32.msk $0xffff, v2  }
0xb5: {  	[spmem:s2] =	stream.indirect.scatter.add.bf16 [tilespmem:s31], [sflag:$0xB], $0x20, s22, s26, $0xb8;
	[tilespmem:$0x1F100] =	vst v63  }
0xb6: {  	_ =	swait.ge @!p0 [sflag:s6], $0x1000  }
0xb7: {  	[sflag:s6] =	ssyncset.done @!p0 $0x0  }
0xb8: {  	s3 =	sadd.s32 $0x300, s5;
	[sflag:s6] =	ssyncadd.s32 @!p0 $0xFFFFF000  }
0xb9: {  	[tilespmem:s17], [sflag:$0x7] =	stream.indirect.gather [hbm4b:s19+s26], $0x20, s3, s26, $0xb8;
	[tilespmem:$0x1F100] =	vst v63  }
0xba: {  	_ =	swait.ge [sflag:s18], $0x1000  }
0xbb: {  	[sflag:s18] =	ssyncset.done $0x0  }
0xbc: {  	[sflag:s18] =	ssyncadd.s32 $0xFFFFF000  }
0xbd: {  	v3 =	vld [tilespmem:s5+$0x2180];
	_ =	sdelay $0x7  }
0xbe: {  	[tilespmem:v3+s9+$0x0] =	vst.idx.add.f32.msk $0xffff, v2  }
0xbf: {  	v3 =	vld [tilespmem:s5+$0x2190];
	_ =	sdelay $0x7  }
0xc0: {  	[tilespmem:v3+s9+$0x0] =	vst.idx.add.f32.msk $0xffff, v2  }
0xc1: {  	v3 =	vld [tilespmem:s5+$0x21A0];
	_ =	sdelay $0x7  }
0xc2: {  	[tilespmem:v3+s9+$0x0] =	vst.idx.add.f32.msk $0xffff, v2  }
0xc3: {  	v3 =	vld [tilespmem:s5+$0x21B0];
	_ =	sdelay $0x7  }
0xc4: {  	[tilespmem:v3+s9+$0x0] =	vst.idx.add.f32.msk $0xffff, v2  }
0xc5: {  	v3 =	vld [tilespmem:s5+$0x21C0];
	_ =	sdelay $0x7  }
0xc6: {  	[tilespmem:v3+s9+$0x0] =	vst.idx.add.f32.msk $0xffff, v2  }
0xc7: {  	v3 =	vld [tilespmem:s5+$0x21D0];
	_ =	sdelay $0x7  }
0xc8: {  	[tilespmem:v3+s9+$0x0] =	vst.idx.add.f32.msk $0xffff, v2  }
0xc9: {  	v3 =	vld [tilespmem:s5+$0x21E0];
	_ =	sdelay $0x7  }
0xca: {  	[tilespmem:v3+s9+$0x0] =	vst.idx.add.f32.msk $0xffff, v2  }
0xcb: {  	v3 =	vld [tilespmem:s5+$0x21F0];
	_ =	sdelay $0x7  }
0xcc: {  	s11 =	sadd.s32 $0x2180, s5;
	s6 =	simm.s32 @!p0 $0x10;
	[tilespmem:v3+s9+$0x0] =	vst.idx.add.f32.msk $0xffff, v2  }
0xcd: {  	[spmem:s2] =	stream.indirect.scatter.add.bf16 [tilespmem:s8], [sflag:$0xC], $0x20, s11, s26, $0xb8;
	[tilespmem:$0x1F100] =	vst v63  }
0xce: {  	_ =	swait.ge @!p0 [sflag:s6], $0x1000  }
0xcf: {  	[sflag:s6] =	ssyncset.done @!p0 $0x0  }
0xd0: {  	s22 =	sadd.s32 $0x380, s5;
	[sflag:s6] =	ssyncadd.s32 @!p0 $0xFFFFF000  }
0xd1: {  	[tilespmem:s14], [sflag:$0x8] =	stream.indirect.gather [hbm4b:s19+s26], $0x20, s22, s26, $0xb8;
	[tilespmem:$0x1F100] =	vst v63  }
0xd2: {  	_ =	swait.ge [sflag:s20], $0x1000  }
0xd3: {  	[sflag:s20] =	ssyncset.done $0x0  }
0xd4: {  	[sflag:s20] =	ssyncadd.s32 $0xFFFFF000  }
0xd5: {  	v3 =	vld [tilespmem:s5+$0x2200];
	_ =	sdelay $0x7  }
0xd6: {  	[tilespmem:v3+s9+$0x0] =	vst.idx.add.f32.msk $0xffff, v2  }
0xd7: {  	v3 =	vld [tilespmem:s5+$0x2210];
	_ =	sdelay $0x7  }
0xd8: {  	[tilespmem:v3+s9+$0x0] =	vst.idx.add.f32.msk $0xffff, v2  }
0xd9: {  	v3 =	vld [tilespmem:s5+$0x2220];
	_ =	sdelay $0x7  }
0xda: {  	[tilespmem:v3+s9+$0x0] =	vst.idx.add.f32.msk $0xffff, v2  }
0xdb: {  	v3 =	vld [tilespmem:s5+$0x2230];
	_ =	sdelay $0x7  }
0xdc: {  	[tilespmem:v3+s9+$0x0] =	vst.idx.add.f32.msk $0xffff, v2  }
0xdd: {  	v3 =	vld [tilespmem:s5+$0x2240];
	_ =	sdelay $0x7  }
0xde: {  	[tilespmem:v3+s9+$0x0] =	vst.idx.add.f32.msk $0xffff, v2  }
0xdf: {  	v3 =	vld [tilespmem:s5+$0x2250];
	_ =	sdelay $0x7  }
0xe0: {  	[tilespmem:v3+s9+$0x0] =	vst.idx.add.f32.msk $0xffff, v2  }
0xe1: {  	v3 =	vld [tilespmem:s5+$0x2260];
	_ =	sdelay $0x7  }
0xe2: {  	[tilespmem:v3+s9+$0x0] =	vst.idx.add.f32.msk $0xffff, v2  }
0xe3: {  	v3 =	vld [tilespmem:s5+$0x2270];
	_ =	sdelay $0x7  }
0xe4: {  	s3 =	sadd.s32 $0x2200, s5;
	[tilespmem:v3+s9+$0x0] =	vst.idx.add.f32.msk $0xffff, v2  }
0xe5: {  	[spmem:s2] =	stream.indirect.scatter.add.bf16 [tilespmem:s10], [sflag:$0xD], $0x20, s3, s26, $0xb8;
	[tilespmem:$0x1F100] =	vst v63  }
0xe6: {  	p0 =	seq.s32 s30, $0x7000;
	_ =	swait.ge [sflag:s13], $0x1000  }
0xe7: {  	s6 =	sshra.s32 @!p0 s30, $0x2;
	s22 =	simm.s32 @!p0 $0x80;
	[sflag:s13] =	ssyncset.done $0x0  }
0xe8: {  	s11 =	sadd.s32 @!p0 $0x400, s6;
	s3 =	simm.s32 @!p0 $0x4000;
	[sflag:s13] =	ssyncadd.s32 $0xFFFFF000  }
0xe9: {  	[tilespmem:s3], [sflag:$0x1] =	stream.indirect.gather @!p0 [hbm4b:s19+s22], $0x20, s11, s22, $0xb8;
	[tilespmem:$0x1F100] =	vst v63  }
0xea: {  	_ =	swait.ge [sflag:s21], $0x1000  }
0xeb: {  	[sflag:s21] =	ssyncset.done $0x0  }
0xec: {  	[sflag:s21] =	ssyncadd.s32 $0xFFFFF000  }
0xed: {  	v3 =	vld [tilespmem:s5+$0x2280];
	_ =	sdelay $0x7  }
0xee: {  	[tilespmem:v3+s9+$0x0] =	vst.idx.add.f32.msk $0xffff, v2  }
0xef: {  	v3 =	vld [tilespmem:s5+$0x2290];
	_ =	sdelay $0x7  }
0xf0: {  	[tilespmem:v3+s9+$0x0] =	vst.idx.add.f32.msk $0xffff, v2  }
0xf1: {  	v3 =	vld [tilespmem:s5+$0x22A0];
	_ =	sdelay $0x7  }
0xf2: {  	[tilespmem:v3+s9+$0x0] =	vst.idx.add.f32.msk $0xffff, v2  }
0xf3: {  	v3 =	vld [tilespmem:s5+$0x22B0];
	_ =	sdelay $0x7  }
0xf4: {  	[tilespmem:v3+s9+$0x0] =	vst.idx.add.f32.msk $0xffff, v2  }
0xf5: {  	v3 =	vld [tilespmem:s5+$0x22C0];
	_ =	sdelay $0x7  }
0xf6: {  	[tilespmem:v3+s9+$0x0] =	vst.idx.add.f32.msk $0xffff, v2  }
0xf7: {  	v3 =	vld [tilespmem:s5+$0x22D0];
	_ =	sdelay $0x7  }
0xf8: {  	[tilespmem:v3+s9+$0x0] =	vst.idx.add.f32.msk $0xffff, v2  }
0xf9: {  	v3 =	vld [tilespmem:s5+$0x22E0];
	_ =	sdelay $0x7  }
0xfa: {  	[tilespmem:v3+s9+$0x0] =	vst.idx.add.f32.msk $0xffff, v2  }
0xfb: {  	v3 =	vld [tilespmem:s5+$0x22F0];
	_ =	sdelay $0x7  }
0xfc: {  	s11 =	sadd.s32 $0x2280, s5;
	[tilespmem:v3+s9+$0x0] =	vst.idx.add.f32.msk $0xffff, v2  }
0xfd: {  	[spmem:s2] =	stream.indirect.scatter.add.bf16 [tilespmem:s15], [sflag:$0xE], $0x20, s11, s26, $0xb8;
	[tilespmem:$0x1F100] =	vst v63  }
0xfe: {  	_ =	swait.ge [sflag:s7], $0x1000  }
0xff: {  	[sflag:s7] =	ssyncset.done $0x0  }
0x100: {  	s3 =	sadd.s32 @!p0 $0x480, s6;
	s11 =	simm.s32 @!p0 $0x5000;
	[sflag:s7] =	ssyncadd.s32 $0xFFFFF000  }
0x101: {  	[tilespmem:s11], [sflag:$0x2] =	stream.indirect.gather @!p0 [hbm4b:s19+s22], $0x20, s3, s22, $0xb8;
	[tilespmem:$0x1F100] =	vst v63  }
0x102: {  	_ =	swait.ge [sflag:s1], $0x1000  }
0x103: {  	[sflag:s1] =	ssyncset.done $0x0  }
0x104: {  	[sflag:s1] =	ssyncadd.s32 $0xFFFFF000  }
0x105: {  	v3 =	vld [tilespmem:s5+$0x2300];
	_ =	sdelay $0x7  }
0x106: {  	[tilespmem:v3+s9+$0x0] =	vst.idx.add.f32.msk $0xffff, v2  }
0x107: {  	v3 =	vld [tilespmem:s5+$0x2310];
	_ =	sdelay $0x7  }
0x108: {  	[tilespmem:v3+s9+$0x0] =	vst.idx.add.f32.msk $0xffff, v2  }
0x109: {  	v3 =	vld [tilespmem:s5+$0x2320];
	_ =	sdelay $0x7  }
0x10a: {  	[tilespmem:v3+s9+$0x0] =	vst.idx.add.f32.msk $0xffff, v2  }
0x10b: {  	v3 =	vld [tilespmem:s5+$0x2330];
	_ =	sdelay $0x7  }
0x10c: {  	[tilespmem:v3+s9+$0x0] =	vst.idx.add.f32.msk $0xffff, v2  }
0x10d: {  	v3 =	vld [tilespmem:s5+$0x2340];
	_ =	sdelay $0x7  }
0x10e: {  	[tilespmem:v3+s9+$0x0] =	vst.idx.add.f32.msk $0xffff, v2  }
0x10f: {  	v3 =	vld [tilespmem:s5+$0x2350];
	_ =	sdelay $0x7  }
0x110: {  	[tilespmem:v3+s9+$0x0] =	vst.idx.add.f32.msk $0xffff, v2  }
0x111: {  	v3 =	vld [tilespmem:s5+$0x2360];
	_ =	sdelay $0x7  }
0x112: {  	[tilespmem:v3+s9+$0x0] =	vst.idx.add.f32.msk $0xffff, v2  }
0x113: {  	v3 =	vld [tilespmem:s5+$0x2370];
	_ =	sdelay $0x7  }
0x114: {  	s11 =	sadd.s32 $0x2300, s5;
	[tilespmem:v3+s9+$0x0] =	vst.idx.add.f32.msk $0xffff, v2  }
0x115: {  	[spmem:s2] =	stream.indirect.scatter.add.bf16 [tilespmem:s17], [sflag:$0xF], $0x20, s11, s26, $0xb8;
	[tilespmem:$0x1F100] =	vst v63  }
0x116: {  	_ =	swait.ge [sflag:s4], $0x1000  }
0x117: {  	[sflag:s4] =	ssyncset.done $0x0  }
0x118: {  	s3 =	sadd.s32 @!p0 $0x500, s6;
	s6 =	simm.s32 @!p0 $0x6000;
	[sflag:s4] =	ssyncadd.s32 $0xFFFFF000  }
0x119: {  	[tilespmem:s6], [sflag:$0x3] =	stream.indirect.gather @!p0 [hbm4b:s19+s22], $0x20, s3, s22, $0xb8;
	[tilespmem:$0x1F100] =	vst v63  }
0x11a: {  	_ =	swait.ge [sflag:s23], $0x1000  }
0x11b: {  	[sflag:s23] =	ssyncset.done $0x0  }
0x11c: {  	[sflag:s23] =	ssyncadd.s32 $0xFFFFF000  }
0x11d: {  	v3 =	vld [tilespmem:s5+$0x2380];
	_ =	sdelay $0x7  }
0x11e: {  	[tilespmem:v3+s9+$0x0] =	vst.idx.add.f32.msk $0xffff, v2  }
0x11f: {  	v3 =	vld [tilespmem:s5+$0x2390];
	_ =	sdelay $0x7  }
0x120: {  	[tilespmem:v3+s9+$0x0] =	vst.idx.add.f32.msk $0xffff, v2  }
0x121: {  	v3 =	vld [tilespmem:s5+$0x23A0];
	_ =	sdelay $0x7  }
0x122: {  	[tilespmem:v3+s9+$0x0] =	vst.idx.add.f32.msk $0xffff, v2  }
0x123: {  	v3 =	vld [tilespmem:s5+$0x23B0];
	_ =	sdelay $0x7  }
0x124: {  	[tilespmem:v3+s9+$0x0] =	vst.idx.add.f32.msk $0xffff, v2  }
0x125: {  	v3 =	vld [tilespmem:s5+$0x23C0];
	_ =	sdelay $0x7  }
0x126: {  	[tilespmem:v3+s9+$0x0] =	vst.idx.add.f32.msk $0xffff, v2  }
0x127: {  	v3 =	vld [tilespmem:s5+$0x23D0];
	_ =	sdelay $0x7  }
0x128: {  	[tilespmem:v3+s9+$0x0] =	vst.idx.add.f32.msk $0xffff, v2  }
0x129: {  	v3 =	vld [tilespmem:s5+$0x23E0];
	_ =	sdelay $0x7  }
0x12a: {  	[tilespmem:v3+s9+$0x0] =	vst.idx.add.f32.msk $0xffff, v2  }
0x12b: {  	v3 =	vld [tilespmem:s5+$0x23F0];
	_ =	sdelay $0x7  }
.Ltmp5:
0x12c: {  	s22 =	sadd.s32 $0x2380, s5;
	[tilespmem:v3+s9+$0x0] =	vst.idx.add.f32.msk $0xffff, v2;
	(pc) =	sbr.rel @p0 .LBB2_11-.Ltmp5, $4  }
0x12d: {  	[spmem:s2] =	stream.indirect.scatter.add.bf16 [tilespmem:s14], [sflag:$0x10], $0x20, s22, s26, $0xb8;
	[tilespmem:$0x1F100] =	vst v63  }
0x12e: {  	_ =	swait.ge [sflag:s0], $0x1000  }
0x12f: {  	[sflag:s0] =	ssyncset.done $0x0  }
0x130: {  	[sflag:s0] =	ssyncadd.s32 $0xFFFFF000  }
.Ltmp6:
0x131: {  	(pc) =	sbr.rel .LBB2_9-.Ltmp6, $3  }
0x132: {  	_ =	sdelay $0x1  }
0x133: {  	s3 =	sadd.s32 $0x580, s5;
	s30 =	sadd.s32 $0x1000, s30  }
0x134: {  	[tilespmem:s8], [sflag:$0x4] =	stream.indirect.gather [hbm4b:s19+s26], $0x20, s3, s26, $0xb8;
	[tilespmem:$0x1F100] =	vst v63  }
.LBB2_12:
0x135: {  	s3 =	rddreg [dreg:$0xd];
	s5 =	simm.s32 $0x11  }
0x136: {  	[spmem:s3] =	stream.linear.scatter [tilespmem:s9], [sflag:$0x11], $0x1000, $0x38;
	[tilespmem:$0x1F100] =	vst v63  }
0x137: {  	_ =	swait.ge [sflag:s5], $0x1000  }
0x138: {  	[sflag:s5] =	ssyncset.done $0x0  }
0x139: {  	s6 =	simm.s32 $0xD000;
	s22 =	rddreg [dreg:$0x10];
	[sflag:s5] =	ssyncadd.s32 $0xFFFFF000  }
0x13a: {  	[spmem:s22] =	stream.linear.scatter [tilespmem:s6], [sflag:$0x11], $0x1000, $0x38;
	[tilespmem:$0x1F100] =	vst v63  }
0x13b: {  	_ =	swait.ge [sflag:s5], $0x1000  }
0x13c: {  	[sflag:s5] =	ssyncset.done $0x0  }
0x13d: {  	s12 =	simm.s32 $0xE000;
	s11 =	rddreg [dreg:$0x11];
	[sflag:s5] =	ssyncadd.s32 $0xFFFFF000  }
0x13e: {  	[spmem:s11] =	stream.linear.scatter [tilespmem:s12], [sflag:$0x11], $0x1000, $0x38;
	[tilespmem:$0x1F100] =	vst v63  }
0x13f: {  	_ =	swait.ge [sflag:s5], $0x1000  }
0x140: {  	[sflag:s5] =	ssyncset.done $0x0  }
0x141: {  	s22 =	simm.s32 $0xF000;
	s19 =	rddreg [dreg:$0x12];
	[sflag:s5] =	ssyncadd.s32 $0xFFFFF000  }
0x142: {  	[spmem:s19] =	stream.linear.scatter [tilespmem:s22], [sflag:$0x11], $0x1000, $0x38;
	[tilespmem:$0x1F100] =	vst v63  }
0x143: {  	_ =	swait.ge [sflag:s5], $0x1000  }
0x144: {  	[sflag:s5] =	ssyncset.done $0x0  }
0x145: {  	[sflag:s5] =	ssyncadd.s32 $0xFFFFF000  }
0x146: {  	[bflag:$0x0] =	sbarrier.arrive $0xFFFF  }
0x147: {  	s19 =	rddreg [dreg:$0x14]  }
0x148: {  	s30 =	rddreg [dreg:$0x7]  }
0x149: {  	s6 =	stileid.u32;
	s12 =	simm.s32 $0x0;
	s3 =	rddreg [dreg:$0xe]  }
.LBB2_13:
0x14a: {  	s5 =	sshll.u32 s6, $0x6  }
0x14b: {  	s11 =	sshrl.u32 s30, $0x3;
	s6 =	simm.s32 $0x11;
	s5 =	sor.u32 $0x1C11, s5  }
0x14c: {  	[hbm:s19], [sflag:s5] =	dma.local [spmem:s11], $0x400  }
0x14d: {  	_ =	swait.ge [sflag:s6], $0x400  }
0x14e: {  	s22 =	simm.s32 $0x12100;
	[sflag:s6] =	ssyncset.done $0x0  }
0x14f: {  	s5 =	simm.s32 $0x100;
	s11 =	simm.s32 $0x1000;
	[sflag:s6] =	ssyncadd.s32 $0xFFFFFC00  }
0x150: {  	[tilespmem:s22], [sflag:$0x11] =	stream.strided.gather [spmem:s3], $0x1000, s11, s5, $0x38;
	[tilespmem:$0x1F100] =	vst v63  }
0x151: {  	_ =	swait.ge [sflag:s6], $0x1000  }
0x152: {  	[sflag:s6] =	ssyncset.done $0x0  }
0x153: {  	[sflag:s6] =	ssyncadd.s32 $0xFFFFF000  }
0x154: {  	v31 =	vld [tilespmem:$0x12100]  }
0x155: {  	v26 =	vld [tilespmem:$0x12200]  }
0x156: {  	v33 =	vld [tilespmem:$0x12300]  }
0x157: {  	v38 =	vld [tilespmem:$0x12400]  }
0x158: {  	v42 =	vld [tilespmem:$0x12500]  }
0x159: {  	v53 =	vld [tilespmem:$0x12600]  }
0x15a: {  	v63 =	vld [tilespmem:$0x12700]  }
0x15b: {  	v0 =	vld [tilespmem:$0x12800]  }
0x15c: {  	v16 =	vld [tilespmem:$0x12110]  }
0x15d: {  	v13 =	vld [tilespmem:$0x12210]  }
0x15e: {  	v18 =	vld [tilespmem:$0x12310]  }
0x15f: {  	v23 =	vld [tilespmem:$0x12410]  }
0x160: {  	v27 =	vld [tilespmem:$0x12510]  }
0x161: {  	v43 =	vld [tilespmem:$0x12610]  }
0x162: {  	v47 =	vld [tilespmem:$0x12710]  }
0x163: {  	v58 =	vld [tilespmem:$0x12810]  }
0x164: {  	v56 =	vld [tilespmem:$0x12910]  }
0x165: {  	v7 =	vld [tilespmem:$0x12120]  }
0x166: {  	v6 =	vld [tilespmem:$0x12220]  }
0x167: {  	v9 =	vld [tilespmem:$0x12320]  }
0x168: {  	v11 =	vld [tilespmem:$0x12420]  }
0x169: {  	v17 =	vld [tilespmem:$0x12520]  }
0x16a: {  	v21 =	vld [tilespmem:$0x12620]  }
0x16b: {  	v25 =	vld [tilespmem:$0x12720]  }
0x16c: {  	v34 =	vld [tilespmem:$0x12820]  }
0x16d: {  	v39 =	vld [tilespmem:$0x12920]  }
0x16e: {  	v46 =	vld [tilespmem:$0x12A20]  }
0x16f: {  	v54 =	vld [tilespmem:$0x12B20]  }
0x170: {  	v3 =	vld [tilespmem:$0x12130]  }
0x171: {  	v4 =	vld [tilespmem:$0x12330]  }
0x172: {  	v5 =	vld [tilespmem:$0x12430]  }
0x173: {  	v8 =	vld [tilespmem:$0x12530]  }
0x174: {  	v10 =	vld [tilespmem:$0x12630]  }
0x175: {  	v12 =	vld [tilespmem:$0x12730]  }
0x176: {  	v19 =	vld [tilespmem:$0x12830]  }
0x177: {  	v22 =	vld [tilespmem:$0x12930]  }
0x178: {  	v29 =	vld [tilespmem:$0x12A30]  }
0x179: {  	v36 =	vld [tilespmem:$0x12B30]  }
0x17a: {  	v40 =	vld [tilespmem:$0x12C30]  }
0x17b: {  	v50 =	vld [tilespmem:$0x12D30]  }
0x17c: {  	v57 =	vld [tilespmem:$0x12E30]  }
0x17d: {  	v14 =	vld [tilespmem:$0x12F30]  }
0x17e: {  	v61 =	vld [tilespmem:$0x13030]  }
0x17f: {  	v20 =	vld [tilespmem:$0x12140]  }
0x180: {  	v24 =	vld [tilespmem:$0x12240]  }
0x181: {  	v28 =	vld [tilespmem:$0x12340]  }
0x182: {  	v30 =	vld [tilespmem:$0x12440]  }
0x183: {  	[tilespmem:$0x1FA70] =	vst v0;
	v0 =	vld [tilespmem:$0x12900]  }
0x184: {  	[tilespmem:$0x1FBF0] =	vst v61;
	v61 =	vld [tilespmem:$0x12650]  }
0x185: {  	v32 =	vld [tilespmem:$0x12540]  }
0x186: {  	v35 =	vld [tilespmem:$0x12640]  }
0x187: {  	v37 =	vld [tilespmem:$0x12740]  }
0x188: {  	[tilespmem:$0x1FA80] =	vst v0;
	v0 =	vld [tilespmem:$0x12A00]  }
0x189: {  	[tilespmem:$0x1FC50] =	vst v61;
	v61 =	vld [tilespmem:$0x12960]  }
0x18a: {  	v41 =	vld [tilespmem:$0x12840]  }
0x18b: {  	v44 =	vld [tilespmem:$0x12940]  }
0x18c: {  	v45 =	vld [tilespmem:$0x12A40]  }
0x18d: {  	[tilespmem:$0x1FA90] =	vst v0;
	v0 =	vld [tilespmem:$0x12B00]  }
0x18e: {  	[tilespmem:$0x1FCF0] =	vst v61;
	v61 =	vld [tilespmem:$0x12A70]  }
0x18f: {  	v48 =	vld [tilespmem:$0x12B40]  }
0x190: {  	v49 =	vld [tilespmem:$0x12C40]  }
0x191: {  	v51 =	vld [tilespmem:$0x12D40]  }
0x192: {  	[tilespmem:$0x1FAB0] =	vst v0;
	v0 =	vld [tilespmem:$0x12C00]  }
0x193: {  	[tilespmem:$0x1FD40] =	vst v61;
	v61 =	vld [tilespmem:$0x12B70]  }
0x194: {  	v52 =	vld [tilespmem:$0x12E40]  }
0x195: {  	v55 =	vld [tilespmem:$0x12F40]  }
0x196: {  	v59 =	vld [tilespmem:$0x13040]  }
0x197: {  	[tilespmem:$0x1FAD0] =	vst v0;
	v0 =	vld [tilespmem:$0x12D00]  }
0x198: {  	[tilespmem:$0x1FD80] =	vst v61;
	v61 =	vld [tilespmem:$0x12C70]  }
0x199: {  	v60 =	vld [tilespmem:$0x12550]  }
0x19a: {  	v15 =	vld [tilespmem:$0x12170]  }
0x19b: {  	[tilespmem:$0x1FD10] =	vst v48;
	v48 =	vld [tilespmem:$0x12150]  }
0x19c: {  	[tilespmem:$0x1FAF0] =	vst v0;
	v0 =	vld [tilespmem:$0x12E00]  }
0x19d: {  	[tilespmem:$0x1FDC0] =	vst v61;
	v61 =	vld [tilespmem:$0x12D70]  }
0x19e: {  	[tilespmem:$0x1FCE0] =	vst v45;
	v45 =	vld [tilespmem:$0x12250]  }
0x19f: {  	[tilespmem:$0x1FDD0] =	vst v52;
	v52 =	vld [tilespmem:$0x12350]  }
0x1a0: {  	[tilespmem:$0x1FE50] =	vst v59;
	v59 =	vld [tilespmem:$0x12450]  }
0x1a1: {  	[tilespmem:$0x1FB20] =	vst v0;
	v0 =	vld [tilespmem:$0x12F00]  }
0x1a2: {  	[tilespmem:$0x1FE00] =	vst v61;
	v61 =	vld [tilespmem:$0x12E70]  }
0x1a3: {  	[tilespmem:$0x1FBD0] =	vst v20;
	v20 =	vld [tilespmem:$0x12750]  }
0x1a4: {  	[tilespmem:$0x1FBE0] =	vst v24;
	v24 =	vld [tilespmem:$0x12850]  }
0x1a5: {  	[tilespmem:$0x1FC00] =	vst v28;
	v28 =	vld [tilespmem:$0x12950]  }
0x1a6: {  	[tilespmem:$0x1FB50] =	vst v0;
	v0 =	vld [tilespmem:$0x13000]  }
0x1a7: {  	[tilespmem:$0x1FE40] =	vst v61;
	v61 =	vld [tilespmem:$0x12F70]  }
0x1a8: {  	[tilespmem:$0x1FC10] =	vst v30;
	v30 =	vld [tilespmem:$0x12A50]  }
0x1a9: {  	[tilespmem:$0x1FC20] =	vst v32;
	v32 =	vld [tilespmem:$0x12B50]  }
0x1aa: {  	[tilespmem:$0x1FC40] =	vst v35;
	v35 =	vld [tilespmem:$0x12C50]  }
0x1ab: {  	[tilespmem:$0x1FB80] =	vst v0;
	v0 =	vld [tilespmem:$0x12A10]  }
0x1ac: {  	[tilespmem:$0x1FE80] =	vst v61;
	v61 =	vld [tilespmem:$0x13070]  }
0x1ad: {  	[tilespmem:$0x1FC60] =	vst v37;
	v37 =	vld [tilespmem:$0x12D50]  }
0x1ae: {  	[tilespmem:$0x1FC80] =	vst v41;
	v41 =	vld [tilespmem:$0x12E50]  }
0x1af: {  	[tilespmem:$0x1FCB0] =	vst v44;
	v44 =	vld [tilespmem:$0x12F50]  }
0x1b0: {  	[tilespmem:$0x1FAA0] =	vst v0;
	v0 =	vld [tilespmem:$0x12B10]  }
0x1b1: {  	[tilespmem:$0x1FEC0] =	vst v61;
	v61 =	vld [tilespmem:$0x12180]  }
0x1b2: {  	[tilespmem:$0x1FD50] =	vst v49;
	v49 =	vld [tilespmem:$0x13050]  }
0x1b3: {  	[tilespmem:$0x1FE10] =	vst v55;
	v55 =	vld [tilespmem:$0x12660]  }
0x1b4: {  	[tilespmem:$0x1FD90] =	vst v51;
	v51 =	vld [tilespmem:$0x12760]  }
0x1b5: {  	[tilespmem:$0x1FAC0] =	vst v0;
	v0 =	vld [tilespmem:$0x12C10]  }
0x1b6: {  	[tilespmem:$0x1FEA0] =	vst v61;
	v61 =	vld [tilespmem:$0x12280]  }
0x1b7: {  	[tilespmem:$0x1FC30] =	vst v60;
	v60 =	vld [tilespmem:$0x12860]  }
0x1b8: {  	[tilespmem:$0x1FBB0] =	vst v14;
	v14 =	vld [tilespmem:$0x12270];
	v26 =	vadd.f32 v26, v31;
	v13 =	vadd.f32 v13, v16  }
0x1b9: {  	v6 =	vadd.f32 v6, v7;
	v31 =	vld [tilespmem:$0x12E80]  }
0x1ba: {  	v26 =	vadd.f32 v33, v26;
	v33 =	vadd.f32 v18, v13;
	[tilespmem:$0x1FAE0] =	vst v0;
	v0 =	vld [tilespmem:$0x12D10]  }
0x1bb: {  	v6 =	vadd.f32 v9, v6;
	[tilespmem:$0x1FEB0] =	vst v61;
	v61 =	vld [tilespmem:$0x12380]  }
0x1bc: {  	v7 =	vadd.f32 v23, v33;
	v33 =	vld [tilespmem:$0x12190]  }
0x1bd: {  	v13 =	vadd.f32 v11, v6;
	v6 =	vld [tilespmem:$0x12290]  }
0x1be: {  	v11 =	vld [tilespmem:$0x12490]  }
0x1bf: {  	[tilespmem:$0x1FB10] =	vst v0;
	v0 =	vld [tilespmem:$0x12E10]  }
0x1c0: {  	[tilespmem:$0x1FED0] =	vst v61;
	v61 =	vld [tilespmem:$0x12480]  }
0x1c1: {  	[tilespmem:$0x1FD00] =	vst v30;
	v30 =	vld [tilespmem:$0x12160]  }
0x1c2: {  	[tilespmem:$0x1FCD0] =	vst v28;
	v28 =	vld [tilespmem:$0x12260]  }
0x1c3: {  	[tilespmem:$0x1FD70] =	vst v35;
	v35 =	vld [tilespmem:$0x12360]  }
0x1c4: {  	[tilespmem:$0x1FB40] =	vst v0;
	v0 =	vld [tilespmem:$0x12F10]  }
0x1c5: {  	[tilespmem:$0x1FEE0] =	vst v61;
	v61 =	vld [tilespmem:$0x12580]  }
0x1c6: {  	[tilespmem:$0x1FDF0] =	vst v41;
	v41 =	vld [tilespmem:$0x12460]  }
0x1c7: {  	[tilespmem:$0x1FE70] =	vst v49;
	v49 =	vld [tilespmem:$0x12560]  }
0x1c8: {  	[tilespmem:$0x1FC70] =	vst v20;
	v20 =	vld [tilespmem:$0x12A60]  }
0x1c9: {  	[tilespmem:$0x1FB70] =	vst v0;
	v0 =	vld [tilespmem:$0x13010]  }
0x1ca: {  	[tilespmem:$0x1FEF0] =	vst v61;
	v61 =	vld [tilespmem:$0x12680]  }
0x1cb: {  	[tilespmem:$0x1FCA0] =	vst v24;
	v24 =	vld [tilespmem:$0x12B60]  }
0x1cc: {  	[tilespmem:$0x1FD30] =	vst v32;
	v32 =	vld [tilespmem:$0x12C60]  }
0x1cd: {  	[tilespmem:$0x1FDB0] =	vst v37;
	v37 =	vld [tilespmem:$0x12D60]  }
0x1ce: {  	[tilespmem:$0x1FBA0] =	vst v0;
	v0 =	vld [tilespmem:$0x12C20]  }
0x1cf: {  	[tilespmem:$0x1FF00] =	vst v61;
	v61 =	vld [tilespmem:$0x12780]  }
0x1d0: {  	[tilespmem:$0x1FE30] =	vst v44;
	v44 =	vld [tilespmem:$0x12E60]  }
0x1d1: {  	[tilespmem:$0x1FC90] =	vst v51;
	v51 =	vld [tilespmem:$0x12F60]  }
0x1d2: {  	[tilespmem:$0x1FCC0] =	vst v60;
	v60 =	vld [tilespmem:$0x13060]  }
0x1d3: {  	[tilespmem:$0x1FB00] =	vst v0;
	v0 =	vld [tilespmem:$0x12D20]  }
0x1d4: {  	[tilespmem:$0x1FF10] =	vst v61;
	v61 =	vld [tilespmem:$0x12880]  }
0x1d5: {  	[tilespmem:$0x1FFB0] =	vst v31;
	v31 =	vld [tilespmem:$0x12B90]  }
0x1d6: {  	v16 =	vadd.f32 v27, v7;
	v7 =	vld [tilespmem:$0x12390]  }
0x1d7: {  	v23 =	vld [tilespmem:$0x1FA80]  }
0x1d8: {  	[tilespmem:$0x1FB30] =	vst v0;
	v0 =	vld [tilespmem:$0x12E20]  }
0x1d9: {  	[tilespmem:$0x1FF20] =	vst v61;
	v61 =	vld [tilespmem:$0x12980]  }
0x1da: {  	v27 =	vld [tilespmem:$0x12C90]  }
0x1db: {  	v18 =	vadd.f32 v43, v16;
	v43 =	vld [tilespmem:$0x12590]  }
0x1dc: {  	v6 =	vadd.f32 v6, v33;
	v33 =	vld [tilespmem:$0x129C0]  }
0x1dd: {  	[tilespmem:$0x1FB60] =	vst v0;
	v0 =	vld [tilespmem:$0x12F20]  }
0x1de: {  	[tilespmem:$0x1FF30] =	vst v61;
	v61 =	vld [tilespmem:$0x12A80]  }
0x1df: {  	[tilespmem:$0x1FD20] =	vst v20;
	v20 =	vld [tilespmem:$0x12370]  }
0x1e0: {  	[tilespmem:$0x1FD60] =	vst v24;
	v24 =	vld [tilespmem:$0x12470]  }
0x1e1: {  	[tilespmem:$0x1FDA0] =	vst v32;
	v32 =	vld [tilespmem:$0x12570]  }
0x1e2: {  	[tilespmem:$0x1FB90] =	vst v0;
	v0 =	vld [tilespmem:$0x13020]  }
0x1e3: {  	[tilespmem:$0x1FF40] =	vst v61;
	v61 =	vld [tilespmem:$0x12B80]  }
0x1e4: {  	[tilespmem:$0x1FDE0] =	vst v37;
	v37 =	vld [tilespmem:$0x12670]  }
0x1e5: {  	[tilespmem:$0x1FE20] =	vst v44;
	v44 =	vld [tilespmem:$0x12770]  }
0x1e6: {  	[tilespmem:$0x1FE60] =	vst v51;
	v51 =	vld [tilespmem:$0x12870]  }
0x1e7: {  	[tilespmem:$0x1FBC0] =	vst v0;
	v0 =	vld [tilespmem:$0x12230]  }
0x1e8: {  	v6 =	vadd.f32 v7, v6;
	[tilespmem:$0x1FF60] =	vst v61;
	v61 =	vld [tilespmem:$0x12C80]  }
0x1e9: {  	[tilespmem:$0x1FE90] =	vst v60;
	v60 =	vld [tilespmem:$0x12970]  }
0x1ea: {  	v6 =	vadd.f32 v11, v6;
	v11 =	vld [tilespmem:$0x12DC0]  }
0x1eb: {  	[tilespmem:$0x1FF80] =	vst v27;
	v27 =	vld [tilespmem:$0x1FB80]  }
0x1ec: {  	v16 =	vld [tilespmem:$0x1FB00]  }
0x1ed: {  	[tilespmem:$0x1FF70] =	vst v61;
	v61 =	vld [tilespmem:$0x12D80];
	v0 =	vadd.f32 v0, v3  }
0x1ee: {  	v3 =	vld [tilespmem:$0x12F80]  }
0x1ef: {  	v0 =	vadd.f32 v4, v0;
	v4 =	vadd.f32 v17, v13;
	v13 =	vld [tilespmem:$0x1FAF0]  }
0x1f0: {  	v17 =	vld [tilespmem:$0x1FB10]  }
0x1f1: {  	v0 =	vadd.f32 v5, v0;
	v5 =	vadd.f32 v47, v18;
	v47 =	vld [tilespmem:$0x12790]  }
0x1f2: {  	v18 =	vld [tilespmem:$0x1FB20]  }
0x1f3: {  	v4 =	vadd.f32 v21, v4;
	v21 =	vld [tilespmem:$0x1FB40]  }
0x1f4: {  	[tilespmem:$0x1FF90] =	vst v61;
	v61 =	vld [tilespmem:$0x13080]  }
0x1f5: {  	[tilespmem:$0x1FFD0] =	vst v3;
	v3 =	vadd.f32 v38, v26;
	v38 =	vld [tilespmem:$0x12690]  }
0x1f6: {  	v26 =	vld [tilespmem:$0x1FA90]  }
0x1f7: {  	v5 =	vadd.f32 v58, v5;
	v58 =	vld [tilespmem:$0x12990]  }
0x1f8: {  	v0 =	vadd.f32 v8, v0;
	v4 =	vadd.f32 v25, v4;
	v25 =	vld [tilespmem:$0x12A90]  }
0x1f9: {  	v3 =	vadd.f32 v42, v3;
	v42 =	vld [tilespmem:$0x1FAB0]  }
0x1fa: {  	v8 =	vadd.f32 v10, v0;
	v0 =	vld [tilespmem:$0x1FA70]  }
0x1fb: {  	v4 =	vadd.f32 v34, v4;
	v34 =	vld [tilespmem:$0x1FAA0]  }
0x1fc: {  	v5 =	vadd.f32 v56, v5;
	v56 =	vld [tilespmem:$0x1FAC0]  }
0x1fd: {  	v10 =	vld [tilespmem:$0x121A0]  }
0x1fe: {  	v3 =	vadd.f32 v53, v3;
	v53 =	vld [tilespmem:$0x12E90]  }
0x1ff: {  	v4 =	vadd.f32 v39, v4;
	v39 =	vld [tilespmem:$0x12D90]  }
0x200: {  	[tilespmem:$0x1FFF0] =	vst v61;
	v61 =	vld [tilespmem:$0x12F90]  }
0x201: {  	v8 =	vadd.f32 v12, v8;
	v12 =	vld [tilespmem:$0x1FAE0]  }
0x202: {  	v3 =	vadd.f32 v63, v3;
	v63 =	vld [tilespmem:$0x1FAD0]  }
0x203: {  	[tilespmem:$0x1FF50] =	vst v25;
	v25 =	vld [tilespmem:$0x1FB70]  }
0x204: {  	v8 =	vadd.f32 v19, v8;
	v19 =	vld [tilespmem:$0x1FB30]  }
0x205: {  	v4 =	vadd.f32 v46, v4;
	v46 =	vld [tilespmem:$0x1FBC0]  }
0x206: {  	v3 =	vadd.f32 v0, v3;
	v0 =	vld [tilespmem:$0x12890]  }
0x207: {  	v5 =	vadd.f32 v34, v5;
	v34 =	vld [tilespmem:$0x1FBA0]  }
0x208: {  	v8 =	vadd.f32 v22, v8;
	v22 =	vld [tilespmem:$0x1FB50]  }
0x209: {  	[tilespmem:$0x1FFC0] =	vst v53;
	v53 =	vld [tilespmem:$0x1FBF0]  }
0x20a: {  	v4 =	vadd.f32 v54, v4;
	v54 =	vadd.f32 v45, v48;
	v45 =	vld [tilespmem:$0x1FCA0]  }
0x20b: {  	v48 =	vld [tilespmem:$0x1FCC0]  }
0x20c: {  	[tilespmem:$0x1FFA0] =	vst v39;
	v39 =	vld [tilespmem:$0x125A0]  }
0x20d: {  	v3 =	vadd.f32 v23, v3;
	v23 =	vld [tilespmem:$0x1FB60]  }
0x20e: {  	v5 =	vadd.f32 v56, v5;
	v56 =	vld [tilespmem:$0x1FC00]  }
0x20f: {  	[tilespmem:$0x1FFE0] =	vst v61;
	v61 =	vadd.f32 v14, v15;
	v15 =	vld [tilespmem:$0x12FA0]  }
0x210: {  	v14 =	vld [tilespmem:$0x1FC20]  }
0x211: {  	v8 =	vadd.f32 v29, v8;
	v29 =	vld [tilespmem:$0x123A0]  }
0x212: {  	v4 =	vadd.f32 v16, v4;
	v16 =	vld [tilespmem:$0x12DA0]  }
0x213: {  	v5 =	vadd.f32 v12, v5;
	v12 =	vld [tilespmem:$0x122A0]  }
0x214: {  	v3 =	vadd.f32 v26, v3;
	v26 =	vld [tilespmem:$0x126A0]  }
0x215: {  	v8 =	vadd.f32 v36, v8;
	v36 =	vld [tilespmem:$0x124A0]  }
0x216: {  	v3 =	vadd.f32 v42, v3;
	v42 =	vld [tilespmem:$0x127A0]  }
0x217: {  	v5 =	vadd.f32 v17, v5;
	v17 =	vld [tilespmem:$0x12CA0]  }
0x218: {  	v8 =	vadd.f32 v40, v8;
	v40 =	vld [tilespmem:$0x1FBB0]  }
0x219: {  	v3 =	vadd.f32 v63, v3;
	v63 =	vld [tilespmem:$0x13090]  }
0x21a: {  	v5 =	vadd.f32 v21, v5;
	v8 =	vadd.f32 v50, v8;
	v50 =	vld [tilespmem:$0x1FBE0]  }
0x21b: {  	v12 =	vadd.f32 v12, v10;
	v10 =	vld [tilespmem:$0x12BC0]  }
0x21c: {  	v3 =	vadd.f32 v13, v3;
	v5 =	vadd.f32 v25, v5;
	v13 =	vld [tilespmem:$0x1FC10]  }
0x21d: {  	v8 =	vadd.f32 v57, v8;
	v57 =	vadd.f32 v28, v30;
	v28 =	vld [tilespmem:$0x1FC40]  }
0x21e: {  	v30 =	vld [tilespmem:$0x1FC50]  }
0x21f: {  	v4 =	vadd.f32 v19, v4;
	v19 =	vadd.f32 v34, v5;
	v34 =	vld [tilespmem:$0x129A0]  }
0x220: {  	v3 =	vadd.f32 v18, v3;
	v18 =	vld [tilespmem:$0x12EA0]  }
0x221: {  	v5 =	vadd.f32 v35, v57;
	v35 =	vld [tilespmem:$0x1FC70]  }
0x222: {  	v57 =	vld [tilespmem:$0x1FD50];
	v3 =	vadd.f32 v22, v3  }
0x223: {  	v22 =	vld [tilespmem:$0x12BA0]  }
0x224: {  	v5 =	vadd.f32 v41, v5;
	v25 =	vadd.f32 v27, v3;
	v3 =	vld [tilespmem:$0x1FB90]  }
0x225: {  	v41 =	vld [tilespmem:$0x1FC90]  }
0x226: {  	v27 =	vld [tilespmem:$0x128A0];
	v5 =	vadd.f32 v49, v5  }
0x227: {  	v4 =	vadd.f32 v23, v4;
	v49 =	vld [tilespmem:$0x1FCD0]  }
0x228: {  	v5 =	vadd.f32 v55, v5;
	v55 =	vld [tilespmem:$0x1FD30]  }
0x229: {  	v3 =	vadd.f32 v3, v4;
	v4 =	vadd.f32 v40, v8;
	v40 =	vld [tilespmem:$0x12AA0]  }
0x22a: {  	v8 =	vadd.f32 v20, v61;
	v20 =	vld [tilespmem:$0x1FC30]  }
0x22b: {  	v5 =	vadd.f32 v41, v5;
	v41 =	vld [tilespmem:$0x128B0]  }
0x22c: {  	v61 =	vld [tilespmem:$0x1FD80]  }
0x22d: {  	v23 =	vadd.f32 v46, v3;
	v3 =	vld [tilespmem:$0x1FBD0]  }
0x22e: {  	v8 =	vadd.f32 v24, v8;
	v24 =	vld [tilespmem:$0x122B0]  }
0x22f: {  	v46 =	vld [tilespmem:$0x1FCB0]  }
0x230: {  	v21 =	vadd.f32 v53, v4;
	v4 =	vadd.f32 v52, v54;
	v52 =	vld [tilespmem:$0x1FD00]  }
0x231: {  	v53 =	vld [tilespmem:$0x1FD10]  }
0x232: {  	v54 =	vld [tilespmem:$0x1FD20]  }
0x233: {  	v5 =	vadd.f32 v48, v5;
	v48 =	vld [tilespmem:$0x12CB0]  }
0x234: {  	v4 =	vadd.f32 v59, v4;
	v8 =	vadd.f32 v32, v8;
	v32 =	vld [tilespmem:$0x1FC60]  }
0x235: {  	v59 =	vld [tilespmem:$0x1FD60]  }
0x236: {  	v4 =	vadd.f32 v20, v4;
	v20 =	vld [tilespmem:$0x121B0]  }
0x237: {  	v8 =	vadd.f32 v37, v8;
	v37 =	vld [tilespmem:$0x1FC80]  }
0x238: {  	v3 =	vadd.f32 v50, v3;
	v50 =	vld [tilespmem:$0x1FCE0]  }
0x239: {  	v4 =	vadd.f32 v30, v4;
	v30 =	vld [tilespmem:$0x124B0]  }
0x23a: {  	v8 =	vadd.f32 v44, v8;
	v44 =	vld [tilespmem:$0x129B0]  }
0x23b: {  	v3 =	vadd.f32 v56, v3;
	v56 =	vld [tilespmem:$0x1FD40]  }
0x23c: {  	v4 =	vadd.f32 v35, v4;
	v35 =	vld [tilespmem:$0x126B0]  }
0x23d: {  	v8 =	vadd.f32 v51, v8;
	v51 =	vld [tilespmem:$0x1FCF0]  }
0x23e: {  	v3 =	vadd.f32 v13, v3;
	v13 =	vld [tilespmem:$0x130A0]  }
0x23f: {  	v7 =	vadd.f32 v24, v20;
	v24 =	vld [tilespmem:$0x1FEE0]  }
0x240: {  	v20 =	vadd.f32 v29, v12;
	v12 =	vld [tilespmem:$0x12CC0]  }
0x241: {  	v29 =	vld [tilespmem:$0x1FEF0]  }
0x242: {  	v4 =	vadd.f32 v45, v4;
	v45 =	vld [tilespmem:$0x12AB0]  }
0x243: {  	v8 =	vadd.f32 v60, v8;
	v60 =	vld [tilespmem:$0x1FD70]  }
0x244: {  	v3 =	vadd.f32 v14, v3;
	v14 =	vld [tilespmem:$0x1FD90]  }
0x245: {  	v20 =	vadd.f32 v36, v20;
	v36 =	vld [tilespmem:$0x1FF00]  }
0x246: {  	v4 =	vadd.f32 v49, v4;
	v49 =	vld [tilespmem:$0x12DB0]  }
0x247: {  	v8 =	vadd.f32 v56, v8;
	v56 =	vld [tilespmem:$0x1FDE0]  }
0x248: {  	v3 =	vadd.f32 v28, v3;
	v28 =	vld [tilespmem:$0x123B0]  }
0x249: {  	v5 =	vadd.f32 v51, v5;
	v51 =	vld [tilespmem:$0x12FB0]  }
0x24a: {  	v20 =	vadd.f32 v39, v20;
	v39 =	vld [tilespmem:$0x1FF20]  }
0x24b: {  	v4 =	vadd.f32 v52, v4;
	v52 =	vld [tilespmem:$0x1FDA0]  }
0x24c: {  	v8 =	vadd.f32 v61, v8;
	v61 =	vld [tilespmem:$0x1FE20]  }
0x24d: {  	v3 =	vadd.f32 v32, v3;
	v32 =	vld [tilespmem:$0x125B0]  }
0x24e: {  	v5 =	vadd.f32 v54, v5;
	v54 =	vld [tilespmem:$0x1FDC0]  }
0x24f: {  	v20 =	vadd.f32 v26, v20;
	v26 =	vld [tilespmem:$0x122D0]  }
0x250: {  	v4 =	vadd.f32 v55, v4;
	v55 =	vld [tilespmem:$0x1FDD0];
	v3 =	vadd.f32 v37, v3  }
0x251: {  	v37 =	vld [tilespmem:$0x127B0]  }
0x252: {  	v5 =	vadd.f32 v59, v5;
	v59 =	vld [tilespmem:$0x1FE00];
	v3 =	vadd.f32 v46, v3  }
0x253: {  	v20 =	vadd.f32 v42, v20;
	v42 =	vld [tilespmem:$0x1FF40]  }
0x254: {  	v4 =	vadd.f32 v60, v4;
	v60 =	vld [tilespmem:$0x1FE10];
	v3 =	vadd.f32 v50, v3  }
0x255: {  	v7 =	vadd.f32 v28, v7;
	v28 =	vadd.f32 v43, v6;
	v6 =	vld [tilespmem:$0x12FC0]  }
0x256: {  	v46 =	vld [tilespmem:$0x12BB0];
	v3 =	vadd.f32 v53, v3  }
0x257: {  	v5 =	vadd.f32 v52, v5;
	v52 =	vld [tilespmem:$0x130B0]  }
0x258: {  	v53 =	vld [tilespmem:$0x1FDB0];
	v3 =	vadd.f32 v57, v3  }
0x259: {  	v20 =	vadd.f32 v27, v20;
	v27 =	vld [tilespmem:$0x126D0];
	v8 =	vadd.f32 v54, v8  }
0x25a: {  	v57 =	vld [tilespmem:$0x1FDF0];
	v3 =	vadd.f32 v14, v3  }
0x25b: {  	v8 =	vadd.f32 v59, v8;
	v59 =	vld [tilespmem:$0x1FE50]  }
0x25c: {  	v54 =	vld [tilespmem:$0x122C0];
	v3 =	vadd.f32 v55, v3  }
0x25d: {  	v43 =	vadd.f32 v30, v7;
	v14 =	vld [tilespmem:$0x1FE30];
	v4 =	vadd.f32 v53, v4  }
0x25e: {  	v7 =	vld [tilespmem:$0x130C0];
	v5 =	vadd.f32 v56, v5;
	v3 =	vadd.f32 v60, v3  }
0x25f: {  	v4 =	vadd.f32 v57, v4;
	v57 =	vld [tilespmem:$0x1FE40]  }
0x260: {  	v9 =	vadd.f32 v61, v5;
	v5 =	vadd.f32 v59, v3;
	v3 =	vld [tilespmem:$0x1FE60]  }
0x261: {  	v61 =	vld [tilespmem:$0x1FE80]  }
0x262: {  	v4 =	vadd.f32 v14, v4;
	v14 =	vld [tilespmem:$0x1FE90]  }
0x263: {  	v30 =	vld [tilespmem:$0x121D0]  }
0x264: {  	v28 =	vadd.f32 v38, v28;
	v38 =	vld [tilespmem:$0x1FF10];
	v8 =	vadd.f32 v57, v8  }
0x265: {  	v50 =	vld [tilespmem:$0x12EB0];
	v3 =	vadd.f32 v3, v9  }
0x266: {  	v8 =	vadd.f32 v61, v8;
	v61 =	vld [tilespmem:$0x1FEB0]  }
0x267: {  	v9 =	vadd.f32 v14, v3;
	v3 =	vld [tilespmem:$0x1FEA0]  }
0x268: {  	v56 =	vld [tilespmem:$0x124C0]  }
0x269: {  	v20 =	vadd.f32 v34, v20;
	v34 =	vld [tilespmem:$0x128D0]  }
0x26a: {  	v28 =	vadd.f32 v47, v28;
	v47 =	vld [tilespmem:$0x1FF30]  }
0x26b: {  	v20 =	vadd.f32 v40, v20;
	v40 =	vld [tilespmem:$0x12FD0]  }
0x26c: {  	v0 =	vadd.f32 v0, v28;
	v14 =	vadd.f32 v61, v3;
	v3 =	vld [tilespmem:$0x1FEC0]  }
0x26d: {  	v20 =	vadd.f32 v22, v20;
	v22 =	vld [tilespmem:$0x12CD0]  }
0x26e: {  	v0 =	vadd.f32 v58, v0;
	v58 =	vld [tilespmem:$0x1FF90]  }
0x26f: {  	v17 =	vadd.f32 v17, v20;
	v20 =	vld [tilespmem:$0x12ED0]  }
0x270: {  	v53 =	vld [tilespmem:$0x121C0]  }
0x271: {  	v3 =	vadd.f32 v3, v8;
	v8 =	vld [tilespmem:$0x1FED0]  }
0x272: {  	v55 =	vld [tilespmem:$0x123C0]  }
0x273: {  	v16 =	vadd.f32 v16, v17;
	v60 =	vld [tilespmem:$0x1FE70]  }
0x274: {  	v17 =	vld [tilespmem:$0x130D0]  }
0x275: {  	v16 =	vadd.f32 v18, v16;
	v18 =	vld [tilespmem:$0x122E0]  }
0x276: {  	v59 =	vld [tilespmem:$0x126C0];
	v8 =	vadd.f32 v8, v14  }
0x277: {  	v57 =	vld [tilespmem:$0x125C0]  }
0x278: {  	v4 =	vadd.f32 v60, v4;
	v60 =	vld [tilespmem:$0x127C0];
	v8 =	vadd.f32 v24, v8  }
0x279: {  	v61 =	vld [tilespmem:$0x128C0]  }
0x27a: {  	v14 =	vld [tilespmem:$0x12AC0];
	v24 =	vadd.f32 v29, v8;
	v29 =	vadd.f32 v32, v43  }
0x27b: {  	v8 =	vld [tilespmem:$0x12EC0]  }
0x27c: {  	v32 =	vld [tilespmem:$0x123D0];
	v29 =	vadd.f32 v35, v29  }
0x27d: {  	v24 =	vadd.f32 v36, v24;
	v35 =	vld [tilespmem:$0x124D0]  }
0x27e: {  	v36 =	vld [tilespmem:$0x127D0];
	v43 =	vadd.f32 v37, v29  }
0x27f: {  	v24 =	vadd.f32 v38, v24;
	v29 =	vld [tilespmem:$0x125D0]  }
0x280: {  	v37 =	vld [tilespmem:$0x129D0];
	v28 =	vadd.f32 v41, v43  }
0x281: {  	v24 =	vadd.f32 v39, v24;
	v43 =	vld [tilespmem:$0x1FF50]  }
0x282: {  	v28 =	vadd.f32 v44, v28;
	v44 =	vld [tilespmem:$0x1FF60]  }
0x283: {  	v38 =	vld [tilespmem:$0x12AD0];
	v24 =	vadd.f32 v47, v24  }
0x284: {  	v39 =	vld [tilespmem:$0x12DD0]  }
0x285: {  	v47 =	vld [tilespmem:$0x1FF80];
	v24 =	vadd.f32 v42, v24  }
0x286: {  	v28 =	vadd.f32 v45, v28;
	v45 =	vld [tilespmem:$0x1FF70];
	v0 =	vadd.f32 v43, v0  }
0x287: {  	v24 =	vadd.f32 v44, v24;
	v44 =	vld [tilespmem:$0x1FFA0]  }
0x288: {  	v41 =	vld [tilespmem:$0x121E0];
	v28 =	vadd.f32 v46, v28;
	v0 =	vadd.f32 v31, v0  }
0x289: {  	v46 =	vld [tilespmem:$0x1FFC0]  }
0x28a: {  	v28 =	vadd.f32 v48, v28;
	v48 =	vld [tilespmem:$0x1FFE0];
	v0 =	vadd.f32 v47, v0  }
0x28b: {  	v24 =	vadd.f32 v45, v24;
	v45 =	vld [tilespmem:$0x1FFB0]  }
0x28c: {  	v26 =	vadd.f32 v26, v30;
	v42 =	vld [tilespmem:$0x121F0];
	v0 =	vadd.f32 v44, v0  }
0x28d: {  	v15 =	vadd.f32 v15, v16;
	v47 =	vld [tilespmem:$0x1FFD0];
	v28 =	vadd.f32 v49, v28  }
0x28e: {  	v31 =	vld [tilespmem:$0x12BD0];
	v24 =	vadd.f32 v58, v24;
	v0 =	vadd.f32 v46, v0  }
0x28f: {  	v13 =	vadd.f32 v13, v15;
	v49 =	vld [tilespmem:$0x1FFF0];
	v28 =	vadd.f32 v50, v28  }
0x290: {  	v50 =	vld [tilespmem:$0x122F0];
	v24 =	vadd.f32 v45, v24;
	v0 =	vadd.f32 v48, v0  }
0x291: {  	v58 =	vadd.f32 v54, v53;
	v28 =	vadd.f32 v51, v28;
	v51 =	vld [tilespmem:$0x123E0]  }
0x292: {  	v24 =	vadd.f32 v47, v24;
	v0 =	vadd.f32 v63, v0;
	v63 =	vld [tilespmem:$0x123F0]  }
0x293: {  	v26 =	vadd.f32 v32, v26;
	v18 =	vadd.f32 v18, v41;
	v48 =	vld [tilespmem:$0x124E0]  }
0x294: {  	v15 =	vadd.f32 v55, v58;
	v24 =	vadd.f32 v49, v24;
	v49 =	vld [tilespmem:$0x124F0]  }
0x295: {  	v26 =	vadd.f32 v35, v26;
	v16 =	vadd.f32 v50, v42;
	v50 =	vld [tilespmem:$0x125E0]  }
0x296: {  	v15 =	vadd.f32 v56, v15;
	v18 =	vadd.f32 v51, v18;
	v51 =	vld [tilespmem:$0x125F0]  }
0x297: {  	v28 =	vadd.f32 v52, v28;
	v52 =	vld [tilespmem:$0x126E0];
	v16 =	vadd.f32 v63, v16  }
0x298: {  	v26 =	vadd.f32 v29, v26;
	v53 =	vld [tilespmem:$0x126F0];
	v18 =	vadd.f32 v48, v18  }
0x299: {  	v54 =	vld [tilespmem:$0x127E0];
	v15 =	vadd.f32 v57, v15;
	v16 =	vadd.f32 v49, v16  }
0x29a: {  	v26 =	vadd.f32 v27, v26;
	v55 =	vld [tilespmem:$0x127F0];
	v18 =	vadd.f32 v50, v18  }
0x29b: {  	v56 =	vld [tilespmem:$0x128E0];
	v15 =	vadd.f32 v59, v15;
	v16 =	vadd.f32 v51, v16  }
0x29c: {  	v26 =	vadd.f32 v36, v26;
	v57 =	vld [tilespmem:$0x128F0];
	v18 =	vadd.f32 v52, v18  }
0x29d: {  	v58 =	vld [tilespmem:$0x129E0];
	v15 =	vadd.f32 v60, v15;
	v16 =	vadd.f32 v53, v16  }
0x29e: {  	v26 =	vadd.f32 v34, v26;
	v59 =	vld [tilespmem:$0x129F0];
	v18 =	vadd.f32 v54, v18  }
0x29f: {  	v60 =	vld [tilespmem:$0x12AE0];
	v15 =	vadd.f32 v61, v15;
	v16 =	vadd.f32 v55, v16  }
0x2a0: {  	v26 =	vadd.f32 v37, v26;
	v61 =	vld [tilespmem:$0x12AF0];
	v18 =	vadd.f32 v56, v18  }
0x2a1: {  	v63 =	vld [tilespmem:$0x12BE0];
	v15 =	vadd.f32 v33, v15;
	v16 =	vadd.f32 v57, v16  }
0x2a2: {  	v37 =	vld [tilespmem:$0x12BF0];
	v26 =	vadd.f32 v38, v26;
	v36 =	vadd.f32 v58, v18  }
0x2a3: {  	v38 =	vld [tilespmem:$0x12CE0];
	v14 =	vadd.f32 v14, v15;
	v16 =	vadd.f32 v59, v16  }
0x2a4: {  	[tilespmem:$0x12010] =	vst v19;
	v43 =	vadd.f32 v31, v26;
	v42 =	vld [tilespmem:$0x12CF0];
	v41 =	vadd.f32 v60, v36  }
0x2a5: {  	[tilespmem:$0x12000] =	vst v25;
	v44 =	vld [tilespmem:$0x12DE0];
	v10 =	vadd.f32 v10, v14;
	v16 =	vadd.f32 v61, v16  }
0x2a6: {  	[tilespmem:$0x12020] =	vst v23;
	v46 =	vld [tilespmem:$0x12DF0];
	v19 =	vadd.f32 v22, v43;
	v45 =	vadd.f32 v63, v41  }
0x2a7: {  	[tilespmem:$0x12030] =	vst v21;
	v47 =	vld [tilespmem:$0x12EE0];
	v10 =	vadd.f32 v12, v10;
	v16 =	vadd.f32 v37, v16  }
0x2a8: {  	[tilespmem:$0x12040] =	vst v5;
	v50 =	vld [tilespmem:$0x12EF0];
	v51 =	vadd.f32 v39, v19;
	v49 =	vadd.f32 v38, v45  }
0x2a9: {  	[tilespmem:$0x120A0] =	vst v13;
	v53 =	vld [tilespmem:$0x12FE0];
	v48 =	vadd.f32 v11, v10;
	v52 =	vadd.f32 v42, v16  }
0x2aa: {  	[tilespmem:$0x12070] =	vst v3;
	v3 =	vadd.f32 v20, v51;
	v55 =	vld [tilespmem:$0x12FF0];
	v54 =	vadd.f32 v44, v49  }
0x2ab: {  	[tilespmem:$0x12050] =	vst v4;
	v57 =	vld [tilespmem:$0x130E0];
	v5 =	vadd.f32 v8, v48;
	v56 =	vadd.f32 v46, v52  }
0x2ac: {  	[tilespmem:$0x12090] =	vst v0;
	v0 =	vadd.f32 v40, v3;
	v59 =	vld [tilespmem:$0x130F0];
	v58 =	vadd.f32 v47, v54  }
0x2ad: {  	[tilespmem:$0x12060] =	vst v9;
	v5 =	vadd.f32 v6, v5;
	v3 =	vadd.f32 v50, v56  }
0x2ae: {  	[tilespmem:$0x120B0] =	vst v28;
	v0 =	vadd.f32 v17, v0;
	v61 =	vadd.f32 v53, v58  }
0x2af: {  	[tilespmem:$0x12080] =	vst v24;
	v60 =	vadd.f32 v7, v5;
	v3 =	vadd.f32 v55, v3  }
0x2b0: {  	[tilespmem:$0x120D0] =	vst v0;
	v63 =	vadd.f32 v57, v61  }
0x2b1: {  	[tilespmem:$0x120C0] =	vst v60;
	v0 =	vadd.f32 v59, v3  }
0x2b2: {  	p0 =	sne.s32 s12, $0x600;
	s11 =	simm.s32 $0x0;
	s22 =	rddreg [dreg:$0x13];
	[tilespmem:$0x120E0] =	vst v63  }
.Ltmp7:
0x2b3: {  	s5 =	sadd.s32 s12, s22;
	s22 =	simm.s32 $0x12000;
	[tilespmem:$0x120F0] =	vst v0;
	(pc) =	sbr.rel @p0 .LBB2_13-.Ltmp7, $4  }
0x2b4: {  	[hbm4b:s5+s11] =	stream.linear.scatter [tilespmem:s22], [sflag:$0x11], $0x100, $0x38;
	[tilespmem:$0x1F100] =	vst v63  }
0x2b5: {  	s30 =	sadd.s32 $0x20000, s30;
	_ =	swait.ge [sflag:s6], $0x100  }
0x2b6: {  	s19 =	sadd.s32 $0x4000, s19;
	s3 =	sadd.s32 $0x10000, s3;
	[sflag:s6] =	ssyncset.done $0x0  }
0x2b7: {  	s12 =	sadd.s32 $0x200, s12;
	[sflag:s6] =	ssyncadd.s32 $0xFFFFFF00;
	s6 =	stileid.u32  }
0x2b8: {  	s5 =	rddreg [dreg:$0x15]  }
0x2b9: {  	s3 =	rddreg [dreg:$0xf];
	s5 =	sadd.s32 $0x1, s5  }
0x2ba: {  	p0 =	sne.s32 s5, s3  }
.Ltmp8:
0x2bb: {  	_ = 	snop;
	(pc) =	sbr.rel @p0 .LBB2_1-.Ltmp8, $1  }
0x2bc: {  	_ =	sdelay $0x3  }
0x2bd: {  	_ =	sfence.sel $0x180000  }
0x2be: {  	[bflag:$0x0] =	sbarrier.arrive $0xFFFF  }
0x2bf: {  	_ =	strace $0x90000047  }
0x2c0: {  	[bflag:$0x2] =	sbarrier.arrive $0xFFFF  }
0x2c1: {  	p0 =	sne.s32 s6, $0x0;
	s0 =	rddreg [dreg:$0x4]  }
0x2c2: {  	s0 =	sadd.s32 @!p0 $0x100000, s0  }
0x2c3: {  	[sflag:s0] =	ssyncadd.tile.s32 @!p0 $0x1;
	_ =	shalt  }
.Lfunc_end2:
_tile_overlayer_lowered:
.L_overlay_start_2:
0x2c4: {  	(tag) =	ssettag $0x2  }
0x2c5: {  	s0 =	rddreg [dreg:$0x0];
	s2 =	stileid.u32  }
0x2c6: {  	s1 =	rddreg [dreg:$0x1];
	p0 =	sne.s32 s2, $0x0  }
0x2c7: {  	s3 =	rddreg [dreg:$0x2];
	[bflag:$0x3] =	sbarrier.arrive $0xFFFF;
	s2 =	simm.s32 @!p0 $0x1C11  }
0x2c8: {  	[timem:s3], [sflag:s2] =	dma.local @!p0 [hbm:s0], s1  }
0x2c9: {  	s0 =	simm.s32 @!p0 $0x11  }
0x2ca: {  	_ =	swait.ge @!p0 [sflag:s0], s1  }
0x2cb: {  	s1 =	ssub.s32 @!p0 $0x0, s1;
	[sflag:s0] =	ssyncset.done @!p0 $0x0  }
0x2cc: {  	[sflag:s0] =	ssyncadd.s32 @!p0 s1  }
0x2cd: {  	[bflag:$0x3] =	sbarrier.arrive $0xFFFF  }
0x2ce: {  	_ =	shalt  }

</sc_bundles>
